<compile_context>
chip_gen: v7x
topology: tpu7x:2x2x1
jax: 0.10.2.dev20260603
libtpu: 0.0.44.dev20260713+nightly
codegen_flags: <defaults>
</compile_context>

<pallas_src>
import functools

import jax
import jax.numpy as jnp
from jax import lax
from jax.experimental import pallas as pl
from jax.experimental.pallas import tpu as pltpu
from jax.experimental.pallas import tpu_sc as plsc

B = 16384
D = 51
NROWS = 1000001
NC = 2
NS = 16
L = 16
NW = NC * NS
BPW = B // NW
GROUPS = BPW // L
CH = 32
CG = CH // L
NCHUNK = BPW // CH
W = 16
TMAX = ((NROWS - W) // 8) * 8

_mesh = plsc.VectorSubcoreMesh(
    core_axis_name="c", subcore_axis_name="s", num_cores=NC, num_subcores=NS
)


@functools.partial(
    pl.kernel,
    out_type=jax.ShapeDtypeStruct((D * B,), jnp.float32),
    mesh=_mesh,
    scratch_types=[
        pltpu.VMEM((BPW,), jnp.float32),
        pltpu.VMEM((BPW,), jnp.int32),
        pltpu.VMEM((BPW,), jnp.float32),
        pltpu.VMEM((CH * W, D), jnp.float32),
        pltpu.VMEM((D * BPW,), jnp.float32),
        pltpu.SemaphoreType.DMA,
    ],
    compiler_params=pltpu.CompilerParams(
        needs_layout_passes=False, use_tc_tiling_on_sc=True
    ),
)
def _sc_interp(x_hbm, grid_hbm, out_hbm, x_v, t8_v, w_v, ta_v, o_v, sema):
    wid = lax.axis_index("s") * NC + lax.axis_index("c")
    base = wid * BPW

    pltpu.sync_copy(x_hbm.at[pl.ds(base, BPW)], x_v)

    for i in range(GROUPS):
        sl = pl.ds(i * L, L)
        xv = x_v[sl]
        x0 = xv.astype(jnp.int32)
        t8_v[sl] = jnp.minimum((x0 >> 3) << 3, TMAX)
        w_v[sl] = xv - x0.astype(jnp.float32)

    def fetch(c, t_v, sem):
        cbase = c * CH
        n_extra = jnp.int32(0)
        for g in range(CG):
            sl = pl.ds(cbase + g * L, L)
            tv = t8_v[sl]
            xv0 = x_v[sl].astype(jnp.int32)
            spill = xv0 + 1 - tv >= 8
            spilli = spill.astype(jnp.int32)
            n_extra = n_extra + plsc.all_reduce_population_count(spill)[0]
            for k in range(L):
                sl_local = g * L + k
                base8 = pl.multiple_of(tv[k], 8)
                pltpu.async_copy(
                    grid_hbm.at[pl.ds(base8, 8)],
                    t_v.at[pl.ds(sl_local * W, 8)],
                    sem,
                )

                @pl.when(spilli[k] == 1)
                def _():
                    pltpu.async_copy(
                        grid_hbm.at[pl.ds(pl.multiple_of(tv[k] + 8, 8), 8)],
                        t_v.at[pl.ds(sl_local * W + 8, 8)],
                        sem,
                    )

        return n_extra

    def drain(t_v, sem, n_extra):
        pltpu.make_async_copy(
            grid_hbm.at[pl.ds(0, CH * 8)], t_v.at[pl.ds(0, CH * 8)], sem
        ).wait()

        def dbody(i, carry):
            pltpu.make_async_copy(
                grid_hbm.at[pl.ds(0, 8)], t_v.at[pl.ds(0, 8)], sem
            ).wait()
            return carry

        lax.fori_loop(0, n_extra, dbody, 0)

    def lerp(c, t_v):
        cbase = c * CH
        for g in range(CG):
            sl = pl.ds(cbase + g * L, L)
            x0 = x_v[sl].astype(jnp.int32)
            krow = x0 - t8_v[sl]
            rowa = (g * L + lax.iota(jnp.int32, L)) * W + krow
            wv = w_v[sl]
            oflat = cbase + g * L + lax.iota(jnp.int32, L)

            def jbody(j, carry):
                col = jnp.full((L,), j, jnp.int32)
                a = plsc.load_gather(t_v, [rowa, col])
                b = plsc.load_gather(t_v, [rowa + 1, col])
                o = (a + wv * (b - a)) * 1000.0
                plsc.store_scatter(o_v, [oflat + j * BPW], o)
                return carry

            lax.fori_loop(0, D, jbody, 0)

    def pipe(c, carry):
        n_extra = fetch(c, ta_v, sema)
        drain(ta_v, sema, n_extra)
        lerp(c, ta_v)
        return carry

    lax.fori_loop(0, NCHUNK, pipe, 0)

    pltpu.sync_copy(o_v, out_hbm.at[pl.ds(wid * (D * BPW), D * BPW)])


def kernel(x, grid):
    flat = _sc_interp(x, grid)
    return flat.reshape(NW, 17, 3, BPW).transpose(0, 3, 1, 2).reshape(B, 17, 3)

# --- scband reference (transcript-rebuilt; emitter-appended) ---
"""Pipeline reference for scband-keypoint-trajectory-20014547599373 (READ-ONLY COPY).

The authoritative reference and input builder live on the scoring server;
editing this copy changes nothing except your own understanding.
"""

import jax, jax.numpy as jnp
import numpy as np

SIZE = 1000000
JOINTS = 17
SPATIAL = 3
BATCH = 16384


def setup_inputs(seed: int = 0) -> dict:
    key = jax.random.key(seed)
    k1, k2 = jax.random.split(key)
    # query positions in [0, size-1) so that x0+1 <= size stays in-bounds of the (size+1)-row grid
    x = jax.random.uniform(k1, (BATCH,), dtype=jnp.float32, minval=0.0, maxval=float(SIZE - 1))
    # lecun_normal init over (size+1, joints*spatial_dims): std = 1/sqrt(fan_in) with fan_in = size+1
    grid = jax.random.normal(k2, (SIZE + 1, JOINTS * SPATIAL), dtype=jnp.float32) * (1.0 / np.sqrt(SIZE + 1))
    return {"x": x, "grid": grid}


def interpolate(feature_grid, x):
    """Interpolate vectors on a regular grid at samples 0, 1, ... n-1."""
    xd, whole = jnp.modf(x)
    x0 = whole.astype(jnp.int32)
    x1 = x0 + 1

    def f(grid):
        return grid[x0] * (1.0 - xd) + grid[x1] * xd

    return jax.vmap(f, -1, -1)(feature_grid)


def reference(x, grid):
    return interpolate(grid, x).reshape(-1, JOINTS, SPATIAL) * 1000.0

if __name__ == "__main__":
    import jax
    _d = setup_inputs()
    print(jax.jit(kernel)(*tuple(_d.values())))

</pallas_src>

<mosaic_0001>
#map = affine_map<(d0, d1) -> (0)>
#map1 = affine_map<(d0, d1) -> (0, 0)>
module attributes {stable_mosaic.version = 14 : i64} {
  func.func @_sc_interp(%arg0: i32, %arg1: i32, %arg2: memref<16384xf32, #tpu.memory_space<hbm>>, %arg3: memref<1000001x51xf32, #tpu.memory_space<hbm>>, %arg4: memref<835584xf32, #tpu.memory_space<hbm>>, %arg5: memref<512xf32, #tpu.memory_space<vmem>>, %arg6: memref<512xi32, #tpu.memory_space<vmem>>, %arg7: memref<512xf32, #tpu.memory_space<vmem>>, %arg8: memref<512x51xf32, #tpu.memory_space<vmem>>, %arg9: memref<26112xf32, #tpu.memory_space<vmem>>, %arg10: memref<!tpu.dma_semaphore, #tpu.memory_space<semaphore_mem>>) attributes {dimension_semantics = [#tpu.dimension_semantics<core_parallel>, #tpu.dimension_semantics<subcore_parallel>], iteration_bounds = array<i64: 2, 16>, scalar_prefetch = 0 : i64, scratch_operands = 6 : i64, tpu.core_type = #tpu.core_type<sc_vector_subcore>, window_params = [{transform_indices = #map}, {transform_indices = #map1}, {transform_indices = #map}]} {
    %mul3A = arith.constant 2 : i32
    %mul3A_0 = arith.muli %arg1, %mul3A : i32
    %add3A = arith.addi %mul3A_0, %arg0 : i32
    %mul3A_1 = arith.constant 512 : i32
    %mul3A_2 = arith.muli %add3A, %mul3A_1 : i32
    "tpu.region"() ({
      %run_scoped3A = tpu.sem_alloc : memref<!tpu.dma_semaphore, #tpu.memory_space<semaphore_mem>>
      %dma_start3A = tpu.memref_slice %arg2[%mul3A_2] : memref<16384xf32, #tpu.memory_space<hbm>> -> memref<512xf32, #tpu.memory_space<hbm>>
      %dma_start3A_579 = tpu.memref_slice %arg2[%mul3A_2] : memref<16384xf32, #tpu.memory_space<hbm>> -> memref<512xf32, #tpu.memory_space<hbm>>
      tpu.enqueue_dma source(%dma_start3A_579 : memref<512xf32, #tpu.memory_space<hbm>>) target(%arg5 : memref<512xf32, #tpu.memory_space<vmem>>) target_semaphore(%run_scoped3A : memref<!tpu.dma_semaphore, #tpu.memory_space<semaphore_mem>>)
      %dma_wait3A = tpu.memref_slice %arg2[%mul3A_2] : memref<16384xf32, #tpu.memory_space<hbm>> -> memref<512xf32, #tpu.memory_space<hbm>>
      %dma_wait3A_580 = tpu.memref_slice %arg2[%mul3A_2] : memref<16384xf32, #tpu.memory_space<hbm>> -> memref<512xf32, #tpu.memory_space<hbm>>
      tpu.wait_dma2 semaphore(%run_scoped3A : memref<!tpu.dma_semaphore, #tpu.memory_space<semaphore_mem>>) src(%dma_wait3A_580 : memref<512xf32, #tpu.memory_space<hbm>>) dst(%arg5 : memref<512xf32, #tpu.memory_space<vmem>>)
      tpu.yield
    }) : () -> ()
    %get3A = arith.constant 0 : index
    %get3A_3 = tpu.vector_load %arg5[%get3A] {strides = array<i32>} : memref<512xf32, #tpu.memory_space<vmem>>, vector<16xf32>,
    %convert_element_type3A = arith.fptosi %get3A_3 : vector<16xf32> to vector<16xi32>
    %shift_right_arithmetic3A = arith.constant 3 : i32
    %shift_right_arithmetic3A_4 = vector.broadcast %shift_right_arithmetic3A : i32 to vector<16xi32>
    %shift_right_arithmetic3A_5 = arith.shrsi %convert_element_type3A, %shift_right_arithmetic3A_4 : vector<16xi32>
    %shift_left3A = arith.constant 3 : i32
    %shift_left3A_6 = vector.broadcast %shift_left3A : i32 to vector<16xi32>
    %shift_left3A_7 = arith.shli %shift_right_arithmetic3A_5, %shift_left3A_6 : vector<16xi32>
    %min3A = arith.constant 999984 : i32
    %min3A_8 = vector.broadcast %min3A : i32 to vector<16xi32>
    %min3A_9 = arith.minsi %shift_left3A_7, %min3A_8 : vector<16xi32>
    %swap3A = arith.constant 0 : index
    %swap3A_10 = tpu.vector_load %arg6[%swap3A] {strides = array<i32>} : memref<512xi32, #tpu.memory_space<vmem>>, vector<16xi32>,
    tpu.vector_store %arg6[%swap3A], %min3A_9 {strides = array<i32>} : memref<512xi32, #tpu.memory_space<vmem>>, vector<16xi32>,
    %convert_element_type3A_11 = arith.sitofp %convert_element_type3A : vector<16xi32> to vector<16xf32>
    %sub3A = arith.subf %get3A_3, %convert_element_type3A_11 : vector<16xf32>
    %swap3A_12 = arith.constant 0 : index
    %swap3A_13 = tpu.vector_load %arg7[%swap3A_12] {strides = array<i32>} : memref<512xf32, #tpu.memory_space<vmem>>, vector<16xf32>,
    tpu.vector_store %arg7[%swap3A_12], %sub3A {strides = array<i32>} : memref<512xf32, #tpu.memory_space<vmem>>, vector<16xf32>,
    %get3A_14 = arith.constant 16 : index
    %get3A_15 = tpu.vector_load %arg5[%get3A_14] {strides = array<i32>} : memref<512xf32, #tpu.memory_space<vmem>>, vector<16xf32>,
    %convert_element_type3A_16 = arith.fptosi %get3A_15 : vector<16xf32> to vector<16xi32>
    %shift_right_arithmetic3A_17 = arith.constant 3 : i32
    %shift_right_arithmetic3A_18 = vector.broadcast %shift_right_arithmetic3A_17 : i32 to vector<16xi32>
    %shift_right_arithmetic3A_19 = arith.shrsi %convert_element_type3A_16, %shift_right_arithmetic3A_18 : vector<16xi32>
    %shift_left3A_20 = arith.constant 3 : i32
    %shift_left3A_21 = vector.broadcast %shift_left3A_20 : i32 to vector<16xi32>
    %shift_left3A_22 = arith.shli %shift_right_arithmetic3A_19, %shift_left3A_21 : vector<16xi32>
    %min3A_23 = arith.constant 999984 : i32
    %min3A_24 = vector.broadcast %min3A_23 : i32 to vector<16xi32>
    %min3A_25 = arith.minsi %shift_left3A_22, %min3A_24 : vector<16xi32>
    %swap3A_26 = arith.constant 16 : index
    %swap3A_27 = tpu.vector_load %arg6[%swap3A_26] {strides = array<i32>} : memref<512xi32, #tpu.memory_space<vmem>>, vector<16xi32>,
    tpu.vector_store %arg6[%swap3A_26], %min3A_25 {strides = array<i32>} : memref<512xi32, #tpu.memory_space<vmem>>, vector<16xi32>,
    %convert_element_type3A_28 = arith.sitofp %convert_element_type3A_16 : vector<16xi32> to vector<16xf32>
    %sub3A_29 = arith.subf %get3A_15, %convert_element_type3A_28 : vector<16xf32>
    %swap3A_30 = arith.constant 16 : index
    %swap3A_31 = tpu.vector_load %arg7[%swap3A_30] {strides = array<i32>} : memref<512xf32, #tpu.memory_space<vmem>>, vector<16xf32>,
    tpu.vector_store %arg7[%swap3A_30], %sub3A_29 {strides = array<i32>} : memref<512xf32, #tpu.memory_space<vmem>>, vector<16xf32>,
    %get3A_32 = arith.constant 32 : index
    %get3A_33 = tpu.vector_load %arg5[%get3A_32] {strides = array<i32>} : memref<512xf32, #tpu.memory_space<vmem>>, vector<16xf32>,
    %convert_element_type3A_34 = arith.fptosi %get3A_33 : vector<16xf32> to vector<16xi32>
    %shift_right_arithmetic3A_35 = arith.constant 3 : i32
    %shift_right_arithmetic3A_36 = vector.broadcast %shift_right_arithmetic3A_35 : i32 to vector<16xi32>
    %shift_right_arithmetic3A_37 = arith.shrsi %convert_element_type3A_34, %shift_right_arithmetic3A_36 : vector<16xi32>
    %shift_left3A_38 = arith.constant 3 : i32
    %shift_left3A_39 = vector.broadcast %shift_left3A_38 : i32 to vector<16xi32>
    %shift_left3A_40 = arith.shli %shift_right_arithmetic3A_37, %shift_left3A_39 : vector<16xi32>
    %min3A_41 = arith.constant 999984 : i32
    %min3A_42 = vector.broadcast %min3A_41 : i32 to vector<16xi32>
    %min3A_43 = arith.minsi %shift_left3A_40, %min3A_42 : vector<16xi32>
    %swap3A_44 = arith.constant 32 : index
    %swap3A_45 = tpu.vector_load %arg6[%swap3A_44] {strides = array<i32>} : memref<512xi32, #tpu.memory_space<vmem>>, vector<16xi32>,
    tpu.vector_store %arg6[%swap3A_44], %min3A_43 {strides = array<i32>} : memref<512xi32, #tpu.memory_space<vmem>>, vector<16xi32>,
    %convert_element_type3A_46 = arith.sitofp %convert_element_type3A_34 : vector<16xi32> to vector<16xf32>
    %sub3A_47 = arith.subf %get3A_33, %convert_element_type3A_46 : vector<16xf32>
    %swap3A_48 = arith.constant 32 : index
    %swap3A_49 = tpu.vector_load %arg7[%swap3A_48] {strides = array<i32>} : memref<512xf32, #tpu.memory_space<vmem>>, vector<16xf32>,
    tpu.vector_store %arg7[%swap3A_48], %sub3A_47 {strides = array<i32>} : memref<512xf32, #tpu.memory_space<vmem>>, vector<16xf32>,
    %get3A_50 = arith.constant 48 : index
    %get3A_51 = tpu.vector_load %arg5[%get3A_50] {strides = array<i32>} : memref<512xf32, #tpu.memory_space<vmem>>, vector<16xf32>,
    %convert_element_type3A_52 = arith.fptosi %get3A_51 : vector<16xf32> to vector<16xi32>
    %shift_right_arithmetic3A_53 = arith.constant 3 : i32
    %shift_right_arithmetic3A_54 = vector.broadcast %shift_right_arithmetic3A_53 : i32 to vector<16xi32>
    %shift_right_arithmetic3A_55 = arith.shrsi %convert_element_type3A_52, %shift_right_arithmetic3A_54 : vector<16xi32>
    %shift_left3A_56 = arith.constant 3 : i32
    %shift_left3A_57 = vector.broadcast %shift_left3A_56 : i32 to vector<16xi32>
    %shift_left3A_58 = arith.shli %shift_right_arithmetic3A_55, %shift_left3A_57 : vector<16xi32>
    %min3A_59 = arith.constant 999984 : i32
    %min3A_60 = vector.broadcast %min3A_59 : i32 to vector<16xi32>
    %min3A_61 = arith.minsi %shift_left3A_58, %min3A_60 : vector<16xi32>
    %swap3A_62 = arith.constant 48 : index
    %swap3A_63 = tpu.vector_load %arg6[%swap3A_62] {strides = array<i32>} : memref<512xi32, #tpu.memory_space<vmem>>, vector<16xi32>,
    tpu.vector_store %arg6[%swap3A_62], %min3A_61 {strides = array<i32>} : memref<512xi32, #tpu.memory_space<vmem>>, vector<16xi32>,
    %convert_element_type3A_64 = arith.sitofp %convert_element_type3A_52 : vector<16xi32> to vector<16xf32>
    %sub3A_65 = arith.subf %get3A_51, %convert_element_type3A_64 : vector<16xf32>
    %swap3A_66 = arith.constant 48 : index
    %swap3A_67 = tpu.vector_load %arg7[%swap3A_66] {strides = array<i32>} : memref<512xf32, #tpu.memory_space<vmem>>, vector<16xf32>,
    tpu.vector_store %arg7[%swap3A_66], %sub3A_65 {strides = array<i32>} : memref<512xf32, #tpu.memory_space<vmem>>, vector<16xf32>,
    %get3A_68 = arith.constant 64 : index
    %get3A_69 = tpu.vector_load %arg5[%get3A_68] {strides = array<i32>} : memref<512xf32, #tpu.memory_space<vmem>>, vector<16xf32>,
    %convert_element_type3A_70 = arith.fptosi %get3A_69 : vector<16xf32> to vector<16xi32>
    %shift_right_arithmetic3A_71 = arith.constant 3 : i32
    %shift_right_arithmetic3A_72 = vector.broadcast %shift_right_arithmetic3A_71 : i32 to vector<16xi32>
    %shift_right_arithmetic3A_73 = arith.shrsi %convert_element_type3A_70, %shift_right_arithmetic3A_72 : vector<16xi32>
    %shift_left3A_74 = arith.constant 3 : i32
    %shift_left3A_75 = vector.broadcast %shift_left3A_74 : i32 to vector<16xi32>
    %shift_left3A_76 = arith.shli %shift_right_arithmetic3A_73, %shift_left3A_75 : vector<16xi32>
    %min3A_77 = arith.constant 999984 : i32
    %min3A_78 = vector.broadcast %min3A_77 : i32 to vector<16xi32>
    %min3A_79 = arith.minsi %shift_left3A_76, %min3A_78 : vector<16xi32>
    %swap3A_80 = arith.constant 64 : index
    %swap3A_81 = tpu.vector_load %arg6[%swap3A_80] {strides = array<i32>} : memref<512xi32, #tpu.memory_space<vmem>>, vector<16xi32>,
    tpu.vector_store %arg6[%swap3A_80], %min3A_79 {strides = array<i32>} : memref<512xi32, #tpu.memory_space<vmem>>, vector<16xi32>,
    %convert_element_type3A_82 = arith.sitofp %convert_element_type3A_70 : vector<16xi32> to vector<16xf32>
    %sub3A_83 = arith.subf %get3A_69, %convert_element_type3A_82 : vector<16xf32>
    %swap3A_84 = arith.constant 64 : index
    %swap3A_85 = tpu.vector_load %arg7[%swap3A_84] {strides = array<i32>} : memref<512xf32, #tpu.memory_space<vmem>>, vector<16xf32>,
    tpu.vector_store %arg7[%swap3A_84], %sub3A_83 {strides = array<i32>} : memref<512xf32, #tpu.memory_space<vmem>>, vector<16xf32>,
    %get3A_86 = arith.constant 80 : index
    %get3A_87 = tpu.vector_load %arg5[%get3A_86] {strides = array<i32>} : memref<512xf32, #tpu.memory_space<vmem>>, vector<16xf32>,
    %convert_element_type3A_88 = arith.fptosi %get3A_87 : vector<16xf32> to vector<16xi32>
    %shift_right_arithmetic3A_89 = arith.constant 3 : i32
    %shift_right_arithmetic3A_90 = vector.broadcast %shift_right_arithmetic3A_89 : i32 to vector<16xi32>
    %shift_right_arithmetic3A_91 = arith.shrsi %convert_element_type3A_88, %shift_right_arithmetic3A_90 : vector<16xi32>
    %shift_left3A_92 = arith.constant 3 : i32
    %shift_left3A_93 = vector.broadcast %shift_left3A_92 : i32 to vector<16xi32>
    %shift_left3A_94 = arith.shli %shift_right_arithmetic3A_91, %shift_left3A_93 : vector<16xi32>
    %min3A_95 = arith.constant 999984 : i32
    %min3A_96 = vector.broadcast %min3A_95 : i32 to vector<16xi32>
    %min3A_97 = arith.minsi %shift_left3A_94, %min3A_96 : vector<16xi32>
    %swap3A_98 = arith.constant 80 : index
    %swap3A_99 = tpu.vector_load %arg6[%swap3A_98] {strides = array<i32>} : memref<512xi32, #tpu.memory_space<vmem>>, vector<16xi32>,
    tpu.vector_store %arg6[%swap3A_98], %min3A_97 {strides = array<i32>} : memref<512xi32, #tpu.memory_space<vmem>>, vector<16xi32>,
    %convert_element_type3A_100 = arith.sitofp %convert_element_type3A_88 : vector<16xi32> to vector<16xf32>
    %sub3A_101 = arith.subf %get3A_87, %convert_element_type3A_100 : vector<16xf32>
    %swap3A_102 = arith.constant 80 : index
    %swap3A_103 = tpu.vector_load %arg7[%swap3A_102] {strides = array<i32>} : memref<512xf32, #tpu.memory_space<vmem>>, vector<16xf32>,
    tpu.vector_store %arg7[%swap3A_102], %sub3A_101 {strides = array<i32>} : memref<512xf32, #tpu.memory_space<vmem>>, vector<16xf32>,
    %get3A_104 = arith.constant 96 : index
    %get3A_105 = tpu.vector_load %arg5[%get3A_104] {strides = array<i32>} : memref<512xf32, #tpu.memory_space<vmem>>, vector<16xf32>,
    %convert_element_type3A_106 = arith.fptosi %get3A_105 : vector<16xf32> to vector<16xi32>
    %shift_right_arithmetic3A_107 = arith.constant 3 : i32
    %shift_right_arithmetic3A_108 = vector.broadcast %shift_right_arithmetic3A_107 : i32 to vector<16xi32>
    %shift_right_arithmetic3A_109 = arith.shrsi %convert_element_type3A_106, %shift_right_arithmetic3A_108 : vector<16xi32>
    %shift_left3A_110 = arith.constant 3 : i32
    %shift_left3A_111 = vector.broadcast %shift_left3A_110 : i32 to vector<16xi32>
    %shift_left3A_112 = arith.shli %shift_right_arithmetic3A_109, %shift_left3A_111 : vector<16xi32>
    %min3A_113 = arith.constant 999984 : i32
    %min3A_114 = vector.broadcast %min3A_113 : i32 to vector<16xi32>
    %min3A_115 = arith.minsi %shift_left3A_112, %min3A_114 : vector<16xi32>
    %swap3A_116 = arith.constant 96 : index
    %swap3A_117 = tpu.vector_load %arg6[%swap3A_116] {strides = array<i32>} : memref<512xi32, #tpu.memory_space<vmem>>, vector<16xi32>,
    tpu.vector_store %arg6[%swap3A_116], %min3A_115 {strides = array<i32>} : memref<512xi32, #tpu.memory_space<vmem>>, vector<16xi32>,
    %convert_element_type3A_118 = arith.sitofp %convert_element_type3A_106 : vector<16xi32> to vector<16xf32>
    %sub3A_119 = arith.subf %get3A_105, %convert_element_type3A_118 : vector<16xf32>
    %swap3A_120 = arith.constant 96 : index
    %swap3A_121 = tpu.vector_load %arg7[%swap3A_120] {strides = array<i32>} : memref<512xf32, #tpu.memory_space<vmem>>, vector<16xf32>,
    tpu.vector_store %arg7[%swap3A_120], %sub3A_119 {strides = array<i32>} : memref<512xf32, #tpu.memory_space<vmem>>, vector<16xf32>,
    %get3A_122 = arith.constant 112 : index
    %get3A_123 = tpu.vector_load %arg5[%get3A_122] {strides = array<i32>} : memref<512xf32, #tpu.memory_space<vmem>>, vector<16xf32>,
    %convert_element_type3A_124 = arith.fptosi %get3A_123 : vector<16xf32> to vector<16xi32>
    %shift_right_arithmetic3A_125 = arith.constant 3 : i32
    %shift_right_arithmetic3A_126 = vector.broadcast %shift_right_arithmetic3A_125 : i32 to vector<16xi32>
    %shift_right_arithmetic3A_127 = arith.shrsi %convert_element_type3A_124, %shift_right_arithmetic3A_126 : vector<16xi32>
    %shift_left3A_128 = arith.constant 3 : i32
    %shift_left3A_129 = vector.broadcast %shift_left3A_128 : i32 to vector<16xi32>
    %shift_left3A_130 = arith.shli %shift_right_arithmetic3A_127, %shift_left3A_129 : vector<16xi32>
    %min3A_131 = arith.constant 999984 : i32
    %min3A_132 = vector.broadcast %min3A_131 : i32 to vector<16xi32>
    %min3A_133 = arith.minsi %shift_left3A_130, %min3A_132 : vector<16xi32>
    %swap3A_134 = arith.constant 112 : index
    %swap3A_135 = tpu.vector_load %arg6[%swap3A_134] {strides = array<i32>} : memref<512xi32, #tpu.memory_space<vmem>>, vector<16xi32>,
    tpu.vector_store %arg6[%swap3A_134], %min3A_133 {strides = array<i32>} : memref<512xi32, #tpu.memory_space<vmem>>, vector<16xi32>,
    %convert_element_type3A_136 = arith.sitofp %convert_element_type3A_124 : vector<16xi32> to vector<16xf32>
    %sub3A_137 = arith.subf %get3A_123, %convert_element_type3A_136 : vector<16xf32>
    %swap3A_138 = arith.constant 112 : index
    %swap3A_139 = tpu.vector_load %arg7[%swap3A_138] {strides = array<i32>} : memref<512xf32, #tpu.memory_space<vmem>>, vector<16xf32>,
    tpu.vector_store %arg7[%swap3A_138], %sub3A_137 {strides = array<i32>} : memref<512xf32, #tpu.memory_space<vmem>>, vector<16xf32>,
    %get3A_140 = arith.constant 128 : index
    %get3A_141 = tpu.vector_load %arg5[%get3A_140] {strides = array<i32>} : memref<512xf32, #tpu.memory_space<vmem>>, vector<16xf32>,
    %convert_element_type3A_142 = arith.fptosi %get3A_141 : vector<16xf32> to vector<16xi32>
    %shift_right_arithmetic3A_143 = arith.constant 3 : i32
    %shift_right_arithmetic3A_144 = vector.broadcast %shift_right_arithmetic3A_143 : i32 to vector<16xi32>
    %shift_right_arithmetic3A_145 = arith.shrsi %convert_element_type3A_142, %shift_right_arithmetic3A_144 : vector<16xi32>
    %shift_left3A_146 = arith.constant 3 : i32
    %shift_left3A_147 = vector.broadcast %shift_left3A_146 : i32 to vector<16xi32>
    %shift_left3A_148 = arith.shli %shift_right_arithmetic3A_145, %shift_left3A_147 : vector<16xi32>
    %min3A_149 = arith.constant 999984 : i32
    %min3A_150 = vector.broadcast %min3A_149 : i32 to vector<16xi32>
    %min3A_151 = arith.minsi %shift_left3A_148, %min3A_150 : vector<16xi32>
    %swap3A_152 = arith.constant 128 : index
    %swap3A_153 = tpu.vector_load %arg6[%swap3A_152] {strides = array<i32>} : memref<512xi32, #tpu.memory_space<vmem>>, vector<16xi32>,
    tpu.vector_store %arg6[%swap3A_152], %min3A_151 {strides = array<i32>} : memref<512xi32, #tpu.memory_space<vmem>>, vector<16xi32>,
    %convert_element_type3A_154 = arith.sitofp %convert_element_type3A_142 : vector<16xi32> to vector<16xf32>
    %sub3A_155 = arith.subf %get3A_141, %convert_element_type3A_154 : vector<16xf32>
    %swap3A_156 = arith.constant 128 : index
    %swap3A_157 = tpu.vector_load %arg7[%swap3A_156] {strides = array<i32>} : memref<512xf32, #tpu.memory_space<vmem>>, vector<16xf32>,
    tpu.vector_store %arg7[%swap3A_156], %sub3A_155 {strides = array<i32>} : memref<512xf32, #tpu.memory_space<vmem>>, vector<16xf32>,
    %get3A_158 = arith.constant 144 : index
    %get3A_159 = tpu.vector_load %arg5[%get3A_158] {strides = array<i32>} : memref<512xf32, #tpu.memory_space<vmem>>, vector<16xf32>,
    %convert_element_type3A_160 = arith.fptosi %get3A_159 : vector<16xf32> to vector<16xi32>
    %shift_right_arithmetic3A_161 = arith.constant 3 : i32
    %shift_right_arithmetic3A_162 = vector.broadcast %shift_right_arithmetic3A_161 : i32 to vector<16xi32>
    %shift_right_arithmetic3A_163 = arith.shrsi %convert_element_type3A_160, %shift_right_arithmetic3A_162 : vector<16xi32>
    %shift_left3A_164 = arith.constant 3 : i32
    %shift_left3A_165 = vector.broadcast %shift_left3A_164 : i32 to vector<16xi32>
    %shift_left3A_166 = arith.shli %shift_right_arithmetic3A_163, %shift_left3A_165 : vector<16xi32>
    %min3A_167 = arith.constant 999984 : i32
    %min3A_168 = vector.broadcast %min3A_167 : i32 to vector<16xi32>
    %min3A_169 = arith.minsi %shift_left3A_166, %min3A_168 : vector<16xi32>
    %swap3A_170 = arith.constant 144 : index
    %swap3A_171 = tpu.vector_load %arg6[%swap3A_170] {strides = array<i32>} : memref<512xi32, #tpu.memory_space<vmem>>, vector<16xi32>,
    tpu.vector_store %arg6[%swap3A_170], %min3A_169 {strides = array<i32>} : memref<512xi32, #tpu.memory_space<vmem>>, vector<16xi32>,
    %convert_element_type3A_172 = arith.sitofp %convert_element_type3A_160 : vector<16xi32> to vector<16xf32>
    %sub3A_173 = arith.subf %get3A_159, %convert_element_type3A_172 : vector<16xf32>
    %swap3A_174 = arith.constant 144 : index
    %swap3A_175 = tpu.vector_load %arg7[%swap3A_174] {strides = array<i32>} : memref<512xf32, #tpu.memory_space<vmem>>, vector<16xf32>,
    tpu.vector_store %arg7[%swap3A_174], %sub3A_173 {strides = array<i32>} : memref<512xf32, #tpu.memory_space<vmem>>, vector<16xf32>,
    %get3A_176 = arith.constant 160 : index
    %get3A_177 = tpu.vector_load %arg5[%get3A_176] {strides = array<i32>} : memref<512xf32, #tpu.memory_space<vmem>>, vector<16xf32>,
    %convert_element_type3A_178 = arith.fptosi %get3A_177 : vector<16xf32> to vector<16xi32>
    %shift_right_arithmetic3A_179 = arith.constant 3 : i32
    %shift_right_arithmetic3A_180 = vector.broadcast %shift_right_arithmetic3A_179 : i32 to vector<16xi32>
    %shift_right_arithmetic3A_181 = arith.shrsi %convert_element_type3A_178, %shift_right_arithmetic3A_180 : vector<16xi32>
    %shift_left3A_182 = arith.constant 3 : i32
    %shift_left3A_183 = vector.broadcast %shift_left3A_182 : i32 to vector<16xi32>
    %shift_left3A_184 = arith.shli %shift_right_arithmetic3A_181, %shift_left3A_183 : vector<16xi32>
    %min3A_185 = arith.constant 999984 : i32
    %min3A_186 = vector.broadcast %min3A_185 : i32 to vector<16xi32>
    %min3A_187 = arith.minsi %shift_left3A_184, %min3A_186 : vector<16xi32>
    %swap3A_188 = arith.constant 160 : index
    %swap3A_189 = tpu.vector_load %arg6[%swap3A_188] {strides = array<i32>} : memref<512xi32, #tpu.memory_space<vmem>>, vector<16xi32>,
    tpu.vector_store %arg6[%swap3A_188], %min3A_187 {strides = array<i32>} : memref<512xi32, #tpu.memory_space<vmem>>, vector<16xi32>,
    %convert_element_type3A_190 = arith.sitofp %convert_element_type3A_178 : vector<16xi32> to vector<16xf32>
    %sub3A_191 = arith.subf %get3A_177, %convert_element_type3A_190 : vector<16xf32>
    %swap3A_192 = arith.constant 160 : index
    %swap3A_193 = tpu.vector_load %arg7[%swap3A_192] {strides = array<i32>} : memref<512xf32, #tpu.memory_space<vmem>>, vector<16xf32>,
    tpu.vector_store %arg7[%swap3A_192], %sub3A_191 {strides = array<i32>} : memref<512xf32, #tpu.memory_space<vmem>>, vector<16xf32>,
    %get3A_194 = arith.constant 176 : index
    %get3A_195 = tpu.vector_load %arg5[%get3A_194] {strides = array<i32>} : memref<512xf32, #tpu.memory_space<vmem>>, vector<16xf32>,
    %convert_element_type3A_196 = arith.fptosi %get3A_195 : vector<16xf32> to vector<16xi32>
    %shift_right_arithmetic3A_197 = arith.constant 3 : i32
    %shift_right_arithmetic3A_198 = vector.broadcast %shift_right_arithmetic3A_197 : i32 to vector<16xi32>
    %shift_right_arithmetic3A_199 = arith.shrsi %convert_element_type3A_196, %shift_right_arithmetic3A_198 : vector<16xi32>
    %shift_left3A_200 = arith.constant 3 : i32
    %shift_left3A_201 = vector.broadcast %shift_left3A_200 : i32 to vector<16xi32>
    %shift_left3A_202 = arith.shli %shift_right_arithmetic3A_199, %shift_left3A_201 : vector<16xi32>
    %min3A_203 = arith.constant 999984 : i32
    %min3A_204 = vector.broadcast %min3A_203 : i32 to vector<16xi32>
    %min3A_205 = arith.minsi %shift_left3A_202, %min3A_204 : vector<16xi32>
    %swap3A_206 = arith.constant 176 : index
    %swap3A_207 = tpu.vector_load %arg6[%swap3A_206] {strides = array<i32>} : memref<512xi32, #tpu.memory_space<vmem>>, vector<16xi32>,
    tpu.vector_store %arg6[%swap3A_206], %min3A_205 {strides = array<i32>} : memref<512xi32, #tpu.memory_space<vmem>>, vector<16xi32>,
    %convert_element_type3A_208 = arith.sitofp %convert_element_type3A_196 : vector<16xi32> to vector<16xf32>
    %sub3A_209 = arith.subf %get3A_195, %convert_element_type3A_208 : vector<16xf32>
    %swap3A_210 = arith.constant 176 : index
    %swap3A_211 = tpu.vector_load %arg7[%swap3A_210] {strides = array<i32>} : memref<512xf32, #tpu.memory_space<vmem>>, vector<16xf32>,
    tpu.vector_store %arg7[%swap3A_210], %sub3A_209 {strides = array<i32>} : memref<512xf32, #tpu.memory_space<vmem>>, vector<16xf32>,
    %get3A_212 = arith.constant 192 : index
    %get3A_213 = tpu.vector_load %arg5[%get3A_212] {strides = array<i32>} : memref<512xf32, #tpu.memory_space<vmem>>, vector<16xf32>,
    %convert_element_type3A_214 = arith.fptosi %get3A_213 : vector<16xf32> to vector<16xi32>
    %shift_right_arithmetic3A_215 = arith.constant 3 : i32
    %shift_right_arithmetic3A_216 = vector.broadcast %shift_right_arithmetic3A_215 : i32 to vector<16xi32>
    %shift_right_arithmetic3A_217 = arith.shrsi %convert_element_type3A_214, %shift_right_arithmetic3A_216 : vector<16xi32>
    %shift_left3A_218 = arith.constant 3 : i32
    %shift_left3A_219 = vector.broadcast %shift_left3A_218 : i32 to vector<16xi32>
    %shift_left3A_220 = arith.shli %shift_right_arithmetic3A_217, %shift_left3A_219 : vector<16xi32>
    %min3A_221 = arith.constant 999984 : i32
    %min3A_222 = vector.broadcast %min3A_221 : i32 to vector<16xi32>
    %min3A_223 = arith.minsi %shift_left3A_220, %min3A_222 : vector<16xi32>
    %swap3A_224 = arith.constant 192 : index
    %swap3A_225 = tpu.vector_load %arg6[%swap3A_224] {strides = array<i32>} : memref<512xi32, #tpu.memory_space<vmem>>, vector<16xi32>,
    tpu.vector_store %arg6[%swap3A_224], %min3A_223 {strides = array<i32>} : memref<512xi32, #tpu.memory_space<vmem>>, vector<16xi32>,
    %convert_element_type3A_226 = arith.sitofp %convert_element_type3A_214 : vector<16xi32> to vector<16xf32>
    %sub3A_227 = arith.subf %get3A_213, %convert_element_type3A_226 : vector<16xf32>
    %swap3A_228 = arith.constant 192 : index
    %swap3A_229 = tpu.vector_load %arg7[%swap3A_228] {strides = array<i32>} : memref<512xf32, #tpu.memory_space<vmem>>, vector<16xf32>,
    tpu.vector_store %arg7[%swap3A_228], %sub3A_227 {strides = array<i32>} : memref<512xf32, #tpu.memory_space<vmem>>, vector<16xf32>,
    %get3A_230 = arith.constant 208 : index
    %get3A_231 = tpu.vector_load %arg5[%get3A_230] {strides = array<i32>} : memref<512xf32, #tpu.memory_space<vmem>>, vector<16xf32>,
    %convert_element_type3A_232 = arith.fptosi %get3A_231 : vector<16xf32> to vector<16xi32>
    %shift_right_arithmetic3A_233 = arith.constant 3 : i32
    %shift_right_arithmetic3A_234 = vector.broadcast %shift_right_arithmetic3A_233 : i32 to vector<16xi32>
    %shift_right_arithmetic3A_235 = arith.shrsi %convert_element_type3A_232, %shift_right_arithmetic3A_234 : vector<16xi32>
    %shift_left3A_236 = arith.constant 3 : i32
    %shift_left3A_237 = vector.broadcast %shift_left3A_236 : i32 to vector<16xi32>
    %shift_left3A_238 = arith.shli %shift_right_arithmetic3A_235, %shift_left3A_237 : vector<16xi32>
    %min3A_239 = arith.constant 999984 : i32
    %min3A_240 = vector.broadcast %min3A_239 : i32 to vector<16xi32>
    %min3A_241 = arith.minsi %shift_left3A_238, %min3A_240 : vector<16xi32>
    %swap3A_242 = arith.constant 208 : index
    %swap3A_243 = tpu.vector_load %arg6[%swap3A_242] {strides = array<i32>} : memref<512xi32, #tpu.memory_space<vmem>>, vector<16xi32>,
    tpu.vector_store %arg6[%swap3A_242], %min3A_241 {strides = array<i32>} : memref<512xi32, #tpu.memory_space<vmem>>, vector<16xi32>,
    %convert_element_type3A_244 = arith.sitofp %convert_element_type3A_232 : vector<16xi32> to vector<16xf32>
    %sub3A_245 = arith.subf %get3A_231, %convert_element_type3A_244 : vector<16xf32>
    %swap3A_246 = arith.constant 208 : index
    %swap3A_247 = tpu.vector_load %arg7[%swap3A_246] {strides = array<i32>} : memref<512xf32, #tpu.memory_space<vmem>>, vector<16xf32>,
    tpu.vector_store %arg7[%swap3A_246], %sub3A_245 {strides = array<i32>} : memref<512xf32, #tpu.memory_space<vmem>>, vector<16xf32>,
    %get3A_248 = arith.constant 224 : index
    %get3A_249 = tpu.vector_load %arg5[%get3A_248] {strides = array<i32>} : memref<512xf32, #tpu.memory_space<vmem>>, vector<16xf32>,
    %convert_element_type3A_250 = arith.fptosi %get3A_249 : vector<16xf32> to vector<16xi32>
    %shift_right_arithmetic3A_251 = arith.constant 3 : i32
    %shift_right_arithmetic3A_252 = vector.broadcast %shift_right_arithmetic3A_251 : i32 to vector<16xi32>
    %shift_right_arithmetic3A_253 = arith.shrsi %convert_element_type3A_250, %shift_right_arithmetic3A_252 : vector<16xi32>
    %shift_left3A_254 = arith.constant 3 : i32
    %shift_left3A_255 = vector.broadcast %shift_left3A_254 : i32 to vector<16xi32>
    %shift_left3A_256 = arith.shli %shift_right_arithmetic3A_253, %shift_left3A_255 : vector<16xi32>
    %min3A_257 = arith.constant 999984 : i32
    %min3A_258 = vector.broadcast %min3A_257 : i32 to vector<16xi32>
    %min3A_259 = arith.minsi %shift_left3A_256, %min3A_258 : vector<16xi32>
    %swap3A_260 = arith.constant 224 : index
    %swap3A_261 = tpu.vector_load %arg6[%swap3A_260] {strides = array<i32>} : memref<512xi32, #tpu.memory_space<vmem>>, vector<16xi32>,
    tpu.vector_store %arg6[%swap3A_260], %min3A_259 {strides = array<i32>} : memref<512xi32, #tpu.memory_space<vmem>>, vector<16xi32>,
    %convert_element_type3A_262 = arith.sitofp %convert_element_type3A_250 : vector<16xi32> to vector<16xf32>
    %sub3A_263 = arith.subf %get3A_249, %convert_element_type3A_262 : vector<16xf32>
    %swap3A_264 = arith.constant 224 : index
    %swap3A_265 = tpu.vector_load %arg7[%swap3A_264] {strides = array<i32>} : memref<512xf32, #tpu.memory_space<vmem>>, vector<16xf32>,
    tpu.vector_store %arg7[%swap3A_264], %sub3A_263 {strides = array<i32>} : memref<512xf32, #tpu.memory_space<vmem>>, vector<16xf32>,
    %get3A_266 = arith.constant 240 : index
    %get3A_267 = tpu.vector_load %arg5[%get3A_266] {strides = array<i32>} : memref<512xf32, #tpu.memory_space<vmem>>, vector<16xf32>,
    %convert_element_type3A_268 = arith.fptosi %get3A_267 : vector<16xf32> to vector<16xi32>
    %shift_right_arithmetic3A_269 = arith.constant 3 : i32
    %shift_right_arithmetic3A_270 = vector.broadcast %shift_right_arithmetic3A_269 : i32 to vector<16xi32>
    %shift_right_arithmetic3A_271 = arith.shrsi %convert_element_type3A_268, %shift_right_arithmetic3A_270 : vector<16xi32>
    %shift_left3A_272 = arith.constant 3 : i32
    %shift_left3A_273 = vector.broadcast %shift_left3A_272 : i32 to vector<16xi32>
    %shift_left3A_274 = arith.shli %shift_right_arithmetic3A_271, %shift_left3A_273 : vector<16xi32>
    %min3A_275 = arith.constant 999984 : i32
    %min3A_276 = vector.broadcast %min3A_275 : i32 to vector<16xi32>
    %min3A_277 = arith.minsi %shift_left3A_274, %min3A_276 : vector<16xi32>
    %swap3A_278 = arith.constant 240 : index
    %swap3A_279 = tpu.vector_load %arg6[%swap3A_278] {strides = array<i32>} : memref<512xi32, #tpu.memory_space<vmem>>, vector<16xi32>,
    tpu.vector_store %arg6[%swap3A_278], %min3A_277 {strides = array<i32>} : memref<512xi32, #tpu.memory_space<vmem>>, vector<16xi32>,
    %convert_element_type3A_280 = arith.sitofp %convert_element_type3A_268 : vector<16xi32> to vector<16xf32>
    %sub3A_281 = arith.subf %get3A_267, %convert_element_type3A_280 : vector<16xf32>
    %swap3A_282 = arith.constant 240 : index
    %swap3A_283 = tpu.vector_load %arg7[%swap3A_282] {strides = array<i32>} : memref<512xf32, #tpu.memory_space<vmem>>, vector<16xf32>,
    tpu.vector_store %arg7[%swap3A_282], %sub3A_281 {strides = array<i32>} : memref<512xf32, #tpu.memory_space<vmem>>, vector<16xf32>,
    %get3A_284 = arith.constant 256 : index
    %get3A_285 = tpu.vector_load %arg5[%get3A_284] {strides = array<i32>} : memref<512xf32, #tpu.memory_space<vmem>>, vector<16xf32>,
    %convert_element_type3A_286 = arith.fptosi %get3A_285 : vector<16xf32> to vector<16xi32>
    %shift_right_arithmetic3A_287 = arith.constant 3 : i32
    %shift_right_arithmetic3A_288 = vector.broadcast %shift_right_arithmetic3A_287 : i32 to vector<16xi32>
    %shift_right_arithmetic3A_289 = arith.shrsi %convert_element_type3A_286, %shift_right_arithmetic3A_288 : vector<16xi32>
    %shift_left3A_290 = arith.constant 3 : i32
    %shift_left3A_291 = vector.broadcast %shift_left3A_290 : i32 to vector<16xi32>
    %shift_left3A_292 = arith.shli %shift_right_arithmetic3A_289, %shift_left3A_291 : vector<16xi32>
    %min3A_293 = arith.constant 999984 : i32
    %min3A_294 = vector.broadcast %min3A_293 : i32 to vector<16xi32>
    %min3A_295 = arith.minsi %shift_left3A_292, %min3A_294 : vector<16xi32>
    %swap3A_296 = arith.constant 256 : index
    %swap3A_297 = tpu.vector_load %arg6[%swap3A_296] {strides = array<i32>} : memref<512xi32, #tpu.memory_space<vmem>>, vector<16xi32>,
    tpu.vector_store %arg6[%swap3A_296], %min3A_295 {strides = array<i32>} : memref<512xi32, #tpu.memory_space<vmem>>, vector<16xi32>,
    %convert_element_type3A_298 = arith.sitofp %convert_element_type3A_286 : vector<16xi32> to vector<16xf32>
    %sub3A_299 = arith.subf %get3A_285, %convert_element_type3A_298 : vector<16xf32>
    %swap3A_300 = arith.constant 256 : index
    %swap3A_301 = tpu.vector_load %arg7[%swap3A_300] {strides = array<i32>} : memref<512xf32, #tpu.memory_space<vmem>>, vector<16xf32>,
    tpu.vector_store %arg7[%swap3A_300], %sub3A_299 {strides = array<i32>} : memref<512xf32, #tpu.memory_space<vmem>>, vector<16xf32>,
    %get3A_302 = arith.constant 272 : index
    %get3A_303 = tpu.vector_load %arg5[%get3A_302] {strides = array<i32>} : memref<512xf32, #tpu.memory_space<vmem>>, vector<16xf32>,
    %convert_element_type3A_304 = arith.fptosi %get3A_303 : vector<16xf32> to vector<16xi32>
    %shift_right_arithmetic3A_305 = arith.constant 3 : i32
    %shift_right_arithmetic3A_306 = vector.broadcast %shift_right_arithmetic3A_305 : i32 to vector<16xi32>
    %shift_right_arithmetic3A_307 = arith.shrsi %convert_element_type3A_304, %shift_right_arithmetic3A_306 : vector<16xi32>
    %shift_left3A_308 = arith.constant 3 : i32
    %shift_left3A_309 = vector.broadcast %shift_left3A_308 : i32 to vector<16xi32>
    %shift_left3A_310 = arith.shli %shift_right_arithmetic3A_307, %shift_left3A_309 : vector<16xi32>
    %min3A_311 = arith.constant 999984 : i32
    %min3A_312 = vector.broadcast %min3A_311 : i32 to vector<16xi32>
    %min3A_313 = arith.minsi %shift_left3A_310, %min3A_312 : vector<16xi32>
    %swap3A_314 = arith.constant 272 : index
    %swap3A_315 = tpu.vector_load %arg6[%swap3A_314] {strides = array<i32>} : memref<512xi32, #tpu.memory_space<vmem>>, vector<16xi32>,
    tpu.vector_store %arg6[%swap3A_314], %min3A_313 {strides = array<i32>} : memref<512xi32, #tpu.memory_space<vmem>>, vector<16xi32>,
    %convert_element_type3A_316 = arith.sitofp %convert_element_type3A_304 : vector<16xi32> to vector<16xf32>
    %sub3A_317 = arith.subf %get3A_303, %convert_element_type3A_316 : vector<16xf32>
    %swap3A_318 = arith.constant 272 : index
    %swap3A_319 = tpu.vector_load %arg7[%swap3A_318] {strides = array<i32>} : memref<512xf32, #tpu.memory_space<vmem>>, vector<16xf32>,
    tpu.vector_store %arg7[%swap3A_318], %sub3A_317 {strides = array<i32>} : memref<512xf32, #tpu.memory_space<vmem>>, vector<16xf32>,
    %get3A_320 = arith.constant 288 : index
    %get3A_321 = tpu.vector_load %arg5[%get3A_320] {strides = array<i32>} : memref<512xf32, #tpu.memory_space<vmem>>, vector<16xf32>,
    %convert_element_type3A_322 = arith.fptosi %get3A_321 : vector<16xf32> to vector<16xi32>
    %shift_right_arithmetic3A_323 = arith.constant 3 : i32
    %shift_right_arithmetic3A_324 = vector.broadcast %shift_right_arithmetic3A_323 : i32 to vector<16xi32>
    %shift_right_arithmetic3A_325 = arith.shrsi %convert_element_type3A_322, %shift_right_arithmetic3A_324 : vector<16xi32>
    %shift_left3A_326 = arith.constant 3 : i32
    %shift_left3A_327 = vector.broadcast %shift_left3A_326 : i32 to vector<16xi32>
    %shift_left3A_328 = arith.shli %shift_right_arithmetic3A_325, %shift_left3A_327 : vector<16xi32>
    %min3A_329 = arith.constant 999984 : i32
    %min3A_330 = vector.broadcast %min3A_329 : i32 to vector<16xi32>
    %min3A_331 = arith.minsi %shift_left3A_328, %min3A_330 : vector<16xi32>
    %swap3A_332 = arith.constant 288 : index
    %swap3A_333 = tpu.vector_load %arg6[%swap3A_332] {strides = array<i32>} : memref<512xi32, #tpu.memory_space<vmem>>, vector<16xi32>,
    tpu.vector_store %arg6[%swap3A_332], %min3A_331 {strides = array<i32>} : memref<512xi32, #tpu.memory_space<vmem>>, vector<16xi32>,
    %convert_element_type3A_334 = arith.sitofp %convert_element_type3A_322 : vector<16xi32> to vector<16xf32>
    %sub3A_335 = arith.subf %get3A_321, %convert_element_type3A_334 : vector<16xf32>
    %swap3A_336 = arith.constant 288 : index
    %swap3A_337 = tpu.vector_load %arg7[%swap3A_336] {strides = array<i32>} : memref<512xf32, #tpu.memory_space<vmem>>, vector<16xf32>,
    tpu.vector_store %arg7[%swap3A_336], %sub3A_335 {strides = array<i32>} : memref<512xf32, #tpu.memory_space<vmem>>, vector<16xf32>,
    %get3A_338 = arith.constant 304 : index
    %get3A_339 = tpu.vector_load %arg5[%get3A_338] {strides = array<i32>} : memref<512xf32, #tpu.memory_space<vmem>>, vector<16xf32>,
    %convert_element_type3A_340 = arith.fptosi %get3A_339 : vector<16xf32> to vector<16xi32>
    %shift_right_arithmetic3A_341 = arith.constant 3 : i32
    %shift_right_arithmetic3A_342 = vector.broadcast %shift_right_arithmetic3A_341 : i32 to vector<16xi32>
    %shift_right_arithmetic3A_343 = arith.shrsi %convert_element_type3A_340, %shift_right_arithmetic3A_342 : vector<16xi32>
    %shift_left3A_344 = arith.constant 3 : i32
    %shift_left3A_345 = vector.broadcast %shift_left3A_344 : i32 to vector<16xi32>
    %shift_left3A_346 = arith.shli %shift_right_arithmetic3A_343, %shift_left3A_345 : vector<16xi32>
    %min3A_347 = arith.constant 999984 : i32
    %min3A_348 = vector.broadcast %min3A_347 : i32 to vector<16xi32>
    %min3A_349 = arith.minsi %shift_left3A_346, %min3A_348 : vector<16xi32>
    %swap3A_350 = arith.constant 304 : index
    %swap3A_351 = tpu.vector_load %arg6[%swap3A_350] {strides = array<i32>} : memref<512xi32, #tpu.memory_space<vmem>>, vector<16xi32>,
    tpu.vector_store %arg6[%swap3A_350], %min3A_349 {strides = array<i32>} : memref<512xi32, #tpu.memory_space<vmem>>, vector<16xi32>,
    %convert_element_type3A_352 = arith.sitofp %convert_element_type3A_340 : vector<16xi32> to vector<16xf32>
    %sub3A_353 = arith.subf %get3A_339, %convert_element_type3A_352 : vector<16xf32>
    %swap3A_354 = arith.constant 304 : index
    %swap3A_355 = tpu.vector_load %arg7[%swap3A_354] {strides = array<i32>} : memref<512xf32, #tpu.memory_space<vmem>>, vector<16xf32>,
    tpu.vector_store %arg7[%swap3A_354], %sub3A_353 {strides = array<i32>} : memref<512xf32, #tpu.memory_space<vmem>>, vector<16xf32>,
    %get3A_356 = arith.constant 320 : index
    %get3A_357 = tpu.vector_load %arg5[%get3A_356] {strides = array<i32>} : memref<512xf32, #tpu.memory_space<vmem>>, vector<16xf32>,
    %convert_element_type3A_358 = arith.fptosi %get3A_357 : vector<16xf32> to vector<16xi32>
    %shift_right_arithmetic3A_359 = arith.constant 3 : i32
    %shift_right_arithmetic3A_360 = vector.broadcast %shift_right_arithmetic3A_359 : i32 to vector<16xi32>
    %shift_right_arithmetic3A_361 = arith.shrsi %convert_element_type3A_358, %shift_right_arithmetic3A_360 : vector<16xi32>
    %shift_left3A_362 = arith.constant 3 : i32
    %shift_left3A_363 = vector.broadcast %shift_left3A_362 : i32 to vector<16xi32>
    %shift_left3A_364 = arith.shli %shift_right_arithmetic3A_361, %shift_left3A_363 : vector<16xi32>
    %min3A_365 = arith.constant 999984 : i32
    %min3A_366 = vector.broadcast %min3A_365 : i32 to vector<16xi32>
    %min3A_367 = arith.minsi %shift_left3A_364, %min3A_366 : vector<16xi32>
    %swap3A_368 = arith.constant 320 : index
    %swap3A_369 = tpu.vector_load %arg6[%swap3A_368] {strides = array<i32>} : memref<512xi32, #tpu.memory_space<vmem>>, vector<16xi32>,
    tpu.vector_store %arg6[%swap3A_368], %min3A_367 {strides = array<i32>} : memref<512xi32, #tpu.memory_space<vmem>>, vector<16xi32>,
    %convert_element_type3A_370 = arith.sitofp %convert_element_type3A_358 : vector<16xi32> to vector<16xf32>
    %sub3A_371 = arith.subf %get3A_357, %convert_element_type3A_370 : vector<16xf32>
    %swap3A_372 = arith.constant 320 : index
    %swap3A_373 = tpu.vector_load %arg7[%swap3A_372] {strides = array<i32>} : memref<512xf32, #tpu.memory_space<vmem>>, vector<16xf32>,
    tpu.vector_store %arg7[%swap3A_372], %sub3A_371 {strides = array<i32>} : memref<512xf32, #tpu.memory_space<vmem>>, vector<16xf32>,
    %get3A_374 = arith.constant 336 : index
    %get3A_375 = tpu.vector_load %arg5[%get3A_374] {strides = array<i32>} : memref<512xf32, #tpu.memory_space<vmem>>, vector<16xf32>,
    %convert_element_type3A_376 = arith.fptosi %get3A_375 : vector<16xf32> to vector<16xi32>
    %shift_right_arithmetic3A_377 = arith.constant 3 : i32
    %shift_right_arithmetic3A_378 = vector.broadcast %shift_right_arithmetic3A_377 : i32 to vector<16xi32>
    %shift_right_arithmetic3A_379 = arith.shrsi %convert_element_type3A_376, %shift_right_arithmetic3A_378 : vector<16xi32>
    %shift_left3A_380 = arith.constant 3 : i32
    %shift_left3A_381 = vector.broadcast %shift_left3A_380 : i32 to vector<16xi32>
    %shift_left3A_382 = arith.shli %shift_right_arithmetic3A_379, %shift_left3A_381 : vector<16xi32>
    %min3A_383 = arith.constant 999984 : i32
    %min3A_384 = vector.broadcast %min3A_383 : i32 to vector<16xi32>
    %min3A_385 = arith.minsi %shift_left3A_382, %min3A_384 : vector<16xi32>
    %swap3A_386 = arith.constant 336 : index
    %swap3A_387 = tpu.vector_load %arg6[%swap3A_386] {strides = array<i32>} : memref<512xi32, #tpu.memory_space<vmem>>, vector<16xi32>,
    tpu.vector_store %arg6[%swap3A_386], %min3A_385 {strides = array<i32>} : memref<512xi32, #tpu.memory_space<vmem>>, vector<16xi32>,
    %convert_element_type3A_388 = arith.sitofp %convert_element_type3A_376 : vector<16xi32> to vector<16xf32>
    %sub3A_389 = arith.subf %get3A_375, %convert_element_type3A_388 : vector<16xf32>
    %swap3A_390 = arith.constant 336 : index
    %swap3A_391 = tpu.vector_load %arg7[%swap3A_390] {strides = array<i32>} : memref<512xf32, #tpu.memory_space<vmem>>, vector<16xf32>,
    tpu.vector_store %arg7[%swap3A_390], %sub3A_389 {strides = array<i32>} : memref<512xf32, #tpu.memory_space<vmem>>, vector<16xf32>,
    %get3A_392 = arith.constant 352 : index
    %get3A_393 = tpu.vector_load %arg5[%get3A_392] {strides = array<i32>} : memref<512xf32, #tpu.memory_space<vmem>>, vector<16xf32>,
    %convert_element_type3A_394 = arith.fptosi %get3A_393 : vector<16xf32> to vector<16xi32>
    %shift_right_arithmetic3A_395 = arith.constant 3 : i32
    %shift_right_arithmetic3A_396 = vector.broadcast %shift_right_arithmetic3A_395 : i32 to vector<16xi32>
    %shift_right_arithmetic3A_397 = arith.shrsi %convert_element_type3A_394, %shift_right_arithmetic3A_396 : vector<16xi32>
    %shift_left3A_398 = arith.constant 3 : i32
    %shift_left3A_399 = vector.broadcast %shift_left3A_398 : i32 to vector<16xi32>
    %shift_left3A_400 = arith.shli %shift_right_arithmetic3A_397, %shift_left3A_399 : vector<16xi32>
    %min3A_401 = arith.constant 999984 : i32
    %min3A_402 = vector.broadcast %min3A_401 : i32 to vector<16xi32>
    %min3A_403 = arith.minsi %shift_left3A_400, %min3A_402 : vector<16xi32>
    %swap3A_404 = arith.constant 352 : index
    %swap3A_405 = tpu.vector_load %arg6[%swap3A_404] {strides = array<i32>} : memref<512xi32, #tpu.memory_space<vmem>>, vector<16xi32>,
    tpu.vector_store %arg6[%swap3A_404], %min3A_403 {strides = array<i32>} : memref<512xi32, #tpu.memory_space<vmem>>, vector<16xi32>,
    %convert_element_type3A_406 = arith.sitofp %convert_element_type3A_394 : vector<16xi32> to vector<16xf32>
    %sub3A_407 = arith.subf %get3A_393, %convert_element_type3A_406 : vector<16xf32>
    %swap3A_408 = arith.constant 352 : index
    %swap3A_409 = tpu.vector_load %arg7[%swap3A_408] {strides = array<i32>} : memref<512xf32, #tpu.memory_space<vmem>>, vector<16xf32>,
    tpu.vector_store %arg7[%swap3A_408], %sub3A_407 {strides = array<i32>} : memref<512xf32, #tpu.memory_space<vmem>>, vector<16xf32>,
    %get3A_410 = arith.constant 368 : index
    %get3A_411 = tpu.vector_load %arg5[%get3A_410] {strides = array<i32>} : memref<512xf32, #tpu.memory_space<vmem>>, vector<16xf32>,
    %convert_element_type3A_412 = arith.fptosi %get3A_411 : vector<16xf32> to vector<16xi32>
    %shift_right_arithmetic3A_413 = arith.constant 3 : i32
    %shift_right_arithmetic3A_414 = vector.broadcast %shift_right_arithmetic3A_413 : i32 to vector<16xi32>
    %shift_right_arithmetic3A_415 = arith.shrsi %convert_element_type3A_412, %shift_right_arithmetic3A_414 : vector<16xi32>
    %shift_left3A_416 = arith.constant 3 : i32
    %shift_left3A_417 = vector.broadcast %shift_left3A_416 : i32 to vector<16xi32>
    %shift_left3A_418 = arith.shli %shift_right_arithmetic3A_415, %shift_left3A_417 : vector<16xi32>
    %min3A_419 = arith.constant 999984 : i32
    %min3A_420 = vector.broadcast %min3A_419 : i32 to vector<16xi32>
    %min3A_421 = arith.minsi %shift_left3A_418, %min3A_420 : vector<16xi32>
    %swap3A_422 = arith.constant 368 : index
    %swap3A_423 = tpu.vector_load %arg6[%swap3A_422] {strides = array<i32>} : memref<512xi32, #tpu.memory_space<vmem>>, vector<16xi32>,
    tpu.vector_store %arg6[%swap3A_422], %min3A_421 {strides = array<i32>} : memref<512xi32, #tpu.memory_space<vmem>>, vector<16xi32>,
    %convert_element_type3A_424 = arith.sitofp %convert_element_type3A_412 : vector<16xi32> to vector<16xf32>
    %sub3A_425 = arith.subf %get3A_411, %convert_element_type3A_424 : vector<16xf32>
    %swap3A_426 = arith.constant 368 : index
    %swap3A_427 = tpu.vector_load %arg7[%swap3A_426] {strides = array<i32>} : memref<512xf32, #tpu.memory_space<vmem>>, vector<16xf32>,
    tpu.vector_store %arg7[%swap3A_426], %sub3A_425 {strides = array<i32>} : memref<512xf32, #tpu.memory_space<vmem>>, vector<16xf32>,
    %get3A_428 = arith.constant 384 : index
    %get3A_429 = tpu.vector_load %arg5[%get3A_428] {strides = array<i32>} : memref<512xf32, #tpu.memory_space<vmem>>, vector<16xf32>,
    %convert_element_type3A_430 = arith.fptosi %get3A_429 : vector<16xf32> to vector<16xi32>
    %shift_right_arithmetic3A_431 = arith.constant 3 : i32
    %shift_right_arithmetic3A_432 = vector.broadcast %shift_right_arithmetic3A_431 : i32 to vector<16xi32>
    %shift_right_arithmetic3A_433 = arith.shrsi %convert_element_type3A_430, %shift_right_arithmetic3A_432 : vector<16xi32>
    %shift_left3A_434 = arith.constant 3 : i32
    %shift_left3A_435 = vector.broadcast %shift_left3A_434 : i32 to vector<16xi32>
    %shift_left3A_436 = arith.shli %shift_right_arithmetic3A_433, %shift_left3A_435 : vector<16xi32>
    %min3A_437 = arith.constant 999984 : i32
    %min3A_438 = vector.broadcast %min3A_437 : i32 to vector<16xi32>
    %min3A_439 = arith.minsi %shift_left3A_436, %min3A_438 : vector<16xi32>
    %swap3A_440 = arith.constant 384 : index
    %swap3A_441 = tpu.vector_load %arg6[%swap3A_440] {strides = array<i32>} : memref<512xi32, #tpu.memory_space<vmem>>, vector<16xi32>,
    tpu.vector_store %arg6[%swap3A_440], %min3A_439 {strides = array<i32>} : memref<512xi32, #tpu.memory_space<vmem>>, vector<16xi32>,
    %convert_element_type3A_442 = arith.sitofp %convert_element_type3A_430 : vector<16xi32> to vector<16xf32>
    %sub3A_443 = arith.subf %get3A_429, %convert_element_type3A_442 : vector<16xf32>
    %swap3A_444 = arith.constant 384 : index
    %swap3A_445 = tpu.vector_load %arg7[%swap3A_444] {strides = array<i32>} : memref<512xf32, #tpu.memory_space<vmem>>, vector<16xf32>,
    tpu.vector_store %arg7[%swap3A_444], %sub3A_443 {strides = array<i32>} : memref<512xf32, #tpu.memory_space<vmem>>, vector<16xf32>,
    %get3A_446 = arith.constant 400 : index
    %get3A_447 = tpu.vector_load %arg5[%get3A_446] {strides = array<i32>} : memref<512xf32, #tpu.memory_space<vmem>>, vector<16xf32>,
    %convert_element_type3A_448 = arith.fptosi %get3A_447 : vector<16xf32> to vector<16xi32>
    %shift_right_arithmetic3A_449 = arith.constant 3 : i32
    %shift_right_arithmetic3A_450 = vector.broadcast %shift_right_arithmetic3A_449 : i32 to vector<16xi32>
    %shift_right_arithmetic3A_451 = arith.shrsi %convert_element_type3A_448, %shift_right_arithmetic3A_450 : vector<16xi32>
    %shift_left3A_452 = arith.constant 3 : i32
    %shift_left3A_453 = vector.broadcast %shift_left3A_452 : i32 to vector<16xi32>
    %shift_left3A_454 = arith.shli %shift_right_arithmetic3A_451, %shift_left3A_453 : vector<16xi32>
    %min3A_455 = arith.constant 999984 : i32
    %min3A_456 = vector.broadcast %min3A_455 : i32 to vector<16xi32>
    %min3A_457 = arith.minsi %shift_left3A_454, %min3A_456 : vector<16xi32>
    %swap3A_458 = arith.constant 400 : index
    %swap3A_459 = tpu.vector_load %arg6[%swap3A_458] {strides = array<i32>} : memref<512xi32, #tpu.memory_space<vmem>>, vector<16xi32>,
    tpu.vector_store %arg6[%swap3A_458], %min3A_457 {strides = array<i32>} : memref<512xi32, #tpu.memory_space<vmem>>, vector<16xi32>,
    %convert_element_type3A_460 = arith.sitofp %convert_element_type3A_448 : vector<16xi32> to vector<16xf32>
    %sub3A_461 = arith.subf %get3A_447, %convert_element_type3A_460 : vector<16xf32>
    %swap3A_462 = arith.constant 400 : index
    %swap3A_463 = tpu.vector_load %arg7[%swap3A_462] {strides = array<i32>} : memref<512xf32, #tpu.memory_space<vmem>>, vector<16xf32>,
    tpu.vector_store %arg7[%swap3A_462], %sub3A_461 {strides = array<i32>} : memref<512xf32, #tpu.memory_space<vmem>>, vector<16xf32>,
    %get3A_464 = arith.constant 416 : index
    %get3A_465 = tpu.vector_load %arg5[%get3A_464] {strides = array<i32>} : memref<512xf32, #tpu.memory_space<vmem>>, vector<16xf32>,
    %convert_element_type3A_466 = arith.fptosi %get3A_465 : vector<16xf32> to vector<16xi32>
    %shift_right_arithmetic3A_467 = arith.constant 3 : i32
    %shift_right_arithmetic3A_468 = vector.broadcast %shift_right_arithmetic3A_467 : i32 to vector<16xi32>
    %shift_right_arithmetic3A_469 = arith.shrsi %convert_element_type3A_466, %shift_right_arithmetic3A_468 : vector<16xi32>
    %shift_left3A_470 = arith.constant 3 : i32
    %shift_left3A_471 = vector.broadcast %shift_left3A_470 : i32 to vector<16xi32>
    %shift_left3A_472 = arith.shli %shift_right_arithmetic3A_469, %shift_left3A_471 : vector<16xi32>
    %min3A_473 = arith.constant 999984 : i32
    %min3A_474 = vector.broadcast %min3A_473 : i32 to vector<16xi32>
    %min3A_475 = arith.minsi %shift_left3A_472, %min3A_474 : vector<16xi32>
    %swap3A_476 = arith.constant 416 : index
    %swap3A_477 = tpu.vector_load %arg6[%swap3A_476] {strides = array<i32>} : memref<512xi32, #tpu.memory_space<vmem>>, vector<16xi32>,
    tpu.vector_store %arg6[%swap3A_476], %min3A_475 {strides = array<i32>} : memref<512xi32, #tpu.memory_space<vmem>>, vector<16xi32>,
    %convert_element_type3A_478 = arith.sitofp %convert_element_type3A_466 : vector<16xi32> to vector<16xf32>
    %sub3A_479 = arith.subf %get3A_465, %convert_element_type3A_478 : vector<16xf32>
    %swap3A_480 = arith.constant 416 : index
    %swap3A_481 = tpu.vector_load %arg7[%swap3A_480] {strides = array<i32>} : memref<512xf32, #tpu.memory_space<vmem>>, vector<16xf32>,
    tpu.vector_store %arg7[%swap3A_480], %sub3A_479 {strides = array<i32>} : memref<512xf32, #tpu.memory_space<vmem>>, vector<16xf32>,
    %get3A_482 = arith.constant 432 : index
    %get3A_483 = tpu.vector_load %arg5[%get3A_482] {strides = array<i32>} : memref<512xf32, #tpu.memory_space<vmem>>, vector<16xf32>,
    %convert_element_type3A_484 = arith.fptosi %get3A_483 : vector<16xf32> to vector<16xi32>
    %shift_right_arithmetic3A_485 = arith.constant 3 : i32
    %shift_right_arithmetic3A_486 = vector.broadcast %shift_right_arithmetic3A_485 : i32 to vector<16xi32>
    %shift_right_arithmetic3A_487 = arith.shrsi %convert_element_type3A_484, %shift_right_arithmetic3A_486 : vector<16xi32>
    %shift_left3A_488 = arith.constant 3 : i32
    %shift_left3A_489 = vector.broadcast %shift_left3A_488 : i32 to vector<16xi32>
    %shift_left3A_490 = arith.shli %shift_right_arithmetic3A_487, %shift_left3A_489 : vector<16xi32>
    %min3A_491 = arith.constant 999984 : i32
    %min3A_492 = vector.broadcast %min3A_491 : i32 to vector<16xi32>
    %min3A_493 = arith.minsi %shift_left3A_490, %min3A_492 : vector<16xi32>
    %swap3A_494 = arith.constant 432 : index
    %swap3A_495 = tpu.vector_load %arg6[%swap3A_494] {strides = array<i32>} : memref<512xi32, #tpu.memory_space<vmem>>, vector<16xi32>,
    tpu.vector_store %arg6[%swap3A_494], %min3A_493 {strides = array<i32>} : memref<512xi32, #tpu.memory_space<vmem>>, vector<16xi32>,
    %convert_element_type3A_496 = arith.sitofp %convert_element_type3A_484 : vector<16xi32> to vector<16xf32>
    %sub3A_497 = arith.subf %get3A_483, %convert_element_type3A_496 : vector<16xf32>
    %swap3A_498 = arith.constant 432 : index
    %swap3A_499 = tpu.vector_load %arg7[%swap3A_498] {strides = array<i32>} : memref<512xf32, #tpu.memory_space<vmem>>, vector<16xf32>,
    tpu.vector_store %arg7[%swap3A_498], %sub3A_497 {strides = array<i32>} : memref<512xf32, #tpu.memory_space<vmem>>, vector<16xf32>,
    %get3A_500 = arith.constant 448 : index
    %get3A_501 = tpu.vector_load %arg5[%get3A_500] {strides = array<i32>} : memref<512xf32, #tpu.memory_space<vmem>>, vector<16xf32>,
    %convert_element_type3A_502 = arith.fptosi %get3A_501 : vector<16xf32> to vector<16xi32>
    %shift_right_arithmetic3A_503 = arith.constant 3 : i32
    %shift_right_arithmetic3A_504 = vector.broadcast %shift_right_arithmetic3A_503 : i32 to vector<16xi32>
    %shift_right_arithmetic3A_505 = arith.shrsi %convert_element_type3A_502, %shift_right_arithmetic3A_504 : vector<16xi32>
    %shift_left3A_506 = arith.constant 3 : i32
    %shift_left3A_507 = vector.broadcast %shift_left3A_506 : i32 to vector<16xi32>
    %shift_left3A_508 = arith.shli %shift_right_arithmetic3A_505, %shift_left3A_507 : vector<16xi32>
    %min3A_509 = arith.constant 999984 : i32
    %min3A_510 = vector.broadcast %min3A_509 : i32 to vector<16xi32>
    %min3A_511 = arith.minsi %shift_left3A_508, %min3A_510 : vector<16xi32>
    %swap3A_512 = arith.constant 448 : index
    %swap3A_513 = tpu.vector_load %arg6[%swap3A_512] {strides = array<i32>} : memref<512xi32, #tpu.memory_space<vmem>>, vector<16xi32>,
    tpu.vector_store %arg6[%swap3A_512], %min3A_511 {strides = array<i32>} : memref<512xi32, #tpu.memory_space<vmem>>, vector<16xi32>,
    %convert_element_type3A_514 = arith.sitofp %convert_element_type3A_502 : vector<16xi32> to vector<16xf32>
    %sub3A_515 = arith.subf %get3A_501, %convert_element_type3A_514 : vector<16xf32>
    %swap3A_516 = arith.constant 448 : index
    %swap3A_517 = tpu.vector_load %arg7[%swap3A_516] {strides = array<i32>} : memref<512xf32, #tpu.memory_space<vmem>>, vector<16xf32>,
    tpu.vector_store %arg7[%swap3A_516], %sub3A_515 {strides = array<i32>} : memref<512xf32, #tpu.memory_space<vmem>>, vector<16xf32>,
    %get3A_518 = arith.constant 464 : index
    %get3A_519 = tpu.vector_load %arg5[%get3A_518] {strides = array<i32>} : memref<512xf32, #tpu.memory_space<vmem>>, vector<16xf32>,
    %convert_element_type3A_520 = arith.fptosi %get3A_519 : vector<16xf32> to vector<16xi32>
    %shift_right_arithmetic3A_521 = arith.constant 3 : i32
    %shift_right_arithmetic3A_522 = vector.broadcast %shift_right_arithmetic3A_521 : i32 to vector<16xi32>
    %shift_right_arithmetic3A_523 = arith.shrsi %convert_element_type3A_520, %shift_right_arithmetic3A_522 : vector<16xi32>
    %shift_left3A_524 = arith.constant 3 : i32
    %shift_left3A_525 = vector.broadcast %shift_left3A_524 : i32 to vector<16xi32>
    %shift_left3A_526 = arith.shli %shift_right_arithmetic3A_523, %shift_left3A_525 : vector<16xi32>
    %min3A_527 = arith.constant 999984 : i32
    %min3A_528 = vector.broadcast %min3A_527 : i32 to vector<16xi32>
    %min3A_529 = arith.minsi %shift_left3A_526, %min3A_528 : vector<16xi32>
    %swap3A_530 = arith.constant 464 : index
    %swap3A_531 = tpu.vector_load %arg6[%swap3A_530] {strides = array<i32>} : memref<512xi32, #tpu.memory_space<vmem>>, vector<16xi32>,
    tpu.vector_store %arg6[%swap3A_530], %min3A_529 {strides = array<i32>} : memref<512xi32, #tpu.memory_space<vmem>>, vector<16xi32>,
    %convert_element_type3A_532 = arith.sitofp %convert_element_type3A_520 : vector<16xi32> to vector<16xf32>
    %sub3A_533 = arith.subf %get3A_519, %convert_element_type3A_532 : vector<16xf32>
    %swap3A_534 = arith.constant 464 : index
    %swap3A_535 = tpu.vector_load %arg7[%swap3A_534] {strides = array<i32>} : memref<512xf32, #tpu.memory_space<vmem>>, vector<16xf32>,
    tpu.vector_store %arg7[%swap3A_534], %sub3A_533 {strides = array<i32>} : memref<512xf32, #tpu.memory_space<vmem>>, vector<16xf32>,
    %get3A_536 = arith.constant 480 : index
    %get3A_537 = tpu.vector_load %arg5[%get3A_536] {strides = array<i32>} : memref<512xf32, #tpu.memory_space<vmem>>, vector<16xf32>,
    %convert_element_type3A_538 = arith.fptosi %get3A_537 : vector<16xf32> to vector<16xi32>
    %shift_right_arithmetic3A_539 = arith.constant 3 : i32
    %shift_right_arithmetic3A_540 = vector.broadcast %shift_right_arithmetic3A_539 : i32 to vector<16xi32>
    %shift_right_arithmetic3A_541 = arith.shrsi %convert_element_type3A_538, %shift_right_arithmetic3A_540 : vector<16xi32>
    %shift_left3A_542 = arith.constant 3 : i32
    %shift_left3A_543 = vector.broadcast %shift_left3A_542 : i32 to vector<16xi32>
    %shift_left3A_544 = arith.shli %shift_right_arithmetic3A_541, %shift_left3A_543 : vector<16xi32>
    %min3A_545 = arith.constant 999984 : i32
    %min3A_546 = vector.broadcast %min3A_545 : i32 to vector<16xi32>
    %min3A_547 = arith.minsi %shift_left3A_544, %min3A_546 : vector<16xi32>
    %swap3A_548 = arith.constant 480 : index
    %swap3A_549 = tpu.vector_load %arg6[%swap3A_548] {strides = array<i32>} : memref<512xi32, #tpu.memory_space<vmem>>, vector<16xi32>,
    tpu.vector_store %arg6[%swap3A_548], %min3A_547 {strides = array<i32>} : memref<512xi32, #tpu.memory_space<vmem>>, vector<16xi32>,
    %convert_element_type3A_550 = arith.sitofp %convert_element_type3A_538 : vector<16xi32> to vector<16xf32>
    %sub3A_551 = arith.subf %get3A_537, %convert_element_type3A_550 : vector<16xf32>
    %swap3A_552 = arith.constant 480 : index
    %swap3A_553 = tpu.vector_load %arg7[%swap3A_552] {strides = array<i32>} : memref<512xf32, #tpu.memory_space<vmem>>, vector<16xf32>,
    tpu.vector_store %arg7[%swap3A_552], %sub3A_551 {strides = array<i32>} : memref<512xf32, #tpu.memory_space<vmem>>, vector<16xf32>,
    %get3A_554 = arith.constant 496 : index
    %get3A_555 = tpu.vector_load %arg5[%get3A_554] {strides = array<i32>} : memref<512xf32, #tpu.memory_space<vmem>>, vector<16xf32>,
    %convert_element_type3A_556 = arith.fptosi %get3A_555 : vector<16xf32> to vector<16xi32>
    %shift_right_arithmetic3A_557 = arith.constant 3 : i32
    %shift_right_arithmetic3A_558 = vector.broadcast %shift_right_arithmetic3A_557 : i32 to vector<16xi32>
    %shift_right_arithmetic3A_559 = arith.shrsi %convert_element_type3A_556, %shift_right_arithmetic3A_558 : vector<16xi32>
    %shift_left3A_560 = arith.constant 3 : i32
    %shift_left3A_561 = vector.broadcast %shift_left3A_560 : i32 to vector<16xi32>
    %shift_left3A_562 = arith.shli %shift_right_arithmetic3A_559, %shift_left3A_561 : vector<16xi32>
    %min3A_563 = arith.constant 999984 : i32
    %min3A_564 = vector.broadcast %min3A_563 : i32 to vector<16xi32>
    %min3A_565 = arith.minsi %shift_left3A_562, %min3A_564 : vector<16xi32>
    %swap3A_566 = arith.constant 496 : index
    %swap3A_567 = tpu.vector_load %arg6[%swap3A_566] {strides = array<i32>} : memref<512xi32, #tpu.memory_space<vmem>>, vector<16xi32>,
    tpu.vector_store %arg6[%swap3A_566], %min3A_565 {strides = array<i32>} : memref<512xi32, #tpu.memory_space<vmem>>, vector<16xi32>,
    %convert_element_type3A_568 = arith.sitofp %convert_element_type3A_556 : vector<16xi32> to vector<16xf32>
    %sub3A_569 = arith.subf %get3A_555, %convert_element_type3A_568 : vector<16xf32>
    %swap3A_570 = arith.constant 496 : index
    %swap3A_571 = tpu.vector_load %arg7[%swap3A_570] {strides = array<i32>} : memref<512xf32, #tpu.memory_space<vmem>>, vector<16xf32>,
    tpu.vector_store %arg7[%swap3A_570], %sub3A_569 {strides = array<i32>} : memref<512xf32, #tpu.memory_space<vmem>>, vector<16xf32>,
    %scan3A = arith.constant 0 : i32
    %scan3A_572 = arith.constant 0 : i32
    %scan3A_573 = arith.constant 16 : i32
    %scan3A_574 = arith.addi %scan3A_572, %scan3A_573 : i32
    %scan3A_575 = arith.constant 1 : i32
    scf.for %scan3A_579 = %scan3A_572 to %scan3A_574 step %scan3A_575  : i32 {
      %mul3A_580 = arith.constant 32 : i32
      %mul3A_581 = arith.muli %scan3A_579, %mul3A_580 : i32
      %add3A_582 = arith.constant 0 : i32
      %add3A_583 = arith.addi %mul3A_581, %add3A_582 : i32
      %get3A_584 = arith.index_cast %add3A_583 : i32 to index
      %get3A_585 = tpu.vector_load %arg6[%get3A_584] {strides = array<i32>} : memref<512xi32, #tpu.memory_space<vmem>>, vector<16xi32>,
      %get3A_586 = arith.index_cast %add3A_583 : i32 to index
      %get3A_587 = tpu.vector_load %arg5[%get3A_586] {strides = array<i32>} : memref<512xf32, #tpu.memory_space<vmem>>, vector<16xf32>,
      %convert_element_type3A_588 = arith.fptosi %get3A_587 : vector<16xf32> to vector<16xi32>
      %add3A_589 = arith.constant 1 : i32
      %add3A_590 = vector.broadcast %add3A_589 : i32 to vector<16xi32>
      %add3A_591 = arith.addi %convert_element_type3A_588, %add3A_590 : vector<16xi32>
      %sub3A_592 = arith.subi %add3A_591, %get3A_585 : vector<16xi32>
      %ge3A = arith.constant 8 : i32
      %ge3A_593 = vector.broadcast %ge3A : i32 to vector<16xi32>
      %ge3A_594 = arith.cmpi sge, %sub3A_592, %ge3A_593 : vector<16xi32>
      %convert_element_type3A_595 = arith.extui %ge3A_594 : vector<16xi1> to vector<16xi32>
      %all_reduce_population_count3A = tpu.all_reduce %ge3A_594 {dim = 0 : i64, kind = #tpu.reduction_kind<sum>} : vector<16xi1> -> vector<16xi32>
      %slice3A = vector.extract_strided_slice %all_reduce_population_count3A {offsets = [0], sizes = [1], strides = [1]} : vector<16xi32> to vector<1xi32>
      %squeeze3A = vector.extract %slice3A[0] : i32 from vector<1xi32>
      %add3A_596 = arith.constant 0 : i32
      %add3A_597 = arith.addi %add3A_596, %squeeze3A : i32
      %slice3A_598 = vector.extract_strided_slice %get3A_585 {offsets = [0], sizes = [1], strides = [1]} : vector<16xi32> to vector<1xi32>
      %squeeze3A_599 = vector.extract %slice3A_598[0] : i32 from vector<1xi32>
      %multiple_of3A = tpu.assume_multiple %squeeze3A_599, 8 : i32
      %dma_start3A = arith.constant 0 : i32
      %dma_start3A_600 = arith.constant 0 : i32
      %dma_start3A_601 = tpu.memref_slice %arg8[%dma_start3A, %dma_start3A_600] : memref<512x51xf32, #tpu.memory_space<vmem>> -> memref<8x51xf32, #tpu.memory_space<vmem>>
      %dma_start3A_602 = arith.constant 0 : i32
      %dma_start3A_603 = tpu.memref_slice %arg3[%multiple_of3A, %dma_start3A_602] : memref<1000001x51xf32, #tpu.memory_space<hbm>> -> memref<8x51xf32, #tpu.memory_space<hbm>>
      %dma_start3A_604 = arith.constant 0 : i32
      %dma_start3A_605 = arith.constant 0 : i32
      %dma_start3A_606 = tpu.memref_slice %arg8[%dma_start3A_604, %dma_start3A_605] : memref<512x51xf32, #tpu.memory_space<vmem>> -> memref<8x51xf32, #tpu.memory_space<vmem>>
      %dma_start3A_607 = arith.constant 0 : i32
      %dma_start3A_608 = tpu.memref_slice %arg3[%multiple_of3A, %dma_start3A_607] : memref<1000001x51xf32, #tpu.memory_space<hbm>> -> memref<8x51xf32, #tpu.memory_space<hbm>>
      tpu.enqueue_dma source(%dma_start3A_608 : memref<8x51xf32, #tpu.memory_space<hbm>>) target(%dma_start3A_606 : memref<8x51xf32, #tpu.memory_space<vmem>>) target_semaphore(%arg10 : memref<!tpu.dma_semaphore, #tpu.memory_space<semaphore_mem>>)
      %slice3A_609 = vector.extract_strided_slice %convert_element_type3A_595 {offsets = [0], sizes = [1], strides = [1]} : vector<16xi32> to vector<1xi32>
      %squeeze3A_610 = vector.extract %slice3A_609[0] : i32 from vector<1xi32>
      %eq3A = arith.constant 1 : i32
      %eq3A_611 = arith.cmpi eq, %squeeze3A_610, %eq3A : i32
      %convert_element_type3A_612 = arith.extui %eq3A_611 : i1 to i32
      %cond3A = arith.constant 0 : i32
      %cond3A_613 = arith.cmpi ne, %convert_element_type3A_612, %cond3A : i32
      scf.if %cond3A_613 {
        %slice3A_1332 = vector.extract_strided_slice %get3A_585 {offsets = [0], sizes = [1], strides = [1]} : vector<16xi32> to vector<1xi32>
        %squeeze3A_1333 = vector.extract %slice3A_1332[0] : i32 from vector<1xi32>
        %add3A_1334 = arith.constant 8 : i32
        %add3A_1335 = arith.addi %squeeze3A_1333, %add3A_1334 : i32
        %multiple_of3A_1336 = tpu.assume_multiple %add3A_1335, 8 : i32
        %dma_start3A_1337 = arith.constant 8 : i32
        %dma_start3A_1338 = arith.constant 0 : i32
        %dma_start3A_1339 = tpu.memref_slice %arg8[%dma_start3A_1337, %dma_start3A_1338] : memref<512x51xf32, #tpu.memory_space<vmem>> -> memref<8x51xf32, #tpu.memory_space<vmem>>
        %dma_start3A_1340 = arith.constant 0 : i32
        %dma_start3A_1341 = tpu.memref_slice %arg3[%multiple_of3A_1336, %dma_start3A_1340] : memref<1000001x51xf32, #tpu.memory_space<hbm>> -> memref<8x51xf32, #tpu.memory_space<hbm>>
        %dma_start3A_1342 = arith.constant 8 : i32
        %dma_start3A_1343 = arith.constant 0 : i32
        %dma_start3A_1344 = tpu.memref_slice %arg8[%dma_start3A_1342, %dma_start3A_1343] : memref<512x51xf32, #tpu.memory_space<vmem>> -> memref<8x51xf32, #tpu.memory_space<vmem>>
        %dma_start3A_1345 = arith.constant 0 : i32
        %dma_start3A_1346 = tpu.memref_slice %arg3[%multiple_of3A_1336, %dma_start3A_1345] : memref<1000001x51xf32, #tpu.memory_space<hbm>> -> memref<8x51xf32, #tpu.memory_space<hbm>>
        tpu.enqueue_dma source(%dma_start3A_1346 : memref<8x51xf32, #tpu.memory_space<hbm>>) target(%dma_start3A_1344 : memref<8x51xf32, #tpu.memory_space<vmem>>) target_semaphore(%arg10 : memref<!tpu.dma_semaphore, #tpu.memory_space<semaphore_mem>>)
      } else {
      }
      %slice3A_614 = vector.extract_strided_slice %get3A_585 {offsets = [1], sizes = [1], strides = [1]} : vector<16xi32> to vector<1xi32>
      %squeeze3A_615 = vector.extract %slice3A_614[0] : i32 from vector<1xi32>
      %multiple_of3A_616 = tpu.assume_multiple %squeeze3A_615, 8 : i32
      %dma_start3A_617 = arith.constant 16 : i32
      %dma_start3A_618 = arith.constant 0 : i32
      %dma_start3A_619 = tpu.memref_slice %arg8[%dma_start3A_617, %dma_start3A_618] : memref<512x51xf32, #tpu.memory_space<vmem>> -> memref<8x51xf32, #tpu.memory_space<vmem>>
      %dma_start3A_620 = arith.constant 0 : i32
      %dma_start3A_621 = tpu.memref_slice %arg3[%multiple_of3A_616, %dma_start3A_620] : memref<1000001x51xf32, #tpu.memory_space<hbm>> -> memref<8x51xf32, #tpu.memory_space<hbm>>
      %dma_start3A_622 = arith.constant 16 : i32
      %dma_start3A_623 = arith.constant 0 : i32
      %dma_start3A_624 = tpu.memref_slice %arg8[%dma_start3A_622, %dma_start3A_623] : memref<512x51xf32, #tpu.memory_space<vmem>> -> memref<8x51xf32, #tpu.memory_space<vmem>>
      %dma_start3A_625 = arith.constant 0 : i32
      %dma_start3A_626 = tpu.memref_slice %arg3[%multiple_of3A_616, %dma_start3A_625] : memref<1000001x51xf32, #tpu.memory_space<hbm>> -> memref<8x51xf32, #tpu.memory_space<hbm>>
      tpu.enqueue_dma source(%dma_start3A_626 : memref<8x51xf32, #tpu.memory_space<hbm>>) target(%dma_start3A_624 : memref<8x51xf32, #tpu.memory_space<vmem>>) target_semaphore(%arg10 : memref<!tpu.dma_semaphore, #tpu.memory_space<semaphore_mem>>)
      %slice3A_627 = vector.extract_strided_slice %convert_element_type3A_595 {offsets = [1], sizes = [1], strides = [1]} : vector<16xi32> to vector<1xi32>
      %squeeze3A_628 = vector.extract %slice3A_627[0] : i32 from vector<1xi32>
      %eq3A_629 = arith.constant 1 : i32
      %eq3A_630 = arith.cmpi eq, %squeeze3A_628, %eq3A_629 : i32
      %convert_element_type3A_631 = arith.extui %eq3A_630 : i1 to i32
      %cond3A_632 = arith.constant 0 : i32
      %cond3A_633 = arith.cmpi ne, %convert_element_type3A_631, %cond3A_632 : i32
      scf.if %cond3A_633 {
        %slice3A_1332 = vector.extract_strided_slice %get3A_585 {offsets = [1], sizes = [1], strides = [1]} : vector<16xi32> to vector<1xi32>
        %squeeze3A_1333 = vector.extract %slice3A_1332[0] : i32 from vector<1xi32>
        %add3A_1334 = arith.constant 8 : i32
        %add3A_1335 = arith.addi %squeeze3A_1333, %add3A_1334 : i32
        %multiple_of3A_1336 = tpu.assume_multiple %add3A_1335, 8 : i32
        %dma_start3A_1337 = arith.constant 24 : i32
        %dma_start3A_1338 = arith.constant 0 : i32
        %dma_start3A_1339 = tpu.memref_slice %arg8[%dma_start3A_1337, %dma_start3A_1338] : memref<512x51xf32, #tpu.memory_space<vmem>> -> memref<8x51xf32, #tpu.memory_space<vmem>>
        %dma_start3A_1340 = arith.constant 0 : i32
        %dma_start3A_1341 = tpu.memref_slice %arg3[%multiple_of3A_1336, %dma_start3A_1340] : memref<1000001x51xf32, #tpu.memory_space<hbm>> -> memref<8x51xf32, #tpu.memory_space<hbm>>
        %dma_start3A_1342 = arith.constant 24 : i32
        %dma_start3A_1343 = arith.constant 0 : i32
        %dma_start3A_1344 = tpu.memref_slice %arg8[%dma_start3A_1342, %dma_start3A_1343] : memref<512x51xf32, #tpu.memory_space<vmem>> -> memref<8x51xf32, #tpu.memory_space<vmem>>
        %dma_start3A_1345 = arith.constant 0 : i32
        %dma_start3A_1346 = tpu.memref_slice %arg3[%multiple_of3A_1336, %dma_start3A_1345] : memref<1000001x51xf32, #tpu.memory_space<hbm>> -> memref<8x51xf32, #tpu.memory_space<hbm>>
        tpu.enqueue_dma source(%dma_start3A_1346 : memref<8x51xf32, #tpu.memory_space<hbm>>) target(%dma_start3A_1344 : memref<8x51xf32, #tpu.memory_space<vmem>>) target_semaphore(%arg10 : memref<!tpu.dma_semaphore, #tpu.memory_space<semaphore_mem>>)
      } else {
      }
      %slice3A_634 = vector.extract_strided_slice %get3A_585 {offsets = [2], sizes = [1], strides = [1]} : vector<16xi32> to vector<1xi32>
      %squeeze3A_635 = vector.extract %slice3A_634[0] : i32 from vector<1xi32>
      %multiple_of3A_636 = tpu.assume_multiple %squeeze3A_635, 8 : i32
      %dma_start3A_637 = arith.constant 32 : i32
      %dma_start3A_638 = arith.constant 0 : i32
      %dma_start3A_639 = tpu.memref_slice %arg8[%dma_start3A_637, %dma_start3A_638] : memref<512x51xf32, #tpu.memory_space<vmem>> -> memref<8x51xf32, #tpu.memory_space<vmem>>
      %dma_start3A_640 = arith.constant 0 : i32
      %dma_start3A_641 = tpu.memref_slice %arg3[%multiple_of3A_636, %dma_start3A_640] : memref<1000001x51xf32, #tpu.memory_space<hbm>> -> memref<8x51xf32, #tpu.memory_space<hbm>>
      %dma_start3A_642 = arith.constant 32 : i32
      %dma_start3A_643 = arith.constant 0 : i32
      %dma_start3A_644 = tpu.memref_slice %arg8[%dma_start3A_642, %dma_start3A_643] : memref<512x51xf32, #tpu.memory_space<vmem>> -> memref<8x51xf32, #tpu.memory_space<vmem>>
      %dma_start3A_645 = arith.constant 0 : i32
      %dma_start3A_646 = tpu.memref_slice %arg3[%multiple_of3A_636, %dma_start3A_645] : memref<1000001x51xf32, #tpu.memory_space<hbm>> -> memref<8x51xf32, #tpu.memory_space<hbm>>
      tpu.enqueue_dma source(%dma_start3A_646 : memref<8x51xf32, #tpu.memory_space<hbm>>) target(%dma_start3A_644 : memref<8x51xf32, #tpu.memory_space<vmem>>) target_semaphore(%arg10 : memref<!tpu.dma_semaphore, #tpu.memory_space<semaphore_mem>>)
      %slice3A_647 = vector.extract_strided_slice %convert_element_type3A_595 {offsets = [2], sizes = [1], strides = [1]} : vector<16xi32> to vector<1xi32>
      %squeeze3A_648 = vector.extract %slice3A_647[0] : i32 from vector<1xi32>
      %eq3A_649 = arith.constant 1 : i32
      %eq3A_650 = arith.cmpi eq, %squeeze3A_648, %eq3A_649 : i32
      %convert_element_type3A_651 = arith.extui %eq3A_650 : i1 to i32
      %cond3A_652 = arith.constant 0 : i32
      %cond3A_653 = arith.cmpi ne, %convert_element_type3A_651, %cond3A_652 : i32
      scf.if %cond3A_653 {
        %slice3A_1332 = vector.extract_strided_slice %get3A_585 {offsets = [2], sizes = [1], strides = [1]} : vector<16xi32> to vector<1xi32>
        %squeeze3A_1333 = vector.extract %slice3A_1332[0] : i32 from vector<1xi32>
        %add3A_1334 = arith.constant 8 : i32
        %add3A_1335 = arith.addi %squeeze3A_1333, %add3A_1334 : i32
        %multiple_of3A_1336 = tpu.assume_multiple %add3A_1335, 8 : i32
        %dma_start3A_1337 = arith.constant 40 : i32
        %dma_start3A_1338 = arith.constant 0 : i32
        %dma_start3A_1339 = tpu.memref_slice %arg8[%dma_start3A_1337, %dma_start3A_1338] : memref<512x51xf32, #tpu.memory_space<vmem>> -> memref<8x51xf32, #tpu.memory_space<vmem>>
        %dma_start3A_1340 = arith.constant 0 : i32
        %dma_start3A_1341 = tpu.memref_slice %arg3[%multiple_of3A_1336, %dma_start3A_1340] : memref<1000001x51xf32, #tpu.memory_space<hbm>> -> memref<8x51xf32, #tpu.memory_space<hbm>>
        %dma_start3A_1342 = arith.constant 40 : i32
        %dma_start3A_1343 = arith.constant 0 : i32
        %dma_start3A_1344 = tpu.memref_slice %arg8[%dma_start3A_1342, %dma_start3A_1343] : memref<512x51xf32, #tpu.memory_space<vmem>> -> memref<8x51xf32, #tpu.memory_space<vmem>>
        %dma_start3A_1345 = arith.constant 0 : i32
        %dma_start3A_1346 = tpu.memref_slice %arg3[%multiple_of3A_1336, %dma_start3A_1345] : memref<1000001x51xf32, #tpu.memory_space<hbm>> -> memref<8x51xf32, #tpu.memory_space<hbm>>
        tpu.enqueue_dma source(%dma_start3A_1346 : memref<8x51xf32, #tpu.memory_space<hbm>>) target(%dma_start3A_1344 : memref<8x51xf32, #tpu.memory_space<vmem>>) target_semaphore(%arg10 : memref<!tpu.dma_semaphore, #tpu.memory_space<semaphore_mem>>)
      } else {
      }
      %slice3A_654 = vector.extract_strided_slice %get3A_585 {offsets = [3], sizes = [1], strides = [1]} : vector<16xi32> to vector<1xi32>
      %squeeze3A_655 = vector.extract %slice3A_654[0] : i32 from vector<1xi32>
      %multiple_of3A_656 = tpu.assume_multiple %squeeze3A_655, 8 : i32
      %dma_start3A_657 = arith.constant 48 : i32
      %dma_start3A_658 = arith.constant 0 : i32
      %dma_start3A_659 = tpu.memref_slice %arg8[%dma_start3A_657, %dma_start3A_658] : memref<512x51xf32, #tpu.memory_space<vmem>> -> memref<8x51xf32, #tpu.memory_space<vmem>>
      %dma_start3A_660 = arith.constant 0 : i32
      %dma_start3A_661 = tpu.memref_slice %arg3[%multiple_of3A_656, %dma_start3A_660] : memref<1000001x51xf32, #tpu.memory_space<hbm>> -> memref<8x51xf32, #tpu.memory_space<hbm>>
      %dma_start3A_662 = arith.constant 48 : i32
      %dma_start3A_663 = arith.constant 0 : i32
      %dma_start3A_664 = tpu.memref_slice %arg8[%dma_start3A_662, %dma_start3A_663] : memref<512x51xf32, #tpu.memory_space<vmem>> -> memref<8x51xf32, #tpu.memory_space<vmem>>
      %dma_start3A_665 = arith.constant 0 : i32
      %dma_start3A_666 = tpu.memref_slice %arg3[%multiple_of3A_656, %dma_start3A_665] : memref<1000001x51xf32, #tpu.memory_space<hbm>> -> memref<8x51xf32, #tpu.memory_space<hbm>>
      tpu.enqueue_dma source(%dma_start3A_666 : memref<8x51xf32, #tpu.memory_space<hbm>>) target(%dma_start3A_664 : memref<8x51xf32, #tpu.memory_space<vmem>>) target_semaphore(%arg10 : memref<!tpu.dma_semaphore, #tpu.memory_space<semaphore_mem>>)
      %slice3A_667 = vector.extract_strided_slice %convert_element_type3A_595 {offsets = [3], sizes = [1], strides = [1]} : vector<16xi32> to vector<1xi32>
      %squeeze3A_668 = vector.extract %slice3A_667[0] : i32 from vector<1xi32>
      %eq3A_669 = arith.constant 1 : i32
      %eq3A_670 = arith.cmpi eq, %squeeze3A_668, %eq3A_669 : i32
      %convert_element_type3A_671 = arith.extui %eq3A_670 : i1 to i32
      %cond3A_672 = arith.constant 0 : i32
      %cond3A_673 = arith.cmpi ne, %convert_element_type3A_671, %cond3A_672 : i32
      scf.if %cond3A_673 {
        %slice3A_1332 = vector.extract_strided_slice %get3A_585 {offsets = [3], sizes = [1], strides = [1]} : vector<16xi32> to vector<1xi32>
        %squeeze3A_1333 = vector.extract %slice3A_1332[0] : i32 from vector<1xi32>
        %add3A_1334 = arith.constant 8 : i32
        %add3A_1335 = arith.addi %squeeze3A_1333, %add3A_1334 : i32
        %multiple_of3A_1336 = tpu.assume_multiple %add3A_1335, 8 : i32
        %dma_start3A_1337 = arith.constant 56 : i32
        %dma_start3A_1338 = arith.constant 0 : i32
        %dma_start3A_1339 = tpu.memref_slice %arg8[%dma_start3A_1337, %dma_start3A_1338] : memref<512x51xf32, #tpu.memory_space<vmem>> -> memref<8x51xf32, #tpu.memory_space<vmem>>
        %dma_start3A_1340 = arith.constant 0 : i32
        %dma_start3A_1341 = tpu.memref_slice %arg3[%multiple_of3A_1336, %dma_start3A_1340] : memref<1000001x51xf32, #tpu.memory_space<hbm>> -> memref<8x51xf32, #tpu.memory_space<hbm>>
        %dma_start3A_1342 = arith.constant 56 : i32
        %dma_start3A_1343 = arith.constant 0 : i32
        %dma_start3A_1344 = tpu.memref_slice %arg8[%dma_start3A_1342, %dma_start3A_1343] : memref<512x51xf32, #tpu.memory_space<vmem>> -> memref<8x51xf32, #tpu.memory_space<vmem>>
        %dma_start3A_1345 = arith.constant 0 : i32
        %dma_start3A_1346 = tpu.memref_slice %arg3[%multiple_of3A_1336, %dma_start3A_1345] : memref<1000001x51xf32, #tpu.memory_space<hbm>> -> memref<8x51xf32, #tpu.memory_space<hbm>>
        tpu.enqueue_dma source(%dma_start3A_1346 : memref<8x51xf32, #tpu.memory_space<hbm>>) target(%dma_start3A_1344 : memref<8x51xf32, #tpu.memory_space<vmem>>) target_semaphore(%arg10 : memref<!tpu.dma_semaphore, #tpu.memory_space<semaphore_mem>>)
      } else {
      }
      %slice3A_674 = vector.extract_strided_slice %get3A_585 {offsets = [4], sizes = [1], strides = [1]} : vector<16xi32> to vector<1xi32>
      %squeeze3A_675 = vector.extract %slice3A_674[0] : i32 from vector<1xi32>
      %multiple_of3A_676 = tpu.assume_multiple %squeeze3A_675, 8 : i32
      %dma_start3A_677 = arith.constant 64 : i32
      %dma_start3A_678 = arith.constant 0 : i32
      %dma_start3A_679 = tpu.memref_slice %arg8[%dma_start3A_677, %dma_start3A_678] : memref<512x51xf32, #tpu.memory_space<vmem>> -> memref<8x51xf32, #tpu.memory_space<vmem>>
      %dma_start3A_680 = arith.constant 0 : i32
      %dma_start3A_681 = tpu.memref_slice %arg3[%multiple_of3A_676, %dma_start3A_680] : memref<1000001x51xf32, #tpu.memory_space<hbm>> -> memref<8x51xf32, #tpu.memory_space<hbm>>
      %dma_start3A_682 = arith.constant 64 : i32
      %dma_start3A_683 = arith.constant 0 : i32
      %dma_start3A_684 = tpu.memref_slice %arg8[%dma_start3A_682, %dma_start3A_683] : memref<512x51xf32, #tpu.memory_space<vmem>> -> memref<8x51xf32, #tpu.memory_space<vmem>>
      %dma_start3A_685 = arith.constant 0 : i32
      %dma_start3A_686 = tpu.memref_slice %arg3[%multiple_of3A_676, %dma_start3A_685] : memref<1000001x51xf32, #tpu.memory_space<hbm>> -> memref<8x51xf32, #tpu.memory_space<hbm>>
      tpu.enqueue_dma source(%dma_start3A_686 : memref<8x51xf32, #tpu.memory_space<hbm>>) target(%dma_start3A_684 : memref<8x51xf32, #tpu.memory_space<vmem>>) target_semaphore(%arg10 : memref<!tpu.dma_semaphore, #tpu.memory_space<semaphore_mem>>)
      %slice3A_687 = vector.extract_strided_slice %convert_element_type3A_595 {offsets = [4], sizes = [1], strides = [1]} : vector<16xi32> to vector<1xi32>
      %squeeze3A_688 = vector.extract %slice3A_687[0] : i32 from vector<1xi32>
      %eq3A_689 = arith.constant 1 : i32
      %eq3A_690 = arith.cmpi eq, %squeeze3A_688, %eq3A_689 : i32
      %convert_element_type3A_691 = arith.extui %eq3A_690 : i1 to i32
      %cond3A_692 = arith.constant 0 : i32
      %cond3A_693 = arith.cmpi ne, %convert_element_type3A_691, %cond3A_692 : i32
      scf.if %cond3A_693 {
        %slice3A_1332 = vector.extract_strided_slice %get3A_585 {offsets = [4], sizes = [1], strides = [1]} : vector<16xi32> to vector<1xi32>
        %squeeze3A_1333 = vector.extract %slice3A_1332[0] : i32 from vector<1xi32>
        %add3A_1334 = arith.constant 8 : i32
        %add3A_1335 = arith.addi %squeeze3A_1333, %add3A_1334 : i32
        %multiple_of3A_1336 = tpu.assume_multiple %add3A_1335, 8 : i32
        %dma_start3A_1337 = arith.constant 72 : i32
        %dma_start3A_1338 = arith.constant 0 : i32
        %dma_start3A_1339 = tpu.memref_slice %arg8[%dma_start3A_1337, %dma_start3A_1338] : memref<512x51xf32, #tpu.memory_space<vmem>> -> memref<8x51xf32, #tpu.memory_space<vmem>>
        %dma_start3A_1340 = arith.constant 0 : i32
        %dma_start3A_1341 = tpu.memref_slice %arg3[%multiple_of3A_1336, %dma_start3A_1340] : memref<1000001x51xf32, #tpu.memory_space<hbm>> -> memref<8x51xf32, #tpu.memory_space<hbm>>
        %dma_start3A_1342 = arith.constant 72 : i32
        %dma_start3A_1343 = arith.constant 0 : i32
        %dma_start3A_1344 = tpu.memref_slice %arg8[%dma_start3A_1342, %dma_start3A_1343] : memref<512x51xf32, #tpu.memory_space<vmem>> -> memref<8x51xf32, #tpu.memory_space<vmem>>
        %dma_start3A_1345 = arith.constant 0 : i32
        %dma_start3A_1346 = tpu.memref_slice %arg3[%multiple_of3A_1336, %dma_start3A_1345] : memref<1000001x51xf32, #tpu.memory_space<hbm>> -> memref<8x51xf32, #tpu.memory_space<hbm>>
        tpu.enqueue_dma source(%dma_start3A_1346 : memref<8x51xf32, #tpu.memory_space<hbm>>) target(%dma_start3A_1344 : memref<8x51xf32, #tpu.memory_space<vmem>>) target_semaphore(%arg10 : memref<!tpu.dma_semaphore, #tpu.memory_space<semaphore_mem>>)
      } else {
      }
      %slice3A_694 = vector.extract_strided_slice %get3A_585 {offsets = [5], sizes = [1], strides = [1]} : vector<16xi32> to vector<1xi32>
      %squeeze3A_695 = vector.extract %slice3A_694[0] : i32 from vector<1xi32>
      %multiple_of3A_696 = tpu.assume_multiple %squeeze3A_695, 8 : i32
      %dma_start3A_697 = arith.constant 80 : i32
      %dma_start3A_698 = arith.constant 0 : i32
      %dma_start3A_699 = tpu.memref_slice %arg8[%dma_start3A_697, %dma_start3A_698] : memref<512x51xf32, #tpu.memory_space<vmem>> -> memref<8x51xf32, #tpu.memory_space<vmem>>
      %dma_start3A_700 = arith.constant 0 : i32
      %dma_start3A_701 = tpu.memref_slice %arg3[%multiple_of3A_696, %dma_start3A_700] : memref<1000001x51xf32, #tpu.memory_space<hbm>> -> memref<8x51xf32, #tpu.memory_space<hbm>>
      %dma_start3A_702 = arith.constant 80 : i32
      %dma_start3A_703 = arith.constant 0 : i32
      %dma_start3A_704 = tpu.memref_slice %arg8[%dma_start3A_702, %dma_start3A_703] : memref<512x51xf32, #tpu.memory_space<vmem>> -> memref<8x51xf32, #tpu.memory_space<vmem>>
      %dma_start3A_705 = arith.constant 0 : i32
      %dma_start3A_706 = tpu.memref_slice %arg3[%multiple_of3A_696, %dma_start3A_705] : memref<1000001x51xf32, #tpu.memory_space<hbm>> -> memref<8x51xf32, #tpu.memory_space<hbm>>
      tpu.enqueue_dma source(%dma_start3A_706 : memref<8x51xf32, #tpu.memory_space<hbm>>) target(%dma_start3A_704 : memref<8x51xf32, #tpu.memory_space<vmem>>) target_semaphore(%arg10 : memref<!tpu.dma_semaphore, #tpu.memory_space<semaphore_mem>>)
      %slice3A_707 = vector.extract_strided_slice %convert_element_type3A_595 {offsets = [5], sizes = [1], strides = [1]} : vector<16xi32> to vector<1xi32>
      %squeeze3A_708 = vector.extract %slice3A_707[0] : i32 from vector<1xi32>
      %eq3A_709 = arith.constant 1 : i32
      %eq3A_710 = arith.cmpi eq, %squeeze3A_708, %eq3A_709 : i32
      %convert_element_type3A_711 = arith.extui %eq3A_710 : i1 to i32
      %cond3A_712 = arith.constant 0 : i32
      %cond3A_713 = arith.cmpi ne, %convert_element_type3A_711, %cond3A_712 : i32
      scf.if %cond3A_713 {
        %slice3A_1332 = vector.extract_strided_slice %get3A_585 {offsets = [5], sizes = [1], strides = [1]} : vector<16xi32> to vector<1xi32>
        %squeeze3A_1333 = vector.extract %slice3A_1332[0] : i32 from vector<1xi32>
        %add3A_1334 = arith.constant 8 : i32
        %add3A_1335 = arith.addi %squeeze3A_1333, %add3A_1334 : i32
        %multiple_of3A_1336 = tpu.assume_multiple %add3A_1335, 8 : i32
        %dma_start3A_1337 = arith.constant 88 : i32
        %dma_start3A_1338 = arith.constant 0 : i32
        %dma_start3A_1339 = tpu.memref_slice %arg8[%dma_start3A_1337, %dma_start3A_1338] : memref<512x51xf32, #tpu.memory_space<vmem>> -> memref<8x51xf32, #tpu.memory_space<vmem>>
        %dma_start3A_1340 = arith.constant 0 : i32
        %dma_start3A_1341 = tpu.memref_slice %arg3[%multiple_of3A_1336, %dma_start3A_1340] : memref<1000001x51xf32, #tpu.memory_space<hbm>> -> memref<8x51xf32, #tpu.memory_space<hbm>>
        %dma_start3A_1342 = arith.constant 88 : i32
        %dma_start3A_1343 = arith.constant 0 : i32
        %dma_start3A_1344 = tpu.memref_slice %arg8[%dma_start3A_1342, %dma_start3A_1343] : memref<512x51xf32, #tpu.memory_space<vmem>> -> memref<8x51xf32, #tpu.memory_space<vmem>>
        %dma_start3A_1345 = arith.constant 0 : i32
        %dma_start3A_1346 = tpu.memref_slice %arg3[%multiple_of3A_1336, %dma_start3A_1345] : memref<1000001x51xf32, #tpu.memory_space<hbm>> -> memref<8x51xf32, #tpu.memory_space<hbm>>
        tpu.enqueue_dma source(%dma_start3A_1346 : memref<8x51xf32, #tpu.memory_space<hbm>>) target(%dma_start3A_1344 : memref<8x51xf32, #tpu.memory_space<vmem>>) target_semaphore(%arg10 : memref<!tpu.dma_semaphore, #tpu.memory_space<semaphore_mem>>)
      } else {
      }
      %slice3A_714 = vector.extract_strided_slice %get3A_585 {offsets = [6], sizes = [1], strides = [1]} : vector<16xi32> to vector<1xi32>
      %squeeze3A_715 = vector.extract %slice3A_714[0] : i32 from vector<1xi32>
      %multiple_of3A_716 = tpu.assume_multiple %squeeze3A_715, 8 : i32
      %dma_start3A_717 = arith.constant 96 : i32
      %dma_start3A_718 = arith.constant 0 : i32
      %dma_start3A_719 = tpu.memref_slice %arg8[%dma_start3A_717, %dma_start3A_718] : memref<512x51xf32, #tpu.memory_space<vmem>> -> memref<8x51xf32, #tpu.memory_space<vmem>>
      %dma_start3A_720 = arith.constant 0 : i32
      %dma_start3A_721 = tpu.memref_slice %arg3[%multiple_of3A_716, %dma_start3A_720] : memref<1000001x51xf32, #tpu.memory_space<hbm>> -> memref<8x51xf32, #tpu.memory_space<hbm>>
      %dma_start3A_722 = arith.constant 96 : i32
      %dma_start3A_723 = arith.constant 0 : i32
      %dma_start3A_724 = tpu.memref_slice %arg8[%dma_start3A_722, %dma_start3A_723] : memref<512x51xf32, #tpu.memory_space<vmem>> -> memref<8x51xf32, #tpu.memory_space<vmem>>
      %dma_start3A_725 = arith.constant 0 : i32
      %dma_start3A_726 = tpu.memref_slice %arg3[%multiple_of3A_716, %dma_start3A_725] : memref<1000001x51xf32, #tpu.memory_space<hbm>> -> memref<8x51xf32, #tpu.memory_space<hbm>>
      tpu.enqueue_dma source(%dma_start3A_726 : memref<8x51xf32, #tpu.memory_space<hbm>>) target(%dma_start3A_724 : memref<8x51xf32, #tpu.memory_space<vmem>>) target_semaphore(%arg10 : memref<!tpu.dma_semaphore, #tpu.memory_space<semaphore_mem>>)
      %slice3A_727 = vector.extract_strided_slice %convert_element_type3A_595 {offsets = [6], sizes = [1], strides = [1]} : vector<16xi32> to vector<1xi32>
      %squeeze3A_728 = vector.extract %slice3A_727[0] : i32 from vector<1xi32>
      %eq3A_729 = arith.constant 1 : i32
      %eq3A_730 = arith.cmpi eq, %squeeze3A_728, %eq3A_729 : i32
      %convert_element_type3A_731 = arith.extui %eq3A_730 : i1 to i32
      %cond3A_732 = arith.constant 0 : i32
      %cond3A_733 = arith.cmpi ne, %convert_element_type3A_731, %cond3A_732 : i32
      scf.if %cond3A_733 {
        %slice3A_1332 = vector.extract_strided_slice %get3A_585 {offsets = [6], sizes = [1], strides = [1]} : vector<16xi32> to vector<1xi32>
        %squeeze3A_1333 = vector.extract %slice3A_1332[0] : i32 from vector<1xi32>
        %add3A_1334 = arith.constant 8 : i32
        %add3A_1335 = arith.addi %squeeze3A_1333, %add3A_1334 : i32
        %multiple_of3A_1336 = tpu.assume_multiple %add3A_1335, 8 : i32
        %dma_start3A_1337 = arith.constant 104 : i32
        %dma_start3A_1338 = arith.constant 0 : i32
        %dma_start3A_1339 = tpu.memref_slice %arg8[%dma_start3A_1337, %dma_start3A_1338] : memref<512x51xf32, #tpu.memory_space<vmem>> -> memref<8x51xf32, #tpu.memory_space<vmem>>
        %dma_start3A_1340 = arith.constant 0 : i32
        %dma_start3A_1341 = tpu.memref_slice %arg3[%multiple_of3A_1336, %dma_start3A_1340] : memref<1000001x51xf32, #tpu.memory_space<hbm>> -> memref<8x51xf32, #tpu.memory_space<hbm>>
        %dma_start3A_1342 = arith.constant 104 : i32
        %dma_start3A_1343 = arith.constant 0 : i32
        %dma_start3A_1344 = tpu.memref_slice %arg8[%dma_start3A_1342, %dma_start3A_1343] : memref<512x51xf32, #tpu.memory_space<vmem>> -> memref<8x51xf32, #tpu.memory_space<vmem>>
        %dma_start3A_1345 = arith.constant 0 : i32
        %dma_start3A_1346 = tpu.memref_slice %arg3[%multiple_of3A_1336, %dma_start3A_1345] : memref<1000001x51xf32, #tpu.memory_space<hbm>> -> memref<8x51xf32, #tpu.memory_space<hbm>>
        tpu.enqueue_dma source(%dma_start3A_1346 : memref<8x51xf32, #tpu.memory_space<hbm>>) target(%dma_start3A_1344 : memref<8x51xf32, #tpu.memory_space<vmem>>) target_semaphore(%arg10 : memref<!tpu.dma_semaphore, #tpu.memory_space<semaphore_mem>>)
      } else {
      }
      %slice3A_734 = vector.extract_strided_slice %get3A_585 {offsets = [7], sizes = [1], strides = [1]} : vector<16xi32> to vector<1xi32>
      %squeeze3A_735 = vector.extract %slice3A_734[0] : i32 from vector<1xi32>
      %multiple_of3A_736 = tpu.assume_multiple %squeeze3A_735, 8 : i32
      %dma_start3A_737 = arith.constant 112 : i32
      %dma_start3A_738 = arith.constant 0 : i32
      %dma_start3A_739 = tpu.memref_slice %arg8[%dma_start3A_737, %dma_start3A_738] : memref<512x51xf32, #tpu.memory_space<vmem>> -> memref<8x51xf32, #tpu.memory_space<vmem>>
      %dma_start3A_740 = arith.constant 0 : i32
      %dma_start3A_741 = tpu.memref_slice %arg3[%multiple_of3A_736, %dma_start3A_740] : memref<1000001x51xf32, #tpu.memory_space<hbm>> -> memref<8x51xf32, #tpu.memory_space<hbm>>
      %dma_start3A_742 = arith.constant 112 : i32
      %dma_start3A_743 = arith.constant 0 : i32
      %dma_start3A_744 = tpu.memref_slice %arg8[%dma_start3A_742, %dma_start3A_743] : memref<512x51xf32, #tpu.memory_space<vmem>> -> memref<8x51xf32, #tpu.memory_space<vmem>>
      %dma_start3A_745 = arith.constant 0 : i32
      %dma_start3A_746 = tpu.memref_slice %arg3[%multiple_of3A_736, %dma_start3A_745] : memref<1000001x51xf32, #tpu.memory_space<hbm>> -> memref<8x51xf32, #tpu.memory_space<hbm>>
      tpu.enqueue_dma source(%dma_start3A_746 : memref<8x51xf32, #tpu.memory_space<hbm>>) target(%dma_start3A_744 : memref<8x51xf32, #tpu.memory_space<vmem>>) target_semaphore(%arg10 : memref<!tpu.dma_semaphore, #tpu.memory_space<semaphore_mem>>)
      %slice3A_747 = vector.extract_strided_slice %convert_element_type3A_595 {offsets = [7], sizes = [1], strides = [1]} : vector<16xi32> to vector<1xi32>
      %squeeze3A_748 = vector.extract %slice3A_747[0] : i32 from vector<1xi32>
      %eq3A_749 = arith.constant 1 : i32
      %eq3A_750 = arith.cmpi eq, %squeeze3A_748, %eq3A_749 : i32
      %convert_element_type3A_751 = arith.extui %eq3A_750 : i1 to i32
      %cond3A_752 = arith.constant 0 : i32
      %cond3A_753 = arith.cmpi ne, %convert_element_type3A_751, %cond3A_752 : i32
      scf.if %cond3A_753 {
        %slice3A_1332 = vector.extract_strided_slice %get3A_585 {offsets = [7], sizes = [1], strides = [1]} : vector<16xi32> to vector<1xi32>
        %squeeze3A_1333 = vector.extract %slice3A_1332[0] : i32 from vector<1xi32>
        %add3A_1334 = arith.constant 8 : i32
        %add3A_1335 = arith.addi %squeeze3A_1333, %add3A_1334 : i32
        %multiple_of3A_1336 = tpu.assume_multiple %add3A_1335, 8 : i32
        %dma_start3A_1337 = arith.constant 120 : i32
        %dma_start3A_1338 = arith.constant 0 : i32
        %dma_start3A_1339 = tpu.memref_slice %arg8[%dma_start3A_1337, %dma_start3A_1338] : memref<512x51xf32, #tpu.memory_space<vmem>> -> memref<8x51xf32, #tpu.memory_space<vmem>>
        %dma_start3A_1340 = arith.constant 0 : i32
        %dma_start3A_1341 = tpu.memref_slice %arg3[%multiple_of3A_1336, %dma_start3A_1340] : memref<1000001x51xf32, #tpu.memory_space<hbm>> -> memref<8x51xf32, #tpu.memory_space<hbm>>
        %dma_start3A_1342 = arith.constant 120 : i32
        %dma_start3A_1343 = arith.constant 0 : i32
        %dma_start3A_1344 = tpu.memref_slice %arg8[%dma_start3A_1342, %dma_start3A_1343] : memref<512x51xf32, #tpu.memory_space<vmem>> -> memref<8x51xf32, #tpu.memory_space<vmem>>
        %dma_start3A_1345 = arith.constant 0 : i32
        %dma_start3A_1346 = tpu.memref_slice %arg3[%multiple_of3A_1336, %dma_start3A_1345] : memref<1000001x51xf32, #tpu.memory_space<hbm>> -> memref<8x51xf32, #tpu.memory_space<hbm>>
        tpu.enqueue_dma source(%dma_start3A_1346 : memref<8x51xf32, #tpu.memory_space<hbm>>) target(%dma_start3A_1344 : memref<8x51xf32, #tpu.memory_space<vmem>>) target_semaphore(%arg10 : memref<!tpu.dma_semaphore, #tpu.memory_space<semaphore_mem>>)
      } else {
      }
      %slice3A_754 = vector.extract_strided_slice %get3A_585 {offsets = [8], sizes = [1], strides = [1]} : vector<16xi32> to vector<1xi32>
      %squeeze3A_755 = vector.extract %slice3A_754[0] : i32 from vector<1xi32>
      %multiple_of3A_756 = tpu.assume_multiple %squeeze3A_755, 8 : i32
      %dma_start3A_757 = arith.constant 128 : i32
      %dma_start3A_758 = arith.constant 0 : i32
      %dma_start3A_759 = tpu.memref_slice %arg8[%dma_start3A_757, %dma_start3A_758] : memref<512x51xf32, #tpu.memory_space<vmem>> -> memref<8x51xf32, #tpu.memory_space<vmem>>
      %dma_start3A_760 = arith.constant 0 : i32
      %dma_start3A_761 = tpu.memref_slice %arg3[%multiple_of3A_756, %dma_start3A_760] : memref<1000001x51xf32, #tpu.memory_space<hbm>> -> memref<8x51xf32, #tpu.memory_space<hbm>>
      %dma_start3A_762 = arith.constant 128 : i32
      %dma_start3A_763 = arith.constant 0 : i32
      %dma_start3A_764 = tpu.memref_slice %arg8[%dma_start3A_762, %dma_start3A_763] : memref<512x51xf32, #tpu.memory_space<vmem>> -> memref<8x51xf32, #tpu.memory_space<vmem>>
      %dma_start3A_765 = arith.constant 0 : i32
      %dma_start3A_766 = tpu.memref_slice %arg3[%multiple_of3A_756, %dma_start3A_765] : memref<1000001x51xf32, #tpu.memory_space<hbm>> -> memref<8x51xf32, #tpu.memory_space<hbm>>
      tpu.enqueue_dma source(%dma_start3A_766 : memref<8x51xf32, #tpu.memory_space<hbm>>) target(%dma_start3A_764 : memref<8x51xf32, #tpu.memory_space<vmem>>) target_semaphore(%arg10 : memref<!tpu.dma_semaphore, #tpu.memory_space<semaphore_mem>>)
      %slice3A_767 = vector.extract_strided_slice %convert_element_type3A_595 {offsets = [8], sizes = [1], strides = [1]} : vector<16xi32> to vector<1xi32>
      %squeeze3A_768 = vector.extract %slice3A_767[0] : i32 from vector<1xi32>
      %eq3A_769 = arith.constant 1 : i32
      %eq3A_770 = arith.cmpi eq, %squeeze3A_768, %eq3A_769 : i32
      %convert_element_type3A_771 = arith.extui %eq3A_770 : i1 to i32
      %cond3A_772 = arith.constant 0 : i32
      %cond3A_773 = arith.cmpi ne, %convert_element_type3A_771, %cond3A_772 : i32
      scf.if %cond3A_773 {
        %slice3A_1332 = vector.extract_strided_slice %get3A_585 {offsets = [8], sizes = [1], strides = [1]} : vector<16xi32> to vector<1xi32>
        %squeeze3A_1333 = vector.extract %slice3A_1332[0] : i32 from vector<1xi32>
        %add3A_1334 = arith.constant 8 : i32
        %add3A_1335 = arith.addi %squeeze3A_1333, %add3A_1334 : i32
        %multiple_of3A_1336 = tpu.assume_multiple %add3A_1335, 8 : i32
        %dma_start3A_1337 = arith.constant 136 : i32
        %dma_start3A_1338 = arith.constant 0 : i32
        %dma_start3A_1339 = tpu.memref_slice %arg8[%dma_start3A_1337, %dma_start3A_1338] : memref<512x51xf32, #tpu.memory_space<vmem>> -> memref<8x51xf32, #tpu.memory_space<vmem>>
        %dma_start3A_1340 = arith.constant 0 : i32
        %dma_start3A_1341 = tpu.memref_slice %arg3[%multiple_of3A_1336, %dma_start3A_1340] : memref<1000001x51xf32, #tpu.memory_space<hbm>> -> memref<8x51xf32, #tpu.memory_space<hbm>>
        %dma_start3A_1342 = arith.constant 136 : i32
        %dma_start3A_1343 = arith.constant 0 : i32
        %dma_start3A_1344 = tpu.memref_slice %arg8[%dma_start3A_1342, %dma_start3A_1343] : memref<512x51xf32, #tpu.memory_space<vmem>> -> memref<8x51xf32, #tpu.memory_space<vmem>>
        %dma_start3A_1345 = arith.constant 0 : i32
        %dma_start3A_1346 = tpu.memref_slice %arg3[%multiple_of3A_1336, %dma_start3A_1345] : memref<1000001x51xf32, #tpu.memory_space<hbm>> -> memref<8x51xf32, #tpu.memory_space<hbm>>
        tpu.enqueue_dma source(%dma_start3A_1346 : memref<8x51xf32, #tpu.memory_space<hbm>>) target(%dma_start3A_1344 : memref<8x51xf32, #tpu.memory_space<vmem>>) target_semaphore(%arg10 : memref<!tpu.dma_semaphore, #tpu.memory_space<semaphore_mem>>)
      } else {
      }
      %slice3A_774 = vector.extract_strided_slice %get3A_585 {offsets = [9], sizes = [1], strides = [1]} : vector<16xi32> to vector<1xi32>
      %squeeze3A_775 = vector.extract %slice3A_774[0] : i32 from vector<1xi32>
      %multiple_of3A_776 = tpu.assume_multiple %squeeze3A_775, 8 : i32
      %dma_start3A_777 = arith.constant 144 : i32
      %dma_start3A_778 = arith.constant 0 : i32
      %dma_start3A_779 = tpu.memref_slice %arg8[%dma_start3A_777, %dma_start3A_778] : memref<512x51xf32, #tpu.memory_space<vmem>> -> memref<8x51xf32, #tpu.memory_space<vmem>>
      %dma_start3A_780 = arith.constant 0 : i32
      %dma_start3A_781 = tpu.memref_slice %arg3[%multiple_of3A_776, %dma_start3A_780] : memref<1000001x51xf32, #tpu.memory_space<hbm>> -> memref<8x51xf32, #tpu.memory_space<hbm>>
      %dma_start3A_782 = arith.constant 144 : i32
      %dma_start3A_783 = arith.constant 0 : i32
      %dma_start3A_784 = tpu.memref_slice %arg8[%dma_start3A_782, %dma_start3A_783] : memref<512x51xf32, #tpu.memory_space<vmem>> -> memref<8x51xf32, #tpu.memory_space<vmem>>
      %dma_start3A_785 = arith.constant 0 : i32
      %dma_start3A_786 = tpu.memref_slice %arg3[%multiple_of3A_776, %dma_start3A_785] : memref<1000001x51xf32, #tpu.memory_space<hbm>> -> memref<8x51xf32, #tpu.memory_space<hbm>>
      tpu.enqueue_dma source(%dma_start3A_786 : memref<8x51xf32, #tpu.memory_space<hbm>>) target(%dma_start3A_784 : memref<8x51xf32, #tpu.memory_space<vmem>>) target_semaphore(%arg10 : memref<!tpu.dma_semaphore, #tpu.memory_space<semaphore_mem>>)
      %slice3A_787 = vector.extract_strided_slice %convert_element_type3A_595 {offsets = [9], sizes = [1], strides = [1]} : vector<16xi32> to vector<1xi32>
      %squeeze3A_788 = vector.extract %slice3A_787[0] : i32 from vector<1xi32>
      %eq3A_789 = arith.constant 1 : i32
      %eq3A_790 = arith.cmpi eq, %squeeze3A_788, %eq3A_789 : i32
      %convert_element_type3A_791 = arith.extui %eq3A_790 : i1 to i32
      %cond3A_792 = arith.constant 0 : i32
      %cond3A_793 = arith.cmpi ne, %convert_element_type3A_791, %cond3A_792 : i32
      scf.if %cond3A_793 {
        %slice3A_1332 = vector.extract_strided_slice %get3A_585 {offsets = [9], sizes = [1], strides = [1]} : vector<16xi32> to vector<1xi32>
        %squeeze3A_1333 = vector.extract %slice3A_1332[0] : i32 from vector<1xi32>
        %add3A_1334 = arith.constant 8 : i32
        %add3A_1335 = arith.addi %squeeze3A_1333, %add3A_1334 : i32
        %multiple_of3A_1336 = tpu.assume_multiple %add3A_1335, 8 : i32
        %dma_start3A_1337 = arith.constant 152 : i32
        %dma_start3A_1338 = arith.constant 0 : i32
        %dma_start3A_1339 = tpu.memref_slice %arg8[%dma_start3A_1337, %dma_start3A_1338] : memref<512x51xf32, #tpu.memory_space<vmem>> -> memref<8x51xf32, #tpu.memory_space<vmem>>
        %dma_start3A_1340 = arith.constant 0 : i32
        %dma_start3A_1341 = tpu.memref_slice %arg3[%multiple_of3A_1336, %dma_start3A_1340] : memref<1000001x51xf32, #tpu.memory_space<hbm>> -> memref<8x51xf32, #tpu.memory_space<hbm>>
        %dma_start3A_1342 = arith.constant 152 : i32
        %dma_start3A_1343 = arith.constant 0 : i32
        %dma_start3A_1344 = tpu.memref_slice %arg8[%dma_start3A_1342, %dma_start3A_1343] : memref<512x51xf32, #tpu.memory_space<vmem>> -> memref<8x51xf32, #tpu.memory_space<vmem>>
        %dma_start3A_1345 = arith.constant 0 : i32
        %dma_start3A_1346 = tpu.memref_slice %arg3[%multiple_of3A_1336, %dma_start3A_1345] : memref<1000001x51xf32, #tpu.memory_space<hbm>> -> memref<8x51xf32, #tpu.memory_space<hbm>>
        tpu.enqueue_dma source(%dma_start3A_1346 : memref<8x51xf32, #tpu.memory_space<hbm>>) target(%dma_start3A_1344 : memref<8x51xf32, #tpu.memory_space<vmem>>) target_semaphore(%arg10 : memref<!tpu.dma_semaphore, #tpu.memory_space<semaphore_mem>>)
      } else {
      }
      %slice3A_794 = vector.extract_strided_slice %get3A_585 {offsets = [10], sizes = [1], strides = [1]} : vector<16xi32> to vector<1xi32>
      %squeeze3A_795 = vector.extract %slice3A_794[0] : i32 from vector<1xi32>
      %multiple_of3A_796 = tpu.assume_multiple %squeeze3A_795, 8 : i32
      %dma_start3A_797 = arith.constant 160 : i32
      %dma_start3A_798 = arith.constant 0 : i32
      %dma_start3A_799 = tpu.memref_slice %arg8[%dma_start3A_797, %dma_start3A_798] : memref<512x51xf32, #tpu.memory_space<vmem>> -> memref<8x51xf32, #tpu.memory_space<vmem>>
      %dma_start3A_800 = arith.constant 0 : i32
      %dma_start3A_801 = tpu.memref_slice %arg3[%multiple_of3A_796, %dma_start3A_800] : memref<1000001x51xf32, #tpu.memory_space<hbm>> -> memref<8x51xf32, #tpu.memory_space<hbm>>
      %dma_start3A_802 = arith.constant 160 : i32
      %dma_start3A_803 = arith.constant 0 : i32
      %dma_start3A_804 = tpu.memref_slice %arg8[%dma_start3A_802, %dma_start3A_803] : memref<512x51xf32, #tpu.memory_space<vmem>> -> memref<8x51xf32, #tpu.memory_space<vmem>>
      %dma_start3A_805 = arith.constant 0 : i32
      %dma_start3A_806 = tpu.memref_slice %arg3[%multiple_of3A_796, %dma_start3A_805] : memref<1000001x51xf32, #tpu.memory_space<hbm>> -> memref<8x51xf32, #tpu.memory_space<hbm>>
      tpu.enqueue_dma source(%dma_start3A_806 : memref<8x51xf32, #tpu.memory_space<hbm>>) target(%dma_start3A_804 : memref<8x51xf32, #tpu.memory_space<vmem>>) target_semaphore(%arg10 : memref<!tpu.dma_semaphore, #tpu.memory_space<semaphore_mem>>)
      %slice3A_807 = vector.extract_strided_slice %convert_element_type3A_595 {offsets = [10], sizes = [1], strides = [1]} : vector<16xi32> to vector<1xi32>
      %squeeze3A_808 = vector.extract %slice3A_807[0] : i32 from vector<1xi32>
      %eq3A_809 = arith.constant 1 : i32
      %eq3A_810 = arith.cmpi eq, %squeeze3A_808, %eq3A_809 : i32
      %convert_element_type3A_811 = arith.extui %eq3A_810 : i1 to i32
      %cond3A_812 = arith.constant 0 : i32
      %cond3A_813 = arith.cmpi ne, %convert_element_type3A_811, %cond3A_812 : i32
      scf.if %cond3A_813 {
        %slice3A_1332 = vector.extract_strided_slice %get3A_585 {offsets = [10], sizes = [1], strides = [1]} : vector<16xi32> to vector<1xi32>
        %squeeze3A_1333 = vector.extract %slice3A_1332[0] : i32 from vector<1xi32>
        %add3A_1334 = arith.constant 8 : i32
        %add3A_1335 = arith.addi %squeeze3A_1333, %add3A_1334 : i32
        %multiple_of3A_1336 = tpu.assume_multiple %add3A_1335, 8 : i32
        %dma_start3A_1337 = arith.constant 168 : i32
        %dma_start3A_1338 = arith.constant 0 : i32
        %dma_start3A_1339 = tpu.memref_slice %arg8[%dma_start3A_1337, %dma_start3A_1338] : memref<512x51xf32, #tpu.memory_space<vmem>> -> memref<8x51xf32, #tpu.memory_space<vmem>>
        %dma_start3A_1340 = arith.constant 0 : i32
        %dma_start3A_1341 = tpu.memref_slice %arg3[%multiple_of3A_1336, %dma_start3A_1340] : memref<1000001x51xf32, #tpu.memory_space<hbm>> -> memref<8x51xf32, #tpu.memory_space<hbm>>
        %dma_start3A_1342 = arith.constant 168 : i32
        %dma_start3A_1343 = arith.constant 0 : i32
        %dma_start3A_1344 = tpu.memref_slice %arg8[%dma_start3A_1342, %dma_start3A_1343] : memref<512x51xf32, #tpu.memory_space<vmem>> -> memref<8x51xf32, #tpu.memory_space<vmem>>
        %dma_start3A_1345 = arith.constant 0 : i32
        %dma_start3A_1346 = tpu.memref_slice %arg3[%multiple_of3A_1336, %dma_start3A_1345] : memref<1000001x51xf32, #tpu.memory_space<hbm>> -> memref<8x51xf32, #tpu.memory_space<hbm>>
        tpu.enqueue_dma source(%dma_start3A_1346 : memref<8x51xf32, #tpu.memory_space<hbm>>) target(%dma_start3A_1344 : memref<8x51xf32, #tpu.memory_space<vmem>>) target_semaphore(%arg10 : memref<!tpu.dma_semaphore, #tpu.memory_space<semaphore_mem>>)
      } else {
      }
      %slice3A_814 = vector.extract_strided_slice %get3A_585 {offsets = [11], sizes = [1], strides = [1]} : vector<16xi32> to vector<1xi32>
      %squeeze3A_815 = vector.extract %slice3A_814[0] : i32 from vector<1xi32>
      %multiple_of3A_816 = tpu.assume_multiple %squeeze3A_815, 8 : i32
      %dma_start3A_817 = arith.constant 176 : i32
      %dma_start3A_818 = arith.constant 0 : i32
      %dma_start3A_819 = tpu.memref_slice %arg8[%dma_start3A_817, %dma_start3A_818] : memref<512x51xf32, #tpu.memory_space<vmem>> -> memref<8x51xf32, #tpu.memory_space<vmem>>
      %dma_start3A_820 = arith.constant 0 : i32
      %dma_start3A_821 = tpu.memref_slice %arg3[%multiple_of3A_816, %dma_start3A_820] : memref<1000001x51xf32, #tpu.memory_space<hbm>> -> memref<8x51xf32, #tpu.memory_space<hbm>>
      %dma_start3A_822 = arith.constant 176 : i32
      %dma_start3A_823 = arith.constant 0 : i32
      %dma_start3A_824 = tpu.memref_slice %arg8[%dma_start3A_822, %dma_start3A_823] : memref<512x51xf32, #tpu.memory_space<vmem>> -> memref<8x51xf32, #tpu.memory_space<vmem>>
      %dma_start3A_825 = arith.constant 0 : i32
      %dma_start3A_826 = tpu.memref_slice %arg3[%multiple_of3A_816, %dma_start3A_825] : memref<1000001x51xf32, #tpu.memory_space<hbm>> -> memref<8x51xf32, #tpu.memory_space<hbm>>
      tpu.enqueue_dma source(%dma_start3A_826 : memref<8x51xf32, #tpu.memory_space<hbm>>) target(%dma_start3A_824 : memref<8x51xf32, #tpu.memory_space<vmem>>) target_semaphore(%arg10 : memref<!tpu.dma_semaphore, #tpu.memory_space<semaphore_mem>>)
      %slice3A_827 = vector.extract_strided_slice %convert_element_type3A_595 {offsets = [11], sizes = [1], strides = [1]} : vector<16xi32> to vector<1xi32>
      %squeeze3A_828 = vector.extract %slice3A_827[0] : i32 from vector<1xi32>
      %eq3A_829 = arith.constant 1 : i32
      %eq3A_830 = arith.cmpi eq, %squeeze3A_828, %eq3A_829 : i32
      %convert_element_type3A_831 = arith.extui %eq3A_830 : i1 to i32
      %cond3A_832 = arith.constant 0 : i32
      %cond3A_833 = arith.cmpi ne, %convert_element_type3A_831, %cond3A_832 : i32
      scf.if %cond3A_833 {
        %slice3A_1332 = vector.extract_strided_slice %get3A_585 {offsets = [11], sizes = [1], strides = [1]} : vector<16xi32> to vector<1xi32>
        %squeeze3A_1333 = vector.extract %slice3A_1332[0] : i32 from vector<1xi32>
        %add3A_1334 = arith.constant 8 : i32
        %add3A_1335 = arith.addi %squeeze3A_1333, %add3A_1334 : i32
        %multiple_of3A_1336 = tpu.assume_multiple %add3A_1335, 8 : i32
        %dma_start3A_1337 = arith.constant 184 : i32
        %dma_start3A_1338 = arith.constant 0 : i32
        %dma_start3A_1339 = tpu.memref_slice %arg8[%dma_start3A_1337, %dma_start3A_1338] : memref<512x51xf32, #tpu.memory_space<vmem>> -> memref<8x51xf32, #tpu.memory_space<vmem>>
        %dma_start3A_1340 = arith.constant 0 : i32
        %dma_start3A_1341 = tpu.memref_slice %arg3[%multiple_of3A_1336, %dma_start3A_1340] : memref<1000001x51xf32, #tpu.memory_space<hbm>> -> memref<8x51xf32, #tpu.memory_space<hbm>>
        %dma_start3A_1342 = arith.constant 184 : i32
        %dma_start3A_1343 = arith.constant 0 : i32
        %dma_start3A_1344 = tpu.memref_slice %arg8[%dma_start3A_1342, %dma_start3A_1343] : memref<512x51xf32, #tpu.memory_space<vmem>> -> memref<8x51xf32, #tpu.memory_space<vmem>>
        %dma_start3A_1345 = arith.constant 0 : i32
        %dma_start3A_1346 = tpu.memref_slice %arg3[%multiple_of3A_1336, %dma_start3A_1345] : memref<1000001x51xf32, #tpu.memory_space<hbm>> -> memref<8x51xf32, #tpu.memory_space<hbm>>
        tpu.enqueue_dma source(%dma_start3A_1346 : memref<8x51xf32, #tpu.memory_space<hbm>>) target(%dma_start3A_1344 : memref<8x51xf32, #tpu.memory_space<vmem>>) target_semaphore(%arg10 : memref<!tpu.dma_semaphore, #tpu.memory_space<semaphore_mem>>)
      } else {
      }
      %slice3A_834 = vector.extract_strided_slice %get3A_585 {offsets = [12], sizes = [1], strides = [1]} : vector<16xi32> to vector<1xi32>
      %squeeze3A_835 = vector.extract %slice3A_834[0] : i32 from vector<1xi32>
      %multiple_of3A_836 = tpu.assume_multiple %squeeze3A_835, 8 : i32
      %dma_start3A_837 = arith.constant 192 : i32
      %dma_start3A_838 = arith.constant 0 : i32
      %dma_start3A_839 = tpu.memref_slice %arg8[%dma_start3A_837, %dma_start3A_838] : memref<512x51xf32, #tpu.memory_space<vmem>> -> memref<8x51xf32, #tpu.memory_space<vmem>>
      %dma_start3A_840 = arith.constant 0 : i32
      %dma_start3A_841 = tpu.memref_slice %arg3[%multiple_of3A_836, %dma_start3A_840] : memref<1000001x51xf32, #tpu.memory_space<hbm>> -> memref<8x51xf32, #tpu.memory_space<hbm>>
      %dma_start3A_842 = arith.constant 192 : i32
      %dma_start3A_843 = arith.constant 0 : i32
      %dma_start3A_844 = tpu.memref_slice %arg8[%dma_start3A_842, %dma_start3A_843] : memref<512x51xf32, #tpu.memory_space<vmem>> -> memref<8x51xf32, #tpu.memory_space<vmem>>
      %dma_start3A_845 = arith.constant 0 : i32
      %dma_start3A_846 = tpu.memref_slice %arg3[%multiple_of3A_836, %dma_start3A_845] : memref<1000001x51xf32, #tpu.memory_space<hbm>> -> memref<8x51xf32, #tpu.memory_space<hbm>>
      tpu.enqueue_dma source(%dma_start3A_846 : memref<8x51xf32, #tpu.memory_space<hbm>>) target(%dma_start3A_844 : memref<8x51xf32, #tpu.memory_space<vmem>>) target_semaphore(%arg10 : memref<!tpu.dma_semaphore, #tpu.memory_space<semaphore_mem>>)
      %slice3A_847 = vector.extract_strided_slice %convert_element_type3A_595 {offsets = [12], sizes = [1], strides = [1]} : vector<16xi32> to vector<1xi32>
      %squeeze3A_848 = vector.extract %slice3A_847[0] : i32 from vector<1xi32>
      %eq3A_849 = arith.constant 1 : i32
      %eq3A_850 = arith.cmpi eq, %squeeze3A_848, %eq3A_849 : i32
      %convert_element_type3A_851 = arith.extui %eq3A_850 : i1 to i32
      %cond3A_852 = arith.constant 0 : i32
      %cond3A_853 = arith.cmpi ne, %convert_element_type3A_851, %cond3A_852 : i32
      scf.if %cond3A_853 {
        %slice3A_1332 = vector.extract_strided_slice %get3A_585 {offsets = [12], sizes = [1], strides = [1]} : vector<16xi32> to vector<1xi32>
        %squeeze3A_1333 = vector.extract %slice3A_1332[0] : i32 from vector<1xi32>
        %add3A_1334 = arith.constant 8 : i32
        %add3A_1335 = arith.addi %squeeze3A_1333, %add3A_1334 : i32
        %multiple_of3A_1336 = tpu.assume_multiple %add3A_1335, 8 : i32
        %dma_start3A_1337 = arith.constant 200 : i32
        %dma_start3A_1338 = arith.constant 0 : i32
        %dma_start3A_1339 = tpu.memref_slice %arg8[%dma_start3A_1337, %dma_start3A_1338] : memref<512x51xf32, #tpu.memory_space<vmem>> -> memref<8x51xf32, #tpu.memory_space<vmem>>
        %dma_start3A_1340 = arith.constant 0 : i32
        %dma_start3A_1341 = tpu.memref_slice %arg3[%multiple_of3A_1336, %dma_start3A_1340] : memref<1000001x51xf32, #tpu.memory_space<hbm>> -> memref<8x51xf32, #tpu.memory_space<hbm>>
        %dma_start3A_1342 = arith.constant 200 : i32
        %dma_start3A_1343 = arith.constant 0 : i32
        %dma_start3A_1344 = tpu.memref_slice %arg8[%dma_start3A_1342, %dma_start3A_1343] : memref<512x51xf32, #tpu.memory_space<vmem>> -> memref<8x51xf32, #tpu.memory_space<vmem>>
        %dma_start3A_1345 = arith.constant 0 : i32
        %dma_start3A_1346 = tpu.memref_slice %arg3[%multiple_of3A_1336, %dma_start3A_1345] : memref<1000001x51xf32, #tpu.memory_space<hbm>> -> memref<8x51xf32, #tpu.memory_space<hbm>>
        tpu.enqueue_dma source(%dma_start3A_1346 : memref<8x51xf32, #tpu.memory_space<hbm>>) target(%dma_start3A_1344 : memref<8x51xf32, #tpu.memory_space<vmem>>) target_semaphore(%arg10 : memref<!tpu.dma_semaphore, #tpu.memory_space<semaphore_mem>>)
      } else {
      }
      %slice3A_854 = vector.extract_strided_slice %get3A_585 {offsets = [13], sizes = [1], strides = [1]} : vector<16xi32> to vector<1xi32>
      %squeeze3A_855 = vector.extract %slice3A_854[0] : i32 from vector<1xi32>
      %multiple_of3A_856 = tpu.assume_multiple %squeeze3A_855, 8 : i32
      %dma_start3A_857 = arith.constant 208 : i32
      %dma_start3A_858 = arith.constant 0 : i32
      %dma_start3A_859 = tpu.memref_slice %arg8[%dma_start3A_857, %dma_start3A_858] : memref<512x51xf32, #tpu.memory_space<vmem>> -> memref<8x51xf32, #tpu.memory_space<vmem>>
      %dma_start3A_860 = arith.constant 0 : i32
      %dma_start3A_861 = tpu.memref_slice %arg3[%multiple_of3A_856, %dma_start3A_860] : memref<1000001x51xf32, #tpu.memory_space<hbm>> -> memref<8x51xf32, #tpu.memory_space<hbm>>
      %dma_start3A_862 = arith.constant 208 : i32
      %dma_start3A_863 = arith.constant 0 : i32
      %dma_start3A_864 = tpu.memref_slice %arg8[%dma_start3A_862, %dma_start3A_863] : memref<512x51xf32, #tpu.memory_space<vmem>> -> memref<8x51xf32, #tpu.memory_space<vmem>>
      %dma_start3A_865 = arith.constant 0 : i32
      %dma_start3A_866 = tpu.memref_slice %arg3[%multiple_of3A_856, %dma_start3A_865] : memref<1000001x51xf32, #tpu.memory_space<hbm>> -> memref<8x51xf32, #tpu.memory_space<hbm>>
      tpu.enqueue_dma source(%dma_start3A_866 : memref<8x51xf32, #tpu.memory_space<hbm>>) target(%dma_start3A_864 : memref<8x51xf32, #tpu.memory_space<vmem>>) target_semaphore(%arg10 : memref<!tpu.dma_semaphore, #tpu.memory_space<semaphore_mem>>)
      %slice3A_867 = vector.extract_strided_slice %convert_element_type3A_595 {offsets = [13], sizes = [1], strides = [1]} : vector<16xi32> to vector<1xi32>
      %squeeze3A_868 = vector.extract %slice3A_867[0] : i32 from vector<1xi32>
      %eq3A_869 = arith.constant 1 : i32
      %eq3A_870 = arith.cmpi eq, %squeeze3A_868, %eq3A_869 : i32
      %convert_element_type3A_871 = arith.extui %eq3A_870 : i1 to i32
      %cond3A_872 = arith.constant 0 : i32
      %cond3A_873 = arith.cmpi ne, %convert_element_type3A_871, %cond3A_872 : i32
      scf.if %cond3A_873 {
        %slice3A_1332 = vector.extract_strided_slice %get3A_585 {offsets = [13], sizes = [1], strides = [1]} : vector<16xi32> to vector<1xi32>
        %squeeze3A_1333 = vector.extract %slice3A_1332[0] : i32 from vector<1xi32>
        %add3A_1334 = arith.constant 8 : i32
        %add3A_1335 = arith.addi %squeeze3A_1333, %add3A_1334 : i32
        %multiple_of3A_1336 = tpu.assume_multiple %add3A_1335, 8 : i32
        %dma_start3A_1337 = arith.constant 216 : i32
        %dma_start3A_1338 = arith.constant 0 : i32
        %dma_start3A_1339 = tpu.memref_slice %arg8[%dma_start3A_1337, %dma_start3A_1338] : memref<512x51xf32, #tpu.memory_space<vmem>> -> memref<8x51xf32, #tpu.memory_space<vmem>>
        %dma_start3A_1340 = arith.constant 0 : i32
        %dma_start3A_1341 = tpu.memref_slice %arg3[%multiple_of3A_1336, %dma_start3A_1340] : memref<1000001x51xf32, #tpu.memory_space<hbm>> -> memref<8x51xf32, #tpu.memory_space<hbm>>
        %dma_start3A_1342 = arith.constant 216 : i32
        %dma_start3A_1343 = arith.constant 0 : i32
        %dma_start3A_1344 = tpu.memref_slice %arg8[%dma_start3A_1342, %dma_start3A_1343] : memref<512x51xf32, #tpu.memory_space<vmem>> -> memref<8x51xf32, #tpu.memory_space<vmem>>
        %dma_start3A_1345 = arith.constant 0 : i32
        %dma_start3A_1346 = tpu.memref_slice %arg3[%multiple_of3A_1336, %dma_start3A_1345] : memref<1000001x51xf32, #tpu.memory_space<hbm>> -> memref<8x51xf32, #tpu.memory_space<hbm>>
        tpu.enqueue_dma source(%dma_start3A_1346 : memref<8x51xf32, #tpu.memory_space<hbm>>) target(%dma_start3A_1344 : memref<8x51xf32, #tpu.memory_space<vmem>>) target_semaphore(%arg10 : memref<!tpu.dma_semaphore, #tpu.memory_space<semaphore_mem>>)
      } else {
      }
      %slice3A_874 = vector.extract_strided_slice %get3A_585 {offsets = [14], sizes = [1], strides = [1]} : vector<16xi32> to vector<1xi32>
      %squeeze3A_875 = vector.extract %slice3A_874[0] : i32 from vector<1xi32>
      %multiple_of3A_876 = tpu.assume_multiple %squeeze3A_875, 8 : i32
      %dma_start3A_877 = arith.constant 224 : i32
      %dma_start3A_878 = arith.constant 0 : i32
      %dma_start3A_879 = tpu.memref_slice %arg8[%dma_start3A_877, %dma_start3A_878] : memref<512x51xf32, #tpu.memory_space<vmem>> -> memref<8x51xf32, #tpu.memory_space<vmem>>
      %dma_start3A_880 = arith.constant 0 : i32
      %dma_start3A_881 = tpu.memref_slice %arg3[%multiple_of3A_876, %dma_start3A_880] : memref<1000001x51xf32, #tpu.memory_space<hbm>> -> memref<8x51xf32, #tpu.memory_space<hbm>>
      %dma_start3A_882 = arith.constant 224 : i32
      %dma_start3A_883 = arith.constant 0 : i32
      %dma_start3A_884 = tpu.memref_slice %arg8[%dma_start3A_882, %dma_start3A_883] : memref<512x51xf32, #tpu.memory_space<vmem>> -> memref<8x51xf32, #tpu.memory_space<vmem>>
      %dma_start3A_885 = arith.constant 0 : i32
      %dma_start3A_886 = tpu.memref_slice %arg3[%multiple_of3A_876, %dma_start3A_885] : memref<1000001x51xf32, #tpu.memory_space<hbm>> -> memref<8x51xf32, #tpu.memory_space<hbm>>
      tpu.enqueue_dma source(%dma_start3A_886 : memref<8x51xf32, #tpu.memory_space<hbm>>) target(%dma_start3A_884 : memref<8x51xf32, #tpu.memory_space<vmem>>) target_semaphore(%arg10 : memref<!tpu.dma_semaphore, #tpu.memory_space<semaphore_mem>>)
      %slice3A_887 = vector.extract_strided_slice %convert_element_type3A_595 {offsets = [14], sizes = [1], strides = [1]} : vector<16xi32> to vector<1xi32>
      %squeeze3A_888 = vector.extract %slice3A_887[0] : i32 from vector<1xi32>
      %eq3A_889 = arith.constant 1 : i32
      %eq3A_890 = arith.cmpi eq, %squeeze3A_888, %eq3A_889 : i32
      %convert_element_type3A_891 = arith.extui %eq3A_890 : i1 to i32
      %cond3A_892 = arith.constant 0 : i32
      %cond3A_893 = arith.cmpi ne, %convert_element_type3A_891, %cond3A_892 : i32
      scf.if %cond3A_893 {
        %slice3A_1332 = vector.extract_strided_slice %get3A_585 {offsets = [14], sizes = [1], strides = [1]} : vector<16xi32> to vector<1xi32>
        %squeeze3A_1333 = vector.extract %slice3A_1332[0] : i32 from vector<1xi32>
        %add3A_1334 = arith.constant 8 : i32
        %add3A_1335 = arith.addi %squeeze3A_1333, %add3A_1334 : i32
        %multiple_of3A_1336 = tpu.assume_multiple %add3A_1335, 8 : i32
        %dma_start3A_1337 = arith.constant 232 : i32
        %dma_start3A_1338 = arith.constant 0 : i32
        %dma_start3A_1339 = tpu.memref_slice %arg8[%dma_start3A_1337, %dma_start3A_1338] : memref<512x51xf32, #tpu.memory_space<vmem>> -> memref<8x51xf32, #tpu.memory_space<vmem>>
        %dma_start3A_1340 = arith.constant 0 : i32
        %dma_start3A_1341 = tpu.memref_slice %arg3[%multiple_of3A_1336, %dma_start3A_1340] : memref<1000001x51xf32, #tpu.memory_space<hbm>> -> memref<8x51xf32, #tpu.memory_space<hbm>>
        %dma_start3A_1342 = arith.constant 232 : i32
        %dma_start3A_1343 = arith.constant 0 : i32
        %dma_start3A_1344 = tpu.memref_slice %arg8[%dma_start3A_1342, %dma_start3A_1343] : memref<512x51xf32, #tpu.memory_space<vmem>> -> memref<8x51xf32, #tpu.memory_space<vmem>>
        %dma_start3A_1345 = arith.constant 0 : i32
        %dma_start3A_1346 = tpu.memref_slice %arg3[%multiple_of3A_1336, %dma_start3A_1345] : memref<1000001x51xf32, #tpu.memory_space<hbm>> -> memref<8x51xf32, #tpu.memory_space<hbm>>
        tpu.enqueue_dma source(%dma_start3A_1346 : memref<8x51xf32, #tpu.memory_space<hbm>>) target(%dma_start3A_1344 : memref<8x51xf32, #tpu.memory_space<vmem>>) target_semaphore(%arg10 : memref<!tpu.dma_semaphore, #tpu.memory_space<semaphore_mem>>)
      } else {
      }
      %slice3A_894 = vector.extract_strided_slice %get3A_585 {offsets = [15], sizes = [1], strides = [1]} : vector<16xi32> to vector<1xi32>
      %squeeze3A_895 = vector.extract %slice3A_894[0] : i32 from vector<1xi32>
      %multiple_of3A_896 = tpu.assume_multiple %squeeze3A_895, 8 : i32
      %dma_start3A_897 = arith.constant 240 : i32
      %dma_start3A_898 = arith.constant 0 : i32
      %dma_start3A_899 = tpu.memref_slice %arg8[%dma_start3A_897, %dma_start3A_898] : memref<512x51xf32, #tpu.memory_space<vmem>> -> memref<8x51xf32, #tpu.memory_space<vmem>>
      %dma_start3A_900 = arith.constant 0 : i32
      %dma_start3A_901 = tpu.memref_slice %arg3[%multiple_of3A_896, %dma_start3A_900] : memref<1000001x51xf32, #tpu.memory_space<hbm>> -> memref<8x51xf32, #tpu.memory_space<hbm>>
      %dma_start3A_902 = arith.constant 240 : i32
      %dma_start3A_903 = arith.constant 0 : i32
      %dma_start3A_904 = tpu.memref_slice %arg8[%dma_start3A_902, %dma_start3A_903] : memref<512x51xf32, #tpu.memory_space<vmem>> -> memref<8x51xf32, #tpu.memory_space<vmem>>
      %dma_start3A_905 = arith.constant 0 : i32
      %dma_start3A_906 = tpu.memref_slice %arg3[%multiple_of3A_896, %dma_start3A_905] : memref<1000001x51xf32, #tpu.memory_space<hbm>> -> memref<8x51xf32, #tpu.memory_space<hbm>>
      tpu.enqueue_dma source(%dma_start3A_906 : memref<8x51xf32, #tpu.memory_space<hbm>>) target(%dma_start3A_904 : memref<8x51xf32, #tpu.memory_space<vmem>>) target_semaphore(%arg10 : memref<!tpu.dma_semaphore, #tpu.memory_space<semaphore_mem>>)
      %slice3A_907 = vector.extract_strided_slice %convert_element_type3A_595 {offsets = [15], sizes = [1], strides = [1]} : vector<16xi32> to vector<1xi32>
      %squeeze3A_908 = vector.extract %slice3A_907[0] : i32 from vector<1xi32>
      %eq3A_909 = arith.constant 1 : i32
      %eq3A_910 = arith.cmpi eq, %squeeze3A_908, %eq3A_909 : i32
      %convert_element_type3A_911 = arith.extui %eq3A_910 : i1 to i32
      %cond3A_912 = arith.constant 0 : i32
      %cond3A_913 = arith.cmpi ne, %convert_element_type3A_911, %cond3A_912 : i32
      scf.if %cond3A_913 {
        %slice3A_1332 = vector.extract_strided_slice %get3A_585 {offsets = [15], sizes = [1], strides = [1]} : vector<16xi32> to vector<1xi32>
        %squeeze3A_1333 = vector.extract %slice3A_1332[0] : i32 from vector<1xi32>
        %add3A_1334 = arith.constant 8 : i32
        %add3A_1335 = arith.addi %squeeze3A_1333, %add3A_1334 : i32
        %multiple_of3A_1336 = tpu.assume_multiple %add3A_1335, 8 : i32
        %dma_start3A_1337 = arith.constant 248 : i32
        %dma_start3A_1338 = arith.constant 0 : i32
        %dma_start3A_1339 = tpu.memref_slice %arg8[%dma_start3A_1337, %dma_start3A_1338] : memref<512x51xf32, #tpu.memory_space<vmem>> -> memref<8x51xf32, #tpu.memory_space<vmem>>
        %dma_start3A_1340 = arith.constant 0 : i32
        %dma_start3A_1341 = tpu.memref_slice %arg3[%multiple_of3A_1336, %dma_start3A_1340] : memref<1000001x51xf32, #tpu.memory_space<hbm>> -> memref<8x51xf32, #tpu.memory_space<hbm>>
        %dma_start3A_1342 = arith.constant 248 : i32
        %dma_start3A_1343 = arith.constant 0 : i32
        %dma_start3A_1344 = tpu.memref_slice %arg8[%dma_start3A_1342, %dma_start3A_1343] : memref<512x51xf32, #tpu.memory_space<vmem>> -> memref<8x51xf32, #tpu.memory_space<vmem>>
        %dma_start3A_1345 = arith.constant 0 : i32
        %dma_start3A_1346 = tpu.memref_slice %arg3[%multiple_of3A_1336, %dma_start3A_1345] : memref<1000001x51xf32, #tpu.memory_space<hbm>> -> memref<8x51xf32, #tpu.memory_space<hbm>>
        tpu.enqueue_dma source(%dma_start3A_1346 : memref<8x51xf32, #tpu.memory_space<hbm>>) target(%dma_start3A_1344 : memref<8x51xf32, #tpu.memory_space<vmem>>) target_semaphore(%arg10 : memref<!tpu.dma_semaphore, #tpu.memory_space<semaphore_mem>>)
      } else {
      }
      %add3A_914 = arith.constant 16 : i32
      %add3A_915 = arith.addi %mul3A_581, %add3A_914 : i32
      %get3A_916 = arith.index_cast %add3A_915 : i32 to index
      %get3A_917 = tpu.vector_load %arg6[%get3A_916] {strides = array<i32>} : memref<512xi32, #tpu.memory_space<vmem>>, vector<16xi32>,
      %get3A_918 = arith.index_cast %add3A_915 : i32 to index
      %get3A_919 = tpu.vector_load %arg5[%get3A_918] {strides = array<i32>} : memref<512xf32, #tpu.memory_space<vmem>>, vector<16xf32>,
      %convert_element_type3A_920 = arith.fptosi %get3A_919 : vector<16xf32> to vector<16xi32>
      %add3A_921 = arith.constant 1 : i32
      %add3A_922 = vector.broadcast %add3A_921 : i32 to vector<16xi32>
      %add3A_923 = arith.addi %convert_element_type3A_920, %add3A_922 : vector<16xi32>
      %sub3A_924 = arith.subi %add3A_923, %get3A_917 : vector<16xi32>
      %ge3A_925 = arith.constant 8 : i32
      %ge3A_926 = vector.broadcast %ge3A_925 : i32 to vector<16xi32>
      %ge3A_927 = arith.cmpi sge, %sub3A_924, %ge3A_926 : vector<16xi32>
      %convert_element_type3A_928 = arith.extui %ge3A_927 : vector<16xi1> to vector<16xi32>
      %all_reduce_population_count3A_929 = tpu.all_reduce %ge3A_927 {dim = 0 : i64, kind = #tpu.reduction_kind<sum>} : vector<16xi1> -> vector<16xi32>
      %slice3A_930 = vector.extract_strided_slice %all_reduce_population_count3A_929 {offsets = [0], sizes = [1], strides = [1]} : vector<16xi32> to vector<1xi32>
      %squeeze3A_931 = vector.extract %slice3A_930[0] : i32 from vector<1xi32>
      %add3A_932 = arith.addi %add3A_597, %squeeze3A_931 : i32
      %slice3A_933 = vector.extract_strided_slice %get3A_917 {offsets = [0], sizes = [1], strides = [1]} : vector<16xi32> to vector<1xi32>
      %squeeze3A_934 = vector.extract %slice3A_933[0] : i32 from vector<1xi32>
      %multiple_of3A_935 = tpu.assume_multiple %squeeze3A_934, 8 : i32
      %dma_start3A_936 = arith.constant 256 : i32
      %dma_start3A_937 = arith.constant 0 : i32
      %dma_start3A_938 = tpu.memref_slice %arg8[%dma_start3A_936, %dma_start3A_937] : memref<512x51xf32, #tpu.memory_space<vmem>> -> memref<8x51xf32, #tpu.memory_space<vmem>>
      %dma_start3A_939 = arith.constant 0 : i32
      %dma_start3A_940 = tpu.memref_slice %arg3[%multiple_of3A_935, %dma_start3A_939] : memref<1000001x51xf32, #tpu.memory_space<hbm>> -> memref<8x51xf32, #tpu.memory_space<hbm>>
      %dma_start3A_941 = arith.constant 256 : i32
      %dma_start3A_942 = arith.constant 0 : i32
      %dma_start3A_943 = tpu.memref_slice %arg8[%dma_start3A_941, %dma_start3A_942] : memref<512x51xf32, #tpu.memory_space<vmem>> -> memref<8x51xf32, #tpu.memory_space<vmem>>
      %dma_start3A_944 = arith.constant 0 : i32
      %dma_start3A_945 = tpu.memref_slice %arg3[%multiple_of3A_935, %dma_start3A_944] : memref<1000001x51xf32, #tpu.memory_space<hbm>> -> memref<8x51xf32, #tpu.memory_space<hbm>>
      tpu.enqueue_dma source(%dma_start3A_945 : memref<8x51xf32, #tpu.memory_space<hbm>>) target(%dma_start3A_943 : memref<8x51xf32, #tpu.memory_space<vmem>>) target_semaphore(%arg10 : memref<!tpu.dma_semaphore, #tpu.memory_space<semaphore_mem>>)
      %slice3A_946 = vector.extract_strided_slice %convert_element_type3A_928 {offsets = [0], sizes = [1], strides = [1]} : vector<16xi32> to vector<1xi32>
      %squeeze3A_947 = vector.extract %slice3A_946[0] : i32 from vector<1xi32>
      %eq3A_948 = arith.constant 1 : i32
      %eq3A_949 = arith.cmpi eq, %squeeze3A_947, %eq3A_948 : i32
      %convert_element_type3A_950 = arith.extui %eq3A_949 : i1 to i32
      %cond3A_951 = arith.constant 0 : i32
      %cond3A_952 = arith.cmpi ne, %convert_element_type3A_950, %cond3A_951 : i32
      scf.if %cond3A_952 {
        %slice3A_1332 = vector.extract_strided_slice %get3A_917 {offsets = [0], sizes = [1], strides = [1]} : vector<16xi32> to vector<1xi32>
        %squeeze3A_1333 = vector.extract %slice3A_1332[0] : i32 from vector<1xi32>
        %add3A_1334 = arith.constant 8 : i32
        %add3A_1335 = arith.addi %squeeze3A_1333, %add3A_1334 : i32
        %multiple_of3A_1336 = tpu.assume_multiple %add3A_1335, 8 : i32
        %dma_start3A_1337 = arith.constant 264 : i32
        %dma_start3A_1338 = arith.constant 0 : i32
        %dma_start3A_1339 = tpu.memref_slice %arg8[%dma_start3A_1337, %dma_start3A_1338] : memref<512x51xf32, #tpu.memory_space<vmem>> -> memref<8x51xf32, #tpu.memory_space<vmem>>
        %dma_start3A_1340 = arith.constant 0 : i32
        %dma_start3A_1341 = tpu.memref_slice %arg3[%multiple_of3A_1336, %dma_start3A_1340] : memref<1000001x51xf32, #tpu.memory_space<hbm>> -> memref<8x51xf32, #tpu.memory_space<hbm>>
        %dma_start3A_1342 = arith.constant 264 : i32
        %dma_start3A_1343 = arith.constant 0 : i32
        %dma_start3A_1344 = tpu.memref_slice %arg8[%dma_start3A_1342, %dma_start3A_1343] : memref<512x51xf32, #tpu.memory_space<vmem>> -> memref<8x51xf32, #tpu.memory_space<vmem>>
        %dma_start3A_1345 = arith.constant 0 : i32
        %dma_start3A_1346 = tpu.memref_slice %arg3[%multiple_of3A_1336, %dma_start3A_1345] : memref<1000001x51xf32, #tpu.memory_space<hbm>> -> memref<8x51xf32, #tpu.memory_space<hbm>>
        tpu.enqueue_dma source(%dma_start3A_1346 : memref<8x51xf32, #tpu.memory_space<hbm>>) target(%dma_start3A_1344 : memref<8x51xf32, #tpu.memory_space<vmem>>) target_semaphore(%arg10 : memref<!tpu.dma_semaphore, #tpu.memory_space<semaphore_mem>>)
      } else {
      }
      %slice3A_953 = vector.extract_strided_slice %get3A_917 {offsets = [1], sizes = [1], strides = [1]} : vector<16xi32> to vector<1xi32>
      %squeeze3A_954 = vector.extract %slice3A_953[0] : i32 from vector<1xi32>
      %multiple_of3A_955 = tpu.assume_multiple %squeeze3A_954, 8 : i32
      %dma_start3A_956 = arith.constant 272 : i32
      %dma_start3A_957 = arith.constant 0 : i32
      %dma_start3A_958 = tpu.memref_slice %arg8[%dma_start3A_956, %dma_start3A_957] : memref<512x51xf32, #tpu.memory_space<vmem>> -> memref<8x51xf32, #tpu.memory_space<vmem>>
      %dma_start3A_959 = arith.constant 0 : i32
      %dma_start3A_960 = tpu.memref_slice %arg3[%multiple_of3A_955, %dma_start3A_959] : memref<1000001x51xf32, #tpu.memory_space<hbm>> -> memref<8x51xf32, #tpu.memory_space<hbm>>
      %dma_start3A_961 = arith.constant 272 : i32
      %dma_start3A_962 = arith.constant 0 : i32
      %dma_start3A_963 = tpu.memref_slice %arg8[%dma_start3A_961, %dma_start3A_962] : memref<512x51xf32, #tpu.memory_space<vmem>> -> memref<8x51xf32, #tpu.memory_space<vmem>>
      %dma_start3A_964 = arith.constant 0 : i32
      %dma_start3A_965 = tpu.memref_slice %arg3[%multiple_of3A_955, %dma_start3A_964] : memref<1000001x51xf32, #tpu.memory_space<hbm>> -> memref<8x51xf32, #tpu.memory_space<hbm>>
      tpu.enqueue_dma source(%dma_start3A_965 : memref<8x51xf32, #tpu.memory_space<hbm>>) target(%dma_start3A_963 : memref<8x51xf32, #tpu.memory_space<vmem>>) target_semaphore(%arg10 : memref<!tpu.dma_semaphore, #tpu.memory_space<semaphore_mem>>)
      %slice3A_966 = vector.extract_strided_slice %convert_element_type3A_928 {offsets = [1], sizes = [1], strides = [1]} : vector<16xi32> to vector<1xi32>
      %squeeze3A_967 = vector.extract %slice3A_966[0] : i32 from vector<1xi32>
      %eq3A_968 = arith.constant 1 : i32
      %eq3A_969 = arith.cmpi eq, %squeeze3A_967, %eq3A_968 : i32
      %convert_element_type3A_970 = arith.extui %eq3A_969 : i1 to i32
      %cond3A_971 = arith.constant 0 : i32
      %cond3A_972 = arith.cmpi ne, %convert_element_type3A_970, %cond3A_971 : i32
      scf.if %cond3A_972 {
        %slice3A_1332 = vector.extract_strided_slice %get3A_917 {offsets = [1], sizes = [1], strides = [1]} : vector<16xi32> to vector<1xi32>
        %squeeze3A_1333 = vector.extract %slice3A_1332[0] : i32 from vector<1xi32>
        %add3A_1334 = arith.constant 8 : i32
        %add3A_1335 = arith.addi %squeeze3A_1333, %add3A_1334 : i32
        %multiple_of3A_1336 = tpu.assume_multiple %add3A_1335, 8 : i32
        %dma_start3A_1337 = arith.constant 280 : i32
        %dma_start3A_1338 = arith.constant 0 : i32
        %dma_start3A_1339 = tpu.memref_slice %arg8[%dma_start3A_1337, %dma_start3A_1338] : memref<512x51xf32, #tpu.memory_space<vmem>> -> memref<8x51xf32, #tpu.memory_space<vmem>>
        %dma_start3A_1340 = arith.constant 0 : i32
        %dma_start3A_1341 = tpu.memref_slice %arg3[%multiple_of3A_1336, %dma_start3A_1340] : memref<1000001x51xf32, #tpu.memory_space<hbm>> -> memref<8x51xf32, #tpu.memory_space<hbm>>
        %dma_start3A_1342 = arith.constant 280 : i32
        %dma_start3A_1343 = arith.constant 0 : i32
        %dma_start3A_1344 = tpu.memref_slice %arg8[%dma_start3A_1342, %dma_start3A_1343] : memref<512x51xf32, #tpu.memory_space<vmem>> -> memref<8x51xf32, #tpu.memory_space<vmem>>
        %dma_start3A_1345 = arith.constant 0 : i32
        %dma_start3A_1346 = tpu.memref_slice %arg3[%multiple_of3A_1336, %dma_start3A_1345] : memref<1000001x51xf32, #tpu.memory_space<hbm>> -> memref<8x51xf32, #tpu.memory_space<hbm>>
        tpu.enqueue_dma source(%dma_start3A_1346 : memref<8x51xf32, #tpu.memory_space<hbm>>) target(%dma_start3A_1344 : memref<8x51xf32, #tpu.memory_space<vmem>>) target_semaphore(%arg10 : memref<!tpu.dma_semaphore, #tpu.memory_space<semaphore_mem>>)
      } else {
      }
      %slice3A_973 = vector.extract_strided_slice %get3A_917 {offsets = [2], sizes = [1], strides = [1]} : vector<16xi32> to vector<1xi32>
      %squeeze3A_974 = vector.extract %slice3A_973[0] : i32 from vector<1xi32>
      %multiple_of3A_975 = tpu.assume_multiple %squeeze3A_974, 8 : i32
      %dma_start3A_976 = arith.constant 288 : i32
      %dma_start3A_977 = arith.constant 0 : i32
      %dma_start3A_978 = tpu.memref_slice %arg8[%dma_start3A_976, %dma_start3A_977] : memref<512x51xf32, #tpu.memory_space<vmem>> -> memref<8x51xf32, #tpu.memory_space<vmem>>
      %dma_start3A_979 = arith.constant 0 : i32
      %dma_start3A_980 = tpu.memref_slice %arg3[%multiple_of3A_975, %dma_start3A_979] : memref<1000001x51xf32, #tpu.memory_space<hbm>> -> memref<8x51xf32, #tpu.memory_space<hbm>>
      %dma_start3A_981 = arith.constant 288 : i32
      %dma_start3A_982 = arith.constant 0 : i32
      %dma_start3A_983 = tpu.memref_slice %arg8[%dma_start3A_981, %dma_start3A_982] : memref<512x51xf32, #tpu.memory_space<vmem>> -> memref<8x51xf32, #tpu.memory_space<vmem>>
      %dma_start3A_984 = arith.constant 0 : i32
      %dma_start3A_985 = tpu.memref_slice %arg3[%multiple_of3A_975, %dma_start3A_984] : memref<1000001x51xf32, #tpu.memory_space<hbm>> -> memref<8x51xf32, #tpu.memory_space<hbm>>
      tpu.enqueue_dma source(%dma_start3A_985 : memref<8x51xf32, #tpu.memory_space<hbm>>) target(%dma_start3A_983 : memref<8x51xf32, #tpu.memory_space<vmem>>) target_semaphore(%arg10 : memref<!tpu.dma_semaphore, #tpu.memory_space<semaphore_mem>>)
      %slice3A_986 = vector.extract_strided_slice %convert_element_type3A_928 {offsets = [2], sizes = [1], strides = [1]} : vector<16xi32> to vector<1xi32>
      %squeeze3A_987 = vector.extract %slice3A_986[0] : i32 from vector<1xi32>
      %eq3A_988 = arith.constant 1 : i32
      %eq3A_989 = arith.cmpi eq, %squeeze3A_987, %eq3A_988 : i32
      %convert_element_type3A_990 = arith.extui %eq3A_989 : i1 to i32
      %cond3A_991 = arith.constant 0 : i32
      %cond3A_992 = arith.cmpi ne, %convert_element_type3A_990, %cond3A_991 : i32
      scf.if %cond3A_992 {
        %slice3A_1332 = vector.extract_strided_slice %get3A_917 {offsets = [2], sizes = [1], strides = [1]} : vector<16xi32> to vector<1xi32>
        %squeeze3A_1333 = vector.extract %slice3A_1332[0] : i32 from vector<1xi32>
        %add3A_1334 = arith.constant 8 : i32
        %add3A_1335 = arith.addi %squeeze3A_1333, %add3A_1334 : i32
        %multiple_of3A_1336 = tpu.assume_multiple %add3A_1335, 8 : i32
        %dma_start3A_1337 = arith.constant 296 : i32
        %dma_start3A_1338 = arith.constant 0 : i32
        %dma_start3A_1339 = tpu.memref_slice %arg8[%dma_start3A_1337, %dma_start3A_1338] : memref<512x51xf32, #tpu.memory_space<vmem>> -> memref<8x51xf32, #tpu.memory_space<vmem>>
        %dma_start3A_1340 = arith.constant 0 : i32
        %dma_start3A_1341 = tpu.memref_slice %arg3[%multiple_of3A_1336, %dma_start3A_1340] : memref<1000001x51xf32, #tpu.memory_space<hbm>> -> memref<8x51xf32, #tpu.memory_space<hbm>>
        %dma_start3A_1342 = arith.constant 296 : i32
        %dma_start3A_1343 = arith.constant 0 : i32
        %dma_start3A_1344 = tpu.memref_slice %arg8[%dma_start3A_1342, %dma_start3A_1343] : memref<512x51xf32, #tpu.memory_space<vmem>> -> memref<8x51xf32, #tpu.memory_space<vmem>>
        %dma_start3A_1345 = arith.constant 0 : i32
        %dma_start3A_1346 = tpu.memref_slice %arg3[%multiple_of3A_1336, %dma_start3A_1345] : memref<1000001x51xf32, #tpu.memory_space<hbm>> -> memref<8x51xf32, #tpu.memory_space<hbm>>
        tpu.enqueue_dma source(%dma_start3A_1346 : memref<8x51xf32, #tpu.memory_space<hbm>>) target(%dma_start3A_1344 : memref<8x51xf32, #tpu.memory_space<vmem>>) target_semaphore(%arg10 : memref<!tpu.dma_semaphore, #tpu.memory_space<semaphore_mem>>)
      } else {
      }
      %slice3A_993 = vector.extract_strided_slice %get3A_917 {offsets = [3], sizes = [1], strides = [1]} : vector<16xi32> to vector<1xi32>
      %squeeze3A_994 = vector.extract %slice3A_993[0] : i32 from vector<1xi32>
      %multiple_of3A_995 = tpu.assume_multiple %squeeze3A_994, 8 : i32
      %dma_start3A_996 = arith.constant 304 : i32
      %dma_start3A_997 = arith.constant 0 : i32
      %dma_start3A_998 = tpu.memref_slice %arg8[%dma_start3A_996, %dma_start3A_997] : memref<512x51xf32, #tpu.memory_space<vmem>> -> memref<8x51xf32, #tpu.memory_space<vmem>>
      %dma_start3A_999 = arith.constant 0 : i32
      %dma_start3A_1000 = tpu.memref_slice %arg3[%multiple_of3A_995, %dma_start3A_999] : memref<1000001x51xf32, #tpu.memory_space<hbm>> -> memref<8x51xf32, #tpu.memory_space<hbm>>
      %dma_start3A_1001 = arith.constant 304 : i32
      %dma_start3A_1002 = arith.constant 0 : i32
      %dma_start3A_1003 = tpu.memref_slice %arg8[%dma_start3A_1001, %dma_start3A_1002] : memref<512x51xf32, #tpu.memory_space<vmem>> -> memref<8x51xf32, #tpu.memory_space<vmem>>
      %dma_start3A_1004 = arith.constant 0 : i32
      %dma_start3A_1005 = tpu.memref_slice %arg3[%multiple_of3A_995, %dma_start3A_1004] : memref<1000001x51xf32, #tpu.memory_space<hbm>> -> memref<8x51xf32, #tpu.memory_space<hbm>>
      tpu.enqueue_dma source(%dma_start3A_1005 : memref<8x51xf32, #tpu.memory_space<hbm>>) target(%dma_start3A_1003 : memref<8x51xf32, #tpu.memory_space<vmem>>) target_semaphore(%arg10 : memref<!tpu.dma_semaphore, #tpu.memory_space<semaphore_mem>>)
      %slice3A_1006 = vector.extract_strided_slice %convert_element_type3A_928 {offsets = [3], sizes = [1], strides = [1]} : vector<16xi32> to vector<1xi32>
      %squeeze3A_1007 = vector.extract %slice3A_1006[0] : i32 from vector<1xi32>
      %eq3A_1008 = arith.constant 1 : i32
      %eq3A_1009 = arith.cmpi eq, %squeeze3A_1007, %eq3A_1008 : i32
      %convert_element_type3A_1010 = arith.extui %eq3A_1009 : i1 to i32
      %cond3A_1011 = arith.constant 0 : i32
      %cond3A_1012 = arith.cmpi ne, %convert_element_type3A_1010, %cond3A_1011 : i32
      scf.if %cond3A_1012 {
        %slice3A_1332 = vector.extract_strided_slice %get3A_917 {offsets = [3], sizes = [1], strides = [1]} : vector<16xi32> to vector<1xi32>
        %squeeze3A_1333 = vector.extract %slice3A_1332[0] : i32 from vector<1xi32>
        %add3A_1334 = arith.constant 8 : i32
        %add3A_1335 = arith.addi %squeeze3A_1333, %add3A_1334 : i32
        %multiple_of3A_1336 = tpu.assume_multiple %add3A_1335, 8 : i32
        %dma_start3A_1337 = arith.constant 312 : i32
        %dma_start3A_1338 = arith.constant 0 : i32
        %dma_start3A_1339 = tpu.memref_slice %arg8[%dma_start3A_1337, %dma_start3A_1338] : memref<512x51xf32, #tpu.memory_space<vmem>> -> memref<8x51xf32, #tpu.memory_space<vmem>>
        %dma_start3A_1340 = arith.constant 0 : i32
        %dma_start3A_1341 = tpu.memref_slice %arg3[%multiple_of3A_1336, %dma_start3A_1340] : memref<1000001x51xf32, #tpu.memory_space<hbm>> -> memref<8x51xf32, #tpu.memory_space<hbm>>
        %dma_start3A_1342 = arith.constant 312 : i32
        %dma_start3A_1343 = arith.constant 0 : i32
        %dma_start3A_1344 = tpu.memref_slice %arg8[%dma_start3A_1342, %dma_start3A_1343] : memref<512x51xf32, #tpu.memory_space<vmem>> -> memref<8x51xf32, #tpu.memory_space<vmem>>
        %dma_start3A_1345 = arith.constant 0 : i32
        %dma_start3A_1346 = tpu.memref_slice %arg3[%multiple_of3A_1336, %dma_start3A_1345] : memref<1000001x51xf32, #tpu.memory_space<hbm>> -> memref<8x51xf32, #tpu.memory_space<hbm>>
        tpu.enqueue_dma source(%dma_start3A_1346 : memref<8x51xf32, #tpu.memory_space<hbm>>) target(%dma_start3A_1344 : memref<8x51xf32, #tpu.memory_space<vmem>>) target_semaphore(%arg10 : memref<!tpu.dma_semaphore, #tpu.memory_space<semaphore_mem>>)
      } else {
      }
      %slice3A_1013 = vector.extract_strided_slice %get3A_917 {offsets = [4], sizes = [1], strides = [1]} : vector<16xi32> to vector<1xi32>
      %squeeze3A_1014 = vector.extract %slice3A_1013[0] : i32 from vector<1xi32>
      %multiple_of3A_1015 = tpu.assume_multiple %squeeze3A_1014, 8 : i32
      %dma_start3A_1016 = arith.constant 320 : i32
      %dma_start3A_1017 = arith.constant 0 : i32
      %dma_start3A_1018 = tpu.memref_slice %arg8[%dma_start3A_1016, %dma_start3A_1017] : memref<512x51xf32, #tpu.memory_space<vmem>> -> memref<8x51xf32, #tpu.memory_space<vmem>>
      %dma_start3A_1019 = arith.constant 0 : i32
      %dma_start3A_1020 = tpu.memref_slice %arg3[%multiple_of3A_1015, %dma_start3A_1019] : memref<1000001x51xf32, #tpu.memory_space<hbm>> -> memref<8x51xf32, #tpu.memory_space<hbm>>
      %dma_start3A_1021 = arith.constant 320 : i32
      %dma_start3A_1022 = arith.constant 0 : i32
      %dma_start3A_1023 = tpu.memref_slice %arg8[%dma_start3A_1021, %dma_start3A_1022] : memref<512x51xf32, #tpu.memory_space<vmem>> -> memref<8x51xf32, #tpu.memory_space<vmem>>
      %dma_start3A_1024 = arith.constant 0 : i32
      %dma_start3A_1025 = tpu.memref_slice %arg3[%multiple_of3A_1015, %dma_start3A_1024] : memref<1000001x51xf32, #tpu.memory_space<hbm>> -> memref<8x51xf32, #tpu.memory_space<hbm>>
      tpu.enqueue_dma source(%dma_start3A_1025 : memref<8x51xf32, #tpu.memory_space<hbm>>) target(%dma_start3A_1023 : memref<8x51xf32, #tpu.memory_space<vmem>>) target_semaphore(%arg10 : memref<!tpu.dma_semaphore, #tpu.memory_space<semaphore_mem>>)
      %slice3A_1026 = vector.extract_strided_slice %convert_element_type3A_928 {offsets = [4], sizes = [1], strides = [1]} : vector<16xi32> to vector<1xi32>
      %squeeze3A_1027 = vector.extract %slice3A_1026[0] : i32 from vector<1xi32>
      %eq3A_1028 = arith.constant 1 : i32
      %eq3A_1029 = arith.cmpi eq, %squeeze3A_1027, %eq3A_1028 : i32
      %convert_element_type3A_1030 = arith.extui %eq3A_1029 : i1 to i32
      %cond3A_1031 = arith.constant 0 : i32
      %cond3A_1032 = arith.cmpi ne, %convert_element_type3A_1030, %cond3A_1031 : i32
      scf.if %cond3A_1032 {
        %slice3A_1332 = vector.extract_strided_slice %get3A_917 {offsets = [4], sizes = [1], strides = [1]} : vector<16xi32> to vector<1xi32>
        %squeeze3A_1333 = vector.extract %slice3A_1332[0] : i32 from vector<1xi32>
        %add3A_1334 = arith.constant 8 : i32
        %add3A_1335 = arith.addi %squeeze3A_1333, %add3A_1334 : i32
        %multiple_of3A_1336 = tpu.assume_multiple %add3A_1335, 8 : i32
        %dma_start3A_1337 = arith.constant 328 : i32
        %dma_start3A_1338 = arith.constant 0 : i32
        %dma_start3A_1339 = tpu.memref_slice %arg8[%dma_start3A_1337, %dma_start3A_1338] : memref<512x51xf32, #tpu.memory_space<vmem>> -> memref<8x51xf32, #tpu.memory_space<vmem>>
        %dma_start3A_1340 = arith.constant 0 : i32
        %dma_start3A_1341 = tpu.memref_slice %arg3[%multiple_of3A_1336, %dma_start3A_1340] : memref<1000001x51xf32, #tpu.memory_space<hbm>> -> memref<8x51xf32, #tpu.memory_space<hbm>>
        %dma_start3A_1342 = arith.constant 328 : i32
        %dma_start3A_1343 = arith.constant 0 : i32
        %dma_start3A_1344 = tpu.memref_slice %arg8[%dma_start3A_1342, %dma_start3A_1343] : memref<512x51xf32, #tpu.memory_space<vmem>> -> memref<8x51xf32, #tpu.memory_space<vmem>>
        %dma_start3A_1345 = arith.constant 0 : i32
        %dma_start3A_1346 = tpu.memref_slice %arg3[%multiple_of3A_1336, %dma_start3A_1345] : memref<1000001x51xf32, #tpu.memory_space<hbm>> -> memref<8x51xf32, #tpu.memory_space<hbm>>
        tpu.enqueue_dma source(%dma_start3A_1346 : memref<8x51xf32, #tpu.memory_space<hbm>>) target(%dma_start3A_1344 : memref<8x51xf32, #tpu.memory_space<vmem>>) target_semaphore(%arg10 : memref<!tpu.dma_semaphore, #tpu.memory_space<semaphore_mem>>)
      } else {
      }
      %slice3A_1033 = vector.extract_strided_slice %get3A_917 {offsets = [5], sizes = [1], strides = [1]} : vector<16xi32> to vector<1xi32>
      %squeeze3A_1034 = vector.extract %slice3A_1033[0] : i32 from vector<1xi32>
      %multiple_of3A_1035 = tpu.assume_multiple %squeeze3A_1034, 8 : i32
      %dma_start3A_1036 = arith.constant 336 : i32
      %dma_start3A_1037 = arith.constant 0 : i32
      %dma_start3A_1038 = tpu.memref_slice %arg8[%dma_start3A_1036, %dma_start3A_1037] : memref<512x51xf32, #tpu.memory_space<vmem>> -> memref<8x51xf32, #tpu.memory_space<vmem>>
      %dma_start3A_1039 = arith.constant 0 : i32
      %dma_start3A_1040 = tpu.memref_slice %arg3[%multiple_of3A_1035, %dma_start3A_1039] : memref<1000001x51xf32, #tpu.memory_space<hbm>> -> memref<8x51xf32, #tpu.memory_space<hbm>>
      %dma_start3A_1041 = arith.constant 336 : i32
      %dma_start3A_1042 = arith.constant 0 : i32
      %dma_start3A_1043 = tpu.memref_slice %arg8[%dma_start3A_1041, %dma_start3A_1042] : memref<512x51xf32, #tpu.memory_space<vmem>> -> memref<8x51xf32, #tpu.memory_space<vmem>>
      %dma_start3A_1044 = arith.constant 0 : i32
      %dma_start3A_1045 = tpu.memref_slice %arg3[%multiple_of3A_1035, %dma_start3A_1044] : memref<1000001x51xf32, #tpu.memory_space<hbm>> -> memref<8x51xf32, #tpu.memory_space<hbm>>
      tpu.enqueue_dma source(%dma_start3A_1045 : memref<8x51xf32, #tpu.memory_space<hbm>>) target(%dma_start3A_1043 : memref<8x51xf32, #tpu.memory_space<vmem>>) target_semaphore(%arg10 : memref<!tpu.dma_semaphore, #tpu.memory_space<semaphore_mem>>)
      %slice3A_1046 = vector.extract_strided_slice %convert_element_type3A_928 {offsets = [5], sizes = [1], strides = [1]} : vector<16xi32> to vector<1xi32>
      %squeeze3A_1047 = vector.extract %slice3A_1046[0] : i32 from vector<1xi32>
      %eq3A_1048 = arith.constant 1 : i32
      %eq3A_1049 = arith.cmpi eq, %squeeze3A_1047, %eq3A_1048 : i32
      %convert_element_type3A_1050 = arith.extui %eq3A_1049 : i1 to i32
      %cond3A_1051 = arith.constant 0 : i32
      %cond3A_1052 = arith.cmpi ne, %convert_element_type3A_1050, %cond3A_1051 : i32
      scf.if %cond3A_1052 {
        %slice3A_1332 = vector.extract_strided_slice %get3A_917 {offsets = [5], sizes = [1], strides = [1]} : vector<16xi32> to vector<1xi32>
        %squeeze3A_1333 = vector.extract %slice3A_1332[0] : i32 from vector<1xi32>
        %add3A_1334 = arith.constant 8 : i32
        %add3A_1335 = arith.addi %squeeze3A_1333, %add3A_1334 : i32
        %multiple_of3A_1336 = tpu.assume_multiple %add3A_1335, 8 : i32
        %dma_start3A_1337 = arith.constant 344 : i32
        %dma_start3A_1338 = arith.constant 0 : i32
        %dma_start3A_1339 = tpu.memref_slice %arg8[%dma_start3A_1337, %dma_start3A_1338] : memref<512x51xf32, #tpu.memory_space<vmem>> -> memref<8x51xf32, #tpu.memory_space<vmem>>
        %dma_start3A_1340 = arith.constant 0 : i32
        %dma_start3A_1341 = tpu.memref_slice %arg3[%multiple_of3A_1336, %dma_start3A_1340] : memref<1000001x51xf32, #tpu.memory_space<hbm>> -> memref<8x51xf32, #tpu.memory_space<hbm>>
        %dma_start3A_1342 = arith.constant 344 : i32
        %dma_start3A_1343 = arith.constant 0 : i32
        %dma_start3A_1344 = tpu.memref_slice %arg8[%dma_start3A_1342, %dma_start3A_1343] : memref<512x51xf32, #tpu.memory_space<vmem>> -> memref<8x51xf32, #tpu.memory_space<vmem>>
        %dma_start3A_1345 = arith.constant 0 : i32
        %dma_start3A_1346 = tpu.memref_slice %arg3[%multiple_of3A_1336, %dma_start3A_1345] : memref<1000001x51xf32, #tpu.memory_space<hbm>> -> memref<8x51xf32, #tpu.memory_space<hbm>>
        tpu.enqueue_dma source(%dma_start3A_1346 : memref<8x51xf32, #tpu.memory_space<hbm>>) target(%dma_start3A_1344 : memref<8x51xf32, #tpu.memory_space<vmem>>) target_semaphore(%arg10 : memref<!tpu.dma_semaphore, #tpu.memory_space<semaphore_mem>>)
      } else {
      }
      %slice3A_1053 = vector.extract_strided_slice %get3A_917 {offsets = [6], sizes = [1], strides = [1]} : vector<16xi32> to vector<1xi32>
      %squeeze3A_1054 = vector.extract %slice3A_1053[0] : i32 from vector<1xi32>
      %multiple_of3A_1055 = tpu.assume_multiple %squeeze3A_1054, 8 : i32
      %dma_start3A_1056 = arith.constant 352 : i32
      %dma_start3A_1057 = arith.constant 0 : i32
      %dma_start3A_1058 = tpu.memref_slice %arg8[%dma_start3A_1056, %dma_start3A_1057] : memref<512x51xf32, #tpu.memory_space<vmem>> -> memref<8x51xf32, #tpu.memory_space<vmem>>
      %dma_start3A_1059 = arith.constant 0 : i32
      %dma_start3A_1060 = tpu.memref_slice %arg3[%multiple_of3A_1055, %dma_start3A_1059] : memref<1000001x51xf32, #tpu.memory_space<hbm>> -> memref<8x51xf32, #tpu.memory_space<hbm>>
      %dma_start3A_1061 = arith.constant 352 : i32
      %dma_start3A_1062 = arith.constant 0 : i32
      %dma_start3A_1063 = tpu.memref_slice %arg8[%dma_start3A_1061, %dma_start3A_1062] : memref<512x51xf32, #tpu.memory_space<vmem>> -> memref<8x51xf32, #tpu.memory_space<vmem>>
      %dma_start3A_1064 = arith.constant 0 : i32
      %dma_start3A_1065 = tpu.memref_slice %arg3[%multiple_of3A_1055, %dma_start3A_1064] : memref<1000001x51xf32, #tpu.memory_space<hbm>> -> memref<8x51xf32, #tpu.memory_space<hbm>>
      tpu.enqueue_dma source(%dma_start3A_1065 : memref<8x51xf32, #tpu.memory_space<hbm>>) target(%dma_start3A_1063 : memref<8x51xf32, #tpu.memory_space<vmem>>) target_semaphore(%arg10 : memref<!tpu.dma_semaphore, #tpu.memory_space<semaphore_mem>>)
      %slice3A_1066 = vector.extract_strided_slice %convert_element_type3A_928 {offsets = [6], sizes = [1], strides = [1]} : vector<16xi32> to vector<1xi32>
      %squeeze3A_1067 = vector.extract %slice3A_1066[0] : i32 from vector<1xi32>
      %eq3A_1068 = arith.constant 1 : i32
      %eq3A_1069 = arith.cmpi eq, %squeeze3A_1067, %eq3A_1068 : i32
      %convert_element_type3A_1070 = arith.extui %eq3A_1069 : i1 to i32
      %cond3A_1071 = arith.constant 0 : i32
      %cond3A_1072 = arith.cmpi ne, %convert_element_type3A_1070, %cond3A_1071 : i32
      scf.if %cond3A_1072 {
        %slice3A_1332 = vector.extract_strided_slice %get3A_917 {offsets = [6], sizes = [1], strides = [1]} : vector<16xi32> to vector<1xi32>
        %squeeze3A_1333 = vector.extract %slice3A_1332[0] : i32 from vector<1xi32>
        %add3A_1334 = arith.constant 8 : i32
        %add3A_1335 = arith.addi %squeeze3A_1333, %add3A_1334 : i32
        %multiple_of3A_1336 = tpu.assume_multiple %add3A_1335, 8 : i32
        %dma_start3A_1337 = arith.constant 360 : i32
        %dma_start3A_1338 = arith.constant 0 : i32
        %dma_start3A_1339 = tpu.memref_slice %arg8[%dma_start3A_1337, %dma_start3A_1338] : memref<512x51xf32, #tpu.memory_space<vmem>> -> memref<8x51xf32, #tpu.memory_space<vmem>>
        %dma_start3A_1340 = arith.constant 0 : i32
        %dma_start3A_1341 = tpu.memref_slice %arg3[%multiple_of3A_1336, %dma_start3A_1340] : memref<1000001x51xf32, #tpu.memory_space<hbm>> -> memref<8x51xf32, #tpu.memory_space<hbm>>
        %dma_start3A_1342 = arith.constant 360 : i32
        %dma_start3A_1343 = arith.constant 0 : i32
        %dma_start3A_1344 = tpu.memref_slice %arg8[%dma_start3A_1342, %dma_start3A_1343] : memref<512x51xf32, #tpu.memory_space<vmem>> -> memref<8x51xf32, #tpu.memory_space<vmem>>
        %dma_start3A_1345 = arith.constant 0 : i32
        %dma_start3A_1346 = tpu.memref_slice %arg3[%multiple_of3A_1336, %dma_start3A_1345] : memref<1000001x51xf32, #tpu.memory_space<hbm>> -> memref<8x51xf32, #tpu.memory_space<hbm>>
        tpu.enqueue_dma source(%dma_start3A_1346 : memref<8x51xf32, #tpu.memory_space<hbm>>) target(%dma_start3A_1344 : memref<8x51xf32, #tpu.memory_space<vmem>>) target_semaphore(%arg10 : memref<!tpu.dma_semaphore, #tpu.memory_space<semaphore_mem>>)
      } else {
      }
      %slice3A_1073 = vector.extract_strided_slice %get3A_917 {offsets = [7], sizes = [1], strides = [1]} : vector<16xi32> to vector<1xi32>
      %squeeze3A_1074 = vector.extract %slice3A_1073[0] : i32 from vector<1xi32>
      %multiple_of3A_1075 = tpu.assume_multiple %squeeze3A_1074, 8 : i32
      %dma_start3A_1076 = arith.constant 368 : i32
      %dma_start3A_1077 = arith.constant 0 : i32
      %dma_start3A_1078 = tpu.memref_slice %arg8[%dma_start3A_1076, %dma_start3A_1077] : memref<512x51xf32, #tpu.memory_space<vmem>> -> memref<8x51xf32, #tpu.memory_space<vmem>>
      %dma_start3A_1079 = arith.constant 0 : i32
      %dma_start3A_1080 = tpu.memref_slice %arg3[%multiple_of3A_1075, %dma_start3A_1079] : memref<1000001x51xf32, #tpu.memory_space<hbm>> -> memref<8x51xf32, #tpu.memory_space<hbm>>
      %dma_start3A_1081 = arith.constant 368 : i32
      %dma_start3A_1082 = arith.constant 0 : i32
      %dma_start3A_1083 = tpu.memref_slice %arg8[%dma_start3A_1081, %dma_start3A_1082] : memref<512x51xf32, #tpu.memory_space<vmem>> -> memref<8x51xf32, #tpu.memory_space<vmem>>
      %dma_start3A_1084 = arith.constant 0 : i32
      %dma_start3A_1085 = tpu.memref_slice %arg3[%multiple_of3A_1075, %dma_start3A_1084] : memref<1000001x51xf32, #tpu.memory_space<hbm>> -> memref<8x51xf32, #tpu.memory_space<hbm>>
      tpu.enqueue_dma source(%dma_start3A_1085 : memref<8x51xf32, #tpu.memory_space<hbm>>) target(%dma_start3A_1083 : memref<8x51xf32, #tpu.memory_space<vmem>>) target_semaphore(%arg10 : memref<!tpu.dma_semaphore, #tpu.memory_space<semaphore_mem>>)
      %slice3A_1086 = vector.extract_strided_slice %convert_element_type3A_928 {offsets = [7], sizes = [1], strides = [1]} : vector<16xi32> to vector<1xi32>
      %squeeze3A_1087 = vector.extract %slice3A_1086[0] : i32 from vector<1xi32>
      %eq3A_1088 = arith.constant 1 : i32
      %eq3A_1089 = arith.cmpi eq, %squeeze3A_1087, %eq3A_1088 : i32
      %convert_element_type3A_1090 = arith.extui %eq3A_1089 : i1 to i32
      %cond3A_1091 = arith.constant 0 : i32
      %cond3A_1092 = arith.cmpi ne, %convert_element_type3A_1090, %cond3A_1091 : i32
      scf.if %cond3A_1092 {
        %slice3A_1332 = vector.extract_strided_slice %get3A_917 {offsets = [7], sizes = [1], strides = [1]} : vector<16xi32> to vector<1xi32>
        %squeeze3A_1333 = vector.extract %slice3A_1332[0] : i32 from vector<1xi32>
        %add3A_1334 = arith.constant 8 : i32
        %add3A_1335 = arith.addi %squeeze3A_1333, %add3A_1334 : i32
        %multiple_of3A_1336 = tpu.assume_multiple %add3A_1335, 8 : i32
        %dma_start3A_1337 = arith.constant 376 : i32
        %dma_start3A_1338 = arith.constant 0 : i32
        %dma_start3A_1339 = tpu.memref_slice %arg8[%dma_start3A_1337, %dma_start3A_1338] : memref<512x51xf32, #tpu.memory_space<vmem>> -> memref<8x51xf32, #tpu.memory_space<vmem>>
        %dma_start3A_1340 = arith.constant 0 : i32
        %dma_start3A_1341 = tpu.memref_slice %arg3[%multiple_of3A_1336, %dma_start3A_1340] : memref<1000001x51xf32, #tpu.memory_space<hbm>> -> memref<8x51xf32, #tpu.memory_space<hbm>>
        %dma_start3A_1342 = arith.constant 376 : i32
        %dma_start3A_1343 = arith.constant 0 : i32
        %dma_start3A_1344 = tpu.memref_slice %arg8[%dma_start3A_1342, %dma_start3A_1343] : memref<512x51xf32, #tpu.memory_space<vmem>> -> memref<8x51xf32, #tpu.memory_space<vmem>>
        %dma_start3A_1345 = arith.constant 0 : i32
        %dma_start3A_1346 = tpu.memref_slice %arg3[%multiple_of3A_1336, %dma_start3A_1345] : memref<1000001x51xf32, #tpu.memory_space<hbm>> -> memref<8x51xf32, #tpu.memory_space<hbm>>
        tpu.enqueue_dma source(%dma_start3A_1346 : memref<8x51xf32, #tpu.memory_space<hbm>>) target(%dma_start3A_1344 : memref<8x51xf32, #tpu.memory_space<vmem>>) target_semaphore(%arg10 : memref<!tpu.dma_semaphore, #tpu.memory_space<semaphore_mem>>)
      } else {
      }
      %slice3A_1093 = vector.extract_strided_slice %get3A_917 {offsets = [8], sizes = [1], strides = [1]} : vector<16xi32> to vector<1xi32>
      %squeeze3A_1094 = vector.extract %slice3A_1093[0] : i32 from vector<1xi32>
      %multiple_of3A_1095 = tpu.assume_multiple %squeeze3A_1094, 8 : i32
      %dma_start3A_1096 = arith.constant 384 : i32
      %dma_start3A_1097 = arith.constant 0 : i32
      %dma_start3A_1098 = tpu.memref_slice %arg8[%dma_start3A_1096, %dma_start3A_1097] : memref<512x51xf32, #tpu.memory_space<vmem>> -> memref<8x51xf32, #tpu.memory_space<vmem>>
      %dma_start3A_1099 = arith.constant 0 : i32
      %dma_start3A_1100 = tpu.memref_slice %arg3[%multiple_of3A_1095, %dma_start3A_1099] : memref<1000001x51xf32, #tpu.memory_space<hbm>> -> memref<8x51xf32, #tpu.memory_space<hbm>>
      %dma_start3A_1101 = arith.constant 384 : i32
      %dma_start3A_1102 = arith.constant 0 : i32
      %dma_start3A_1103 = tpu.memref_slice %arg8[%dma_start3A_1101, %dma_start3A_1102] : memref<512x51xf32, #tpu.memory_space<vmem>> -> memref<8x51xf32, #tpu.memory_space<vmem>>
      %dma_start3A_1104 = arith.constant 0 : i32
      %dma_start3A_1105 = tpu.memref_slice %arg3[%multiple_of3A_1095, %dma_start3A_1104] : memref<1000001x51xf32, #tpu.memory_space<hbm>> -> memref<8x51xf32, #tpu.memory_space<hbm>>
      tpu.enqueue_dma source(%dma_start3A_1105 : memref<8x51xf32, #tpu.memory_space<hbm>>) target(%dma_start3A_1103 : memref<8x51xf32, #tpu.memory_space<vmem>>) target_semaphore(%arg10 : memref<!tpu.dma_semaphore, #tpu.memory_space<semaphore_mem>>)
      %slice3A_1106 = vector.extract_strided_slice %convert_element_type3A_928 {offsets = [8], sizes = [1], strides = [1]} : vector<16xi32> to vector<1xi32>
      %squeeze3A_1107 = vector.extract %slice3A_1106[0] : i32 from vector<1xi32>
      %eq3A_1108 = arith.constant 1 : i32
      %eq3A_1109 = arith.cmpi eq, %squeeze3A_1107, %eq3A_1108 : i32
      %convert_element_type3A_1110 = arith.extui %eq3A_1109 : i1 to i32
      %cond3A_1111 = arith.constant 0 : i32
      %cond3A_1112 = arith.cmpi ne, %convert_element_type3A_1110, %cond3A_1111 : i32
      scf.if %cond3A_1112 {
        %slice3A_1332 = vector.extract_strided_slice %get3A_917 {offsets = [8], sizes = [1], strides = [1]} : vector<16xi32> to vector<1xi32>
        %squeeze3A_1333 = vector.extract %slice3A_1332[0] : i32 from vector<1xi32>
        %add3A_1334 = arith.constant 8 : i32
        %add3A_1335 = arith.addi %squeeze3A_1333, %add3A_1334 : i32
        %multiple_of3A_1336 = tpu.assume_multiple %add3A_1335, 8 : i32
        %dma_start3A_1337 = arith.constant 392 : i32
        %dma_start3A_1338 = arith.constant 0 : i32
        %dma_start3A_1339 = tpu.memref_slice %arg8[%dma_start3A_1337, %dma_start3A_1338] : memref<512x51xf32, #tpu.memory_space<vmem>> -> memref<8x51xf32, #tpu.memory_space<vmem>>
        %dma_start3A_1340 = arith.constant 0 : i32
        %dma_start3A_1341 = tpu.memref_slice %arg3[%multiple_of3A_1336, %dma_start3A_1340] : memref<1000001x51xf32, #tpu.memory_space<hbm>> -> memref<8x51xf32, #tpu.memory_space<hbm>>
        %dma_start3A_1342 = arith.constant 392 : i32
        %dma_start3A_1343 = arith.constant 0 : i32
        %dma_start3A_1344 = tpu.memref_slice %arg8[%dma_start3A_1342, %dma_start3A_1343] : memref<512x51xf32, #tpu.memory_space<vmem>> -> memref<8x51xf32, #tpu.memory_space<vmem>>
        %dma_start3A_1345 = arith.constant 0 : i32
        %dma_start3A_1346 = tpu.memref_slice %arg3[%multiple_of3A_1336, %dma_start3A_1345] : memref<1000001x51xf32, #tpu.memory_space<hbm>> -> memref<8x51xf32, #tpu.memory_space<hbm>>
        tpu.enqueue_dma source(%dma_start3A_1346 : memref<8x51xf32, #tpu.memory_space<hbm>>) target(%dma_start3A_1344 : memref<8x51xf32, #tpu.memory_space<vmem>>) target_semaphore(%arg10 : memref<!tpu.dma_semaphore, #tpu.memory_space<semaphore_mem>>)
      } else {
      }
      %slice3A_1113 = vector.extract_strided_slice %get3A_917 {offsets = [9], sizes = [1], strides = [1]} : vector<16xi32> to vector<1xi32>
      %squeeze3A_1114 = vector.extract %slice3A_1113[0] : i32 from vector<1xi32>
      %multiple_of3A_1115 = tpu.assume_multiple %squeeze3A_1114, 8 : i32
      %dma_start3A_1116 = arith.constant 400 : i32
      %dma_start3A_1117 = arith.constant 0 : i32
      %dma_start3A_1118 = tpu.memref_slice %arg8[%dma_start3A_1116, %dma_start3A_1117] : memref<512x51xf32, #tpu.memory_space<vmem>> -> memref<8x51xf32, #tpu.memory_space<vmem>>
      %dma_start3A_1119 = arith.constant 0 : i32
      %dma_start3A_1120 = tpu.memref_slice %arg3[%multiple_of3A_1115, %dma_start3A_1119] : memref<1000001x51xf32, #tpu.memory_space<hbm>> -> memref<8x51xf32, #tpu.memory_space<hbm>>
      %dma_start3A_1121 = arith.constant 400 : i32
      %dma_start3A_1122 = arith.constant 0 : i32
      %dma_start3A_1123 = tpu.memref_slice %arg8[%dma_start3A_1121, %dma_start3A_1122] : memref<512x51xf32, #tpu.memory_space<vmem>> -> memref<8x51xf32, #tpu.memory_space<vmem>>
      %dma_start3A_1124 = arith.constant 0 : i32
      %dma_start3A_1125 = tpu.memref_slice %arg3[%multiple_of3A_1115, %dma_start3A_1124] : memref<1000001x51xf32, #tpu.memory_space<hbm>> -> memref<8x51xf32, #tpu.memory_space<hbm>>
      tpu.enqueue_dma source(%dma_start3A_1125 : memref<8x51xf32, #tpu.memory_space<hbm>>) target(%dma_start3A_1123 : memref<8x51xf32, #tpu.memory_space<vmem>>) target_semaphore(%arg10 : memref<!tpu.dma_semaphore, #tpu.memory_space<semaphore_mem>>)
      %slice3A_1126 = vector.extract_strided_slice %convert_element_type3A_928 {offsets = [9], sizes = [1], strides = [1]} : vector<16xi32> to vector<1xi32>
      %squeeze3A_1127 = vector.extract %slice3A_1126[0] : i32 from vector<1xi32>
      %eq3A_1128 = arith.constant 1 : i32
      %eq3A_1129 = arith.cmpi eq, %squeeze3A_1127, %eq3A_1128 : i32
      %convert_element_type3A_1130 = arith.extui %eq3A_1129 : i1 to i32
      %cond3A_1131 = arith.constant 0 : i32
      %cond3A_1132 = arith.cmpi ne, %convert_element_type3A_1130, %cond3A_1131 : i32
      scf.if %cond3A_1132 {
        %slice3A_1332 = vector.extract_strided_slice %get3A_917 {offsets = [9], sizes = [1], strides = [1]} : vector<16xi32> to vector<1xi32>
        %squeeze3A_1333 = vector.extract %slice3A_1332[0] : i32 from vector<1xi32>
        %add3A_1334 = arith.constant 8 : i32
        %add3A_1335 = arith.addi %squeeze3A_1333, %add3A_1334 : i32
        %multiple_of3A_1336 = tpu.assume_multiple %add3A_1335, 8 : i32
        %dma_start3A_1337 = arith.constant 408 : i32
        %dma_start3A_1338 = arith.constant 0 : i32
        %dma_start3A_1339 = tpu.memref_slice %arg8[%dma_start3A_1337, %dma_start3A_1338] : memref<512x51xf32, #tpu.memory_space<vmem>> -> memref<8x51xf32, #tpu.memory_space<vmem>>
        %dma_start3A_1340 = arith.constant 0 : i32
        %dma_start3A_1341 = tpu.memref_slice %arg3[%multiple_of3A_1336, %dma_start3A_1340] : memref<1000001x51xf32, #tpu.memory_space<hbm>> -> memref<8x51xf32, #tpu.memory_space<hbm>>
        %dma_start3A_1342 = arith.constant 408 : i32
        %dma_start3A_1343 = arith.constant 0 : i32
        %dma_start3A_1344 = tpu.memref_slice %arg8[%dma_start3A_1342, %dma_start3A_1343] : memref<512x51xf32, #tpu.memory_space<vmem>> -> memref<8x51xf32, #tpu.memory_space<vmem>>
        %dma_start3A_1345 = arith.constant 0 : i32
        %dma_start3A_1346 = tpu.memref_slice %arg3[%multiple_of3A_1336, %dma_start3A_1345] : memref<1000001x51xf32, #tpu.memory_space<hbm>> -> memref<8x51xf32, #tpu.memory_space<hbm>>
        tpu.enqueue_dma source(%dma_start3A_1346 : memref<8x51xf32, #tpu.memory_space<hbm>>) target(%dma_start3A_1344 : memref<8x51xf32, #tpu.memory_space<vmem>>) target_semaphore(%arg10 : memref<!tpu.dma_semaphore, #tpu.memory_space<semaphore_mem>>)
      } else {
      }
      %slice3A_1133 = vector.extract_strided_slice %get3A_917 {offsets = [10], sizes = [1], strides = [1]} : vector<16xi32> to vector<1xi32>
      %squeeze3A_1134 = vector.extract %slice3A_1133[0] : i32 from vector<1xi32>
      %multiple_of3A_1135 = tpu.assume_multiple %squeeze3A_1134, 8 : i32
      %dma_start3A_1136 = arith.constant 416 : i32
      %dma_start3A_1137 = arith.constant 0 : i32
      %dma_start3A_1138 = tpu.memref_slice %arg8[%dma_start3A_1136, %dma_start3A_1137] : memref<512x51xf32, #tpu.memory_space<vmem>> -> memref<8x51xf32, #tpu.memory_space<vmem>>
      %dma_start3A_1139 = arith.constant 0 : i32
      %dma_start3A_1140 = tpu.memref_slice %arg3[%multiple_of3A_1135, %dma_start3A_1139] : memref<1000001x51xf32, #tpu.memory_space<hbm>> -> memref<8x51xf32, #tpu.memory_space<hbm>>
      %dma_start3A_1141 = arith.constant 416 : i32
      %dma_start3A_1142 = arith.constant 0 : i32
      %dma_start3A_1143 = tpu.memref_slice %arg8[%dma_start3A_1141, %dma_start3A_1142] : memref<512x51xf32, #tpu.memory_space<vmem>> -> memref<8x51xf32, #tpu.memory_space<vmem>>
      %dma_start3A_1144 = arith.constant 0 : i32
      %dma_start3A_1145 = tpu.memref_slice %arg3[%multiple_of3A_1135, %dma_start3A_1144] : memref<1000001x51xf32, #tpu.memory_space<hbm>> -> memref<8x51xf32, #tpu.memory_space<hbm>>
      tpu.enqueue_dma source(%dma_start3A_1145 : memref<8x51xf32, #tpu.memory_space<hbm>>) target(%dma_start3A_1143 : memref<8x51xf32, #tpu.memory_space<vmem>>) target_semaphore(%arg10 : memref<!tpu.dma_semaphore, #tpu.memory_space<semaphore_mem>>)
      %slice3A_1146 = vector.extract_strided_slice %convert_element_type3A_928 {offsets = [10], sizes = [1], strides = [1]} : vector<16xi32> to vector<1xi32>
      %squeeze3A_1147 = vector.extract %slice3A_1146[0] : i32 from vector<1xi32>
      %eq3A_1148 = arith.constant 1 : i32
      %eq3A_1149 = arith.cmpi eq, %squeeze3A_1147, %eq3A_1148 : i32
      %convert_element_type3A_1150 = arith.extui %eq3A_1149 : i1 to i32
      %cond3A_1151 = arith.constant 0 : i32
      %cond3A_1152 = arith.cmpi ne, %convert_element_type3A_1150, %cond3A_1151 : i32
      scf.if %cond3A_1152 {
        %slice3A_1332 = vector.extract_strided_slice %get3A_917 {offsets = [10], sizes = [1], strides = [1]} : vector<16xi32> to vector<1xi32>
        %squeeze3A_1333 = vector.extract %slice3A_1332[0] : i32 from vector<1xi32>
        %add3A_1334 = arith.constant 8 : i32
        %add3A_1335 = arith.addi %squeeze3A_1333, %add3A_1334 : i32
        %multiple_of3A_1336 = tpu.assume_multiple %add3A_1335, 8 : i32
        %dma_start3A_1337 = arith.constant 424 : i32
        %dma_start3A_1338 = arith.constant 0 : i32
        %dma_start3A_1339 = tpu.memref_slice %arg8[%dma_start3A_1337, %dma_start3A_1338] : memref<512x51xf32, #tpu.memory_space<vmem>> -> memref<8x51xf32, #tpu.memory_space<vmem>>
        %dma_start3A_1340 = arith.constant 0 : i32
        %dma_start3A_1341 = tpu.memref_slice %arg3[%multiple_of3A_1336, %dma_start3A_1340] : memref<1000001x51xf32, #tpu.memory_space<hbm>> -> memref<8x51xf32, #tpu.memory_space<hbm>>
        %dma_start3A_1342 = arith.constant 424 : i32
        %dma_start3A_1343 = arith.constant 0 : i32
        %dma_start3A_1344 = tpu.memref_slice %arg8[%dma_start3A_1342, %dma_start3A_1343] : memref<512x51xf32, #tpu.memory_space<vmem>> -> memref<8x51xf32, #tpu.memory_space<vmem>>
        %dma_start3A_1345 = arith.constant 0 : i32
        %dma_start3A_1346 = tpu.memref_slice %arg3[%multiple_of3A_1336, %dma_start3A_1345] : memref<1000001x51xf32, #tpu.memory_space<hbm>> -> memref<8x51xf32, #tpu.memory_space<hbm>>
        tpu.enqueue_dma source(%dma_start3A_1346 : memref<8x51xf32, #tpu.memory_space<hbm>>) target(%dma_start3A_1344 : memref<8x51xf32, #tpu.memory_space<vmem>>) target_semaphore(%arg10 : memref<!tpu.dma_semaphore, #tpu.memory_space<semaphore_mem>>)
      } else {
      }
      %slice3A_1153 = vector.extract_strided_slice %get3A_917 {offsets = [11], sizes = [1], strides = [1]} : vector<16xi32> to vector<1xi32>
      %squeeze3A_1154 = vector.extract %slice3A_1153[0] : i32 from vector<1xi32>
      %multiple_of3A_1155 = tpu.assume_multiple %squeeze3A_1154, 8 : i32
      %dma_start3A_1156 = arith.constant 432 : i32
      %dma_start3A_1157 = arith.constant 0 : i32
      %dma_start3A_1158 = tpu.memref_slice %arg8[%dma_start3A_1156, %dma_start3A_1157] : memref<512x51xf32, #tpu.memory_space<vmem>> -> memref<8x51xf32, #tpu.memory_space<vmem>>
      %dma_start3A_1159 = arith.constant 0 : i32
      %dma_start3A_1160 = tpu.memref_slice %arg3[%multiple_of3A_1155, %dma_start3A_1159] : memref<1000001x51xf32, #tpu.memory_space<hbm>> -> memref<8x51xf32, #tpu.memory_space<hbm>>
      %dma_start3A_1161 = arith.constant 432 : i32
      %dma_start3A_1162 = arith.constant 0 : i32
      %dma_start3A_1163 = tpu.memref_slice %arg8[%dma_start3A_1161, %dma_start3A_1162] : memref<512x51xf32, #tpu.memory_space<vmem>> -> memref<8x51xf32, #tpu.memory_space<vmem>>
      %dma_start3A_1164 = arith.constant 0 : i32
      %dma_start3A_1165 = tpu.memref_slice %arg3[%multiple_of3A_1155, %dma_start3A_1164] : memref<1000001x51xf32, #tpu.memory_space<hbm>> -> memref<8x51xf32, #tpu.memory_space<hbm>>
      tpu.enqueue_dma source(%dma_start3A_1165 : memref<8x51xf32, #tpu.memory_space<hbm>>) target(%dma_start3A_1163 : memref<8x51xf32, #tpu.memory_space<vmem>>) target_semaphore(%arg10 : memref<!tpu.dma_semaphore, #tpu.memory_space<semaphore_mem>>)
      %slice3A_1166 = vector.extract_strided_slice %convert_element_type3A_928 {offsets = [11], sizes = [1], strides = [1]} : vector<16xi32> to vector<1xi32>
      %squeeze3A_1167 = vector.extract %slice3A_1166[0] : i32 from vector<1xi32>
      %eq3A_1168 = arith.constant 1 : i32
      %eq3A_1169 = arith.cmpi eq, %squeeze3A_1167, %eq3A_1168 : i32
      %convert_element_type3A_1170 = arith.extui %eq3A_1169 : i1 to i32
      %cond3A_1171 = arith.constant 0 : i32
      %cond3A_1172 = arith.cmpi ne, %convert_element_type3A_1170, %cond3A_1171 : i32
      scf.if %cond3A_1172 {
        %slice3A_1332 = vector.extract_strided_slice %get3A_917 {offsets = [11], sizes = [1], strides = [1]} : vector<16xi32> to vector<1xi32>
        %squeeze3A_1333 = vector.extract %slice3A_1332[0] : i32 from vector<1xi32>
        %add3A_1334 = arith.constant 8 : i32
        %add3A_1335 = arith.addi %squeeze3A_1333, %add3A_1334 : i32
        %multiple_of3A_1336 = tpu.assume_multiple %add3A_1335, 8 : i32
        %dma_start3A_1337 = arith.constant 440 : i32
        %dma_start3A_1338 = arith.constant 0 : i32
        %dma_start3A_1339 = tpu.memref_slice %arg8[%dma_start3A_1337, %dma_start3A_1338] : memref<512x51xf32, #tpu.memory_space<vmem>> -> memref<8x51xf32, #tpu.memory_space<vmem>>
        %dma_start3A_1340 = arith.constant 0 : i32
        %dma_start3A_1341 = tpu.memref_slice %arg3[%multiple_of3A_1336, %dma_start3A_1340] : memref<1000001x51xf32, #tpu.memory_space<hbm>> -> memref<8x51xf32, #tpu.memory_space<hbm>>
        %dma_start3A_1342 = arith.constant 440 : i32
        %dma_start3A_1343 = arith.constant 0 : i32
        %dma_start3A_1344 = tpu.memref_slice %arg8[%dma_start3A_1342, %dma_start3A_1343] : memref<512x51xf32, #tpu.memory_space<vmem>> -> memref<8x51xf32, #tpu.memory_space<vmem>>
        %dma_start3A_1345 = arith.constant 0 : i32
        %dma_start3A_1346 = tpu.memref_slice %arg3[%multiple_of3A_1336, %dma_start3A_1345] : memref<1000001x51xf32, #tpu.memory_space<hbm>> -> memref<8x51xf32, #tpu.memory_space<hbm>>
        tpu.enqueue_dma source(%dma_start3A_1346 : memref<8x51xf32, #tpu.memory_space<hbm>>) target(%dma_start3A_1344 : memref<8x51xf32, #tpu.memory_space<vmem>>) target_semaphore(%arg10 : memref<!tpu.dma_semaphore, #tpu.memory_space<semaphore_mem>>)
      } else {
      }
      %slice3A_1173 = vector.extract_strided_slice %get3A_917 {offsets = [12], sizes = [1], strides = [1]} : vector<16xi32> to vector<1xi32>
      %squeeze3A_1174 = vector.extract %slice3A_1173[0] : i32 from vector<1xi32>
      %multiple_of3A_1175 = tpu.assume_multiple %squeeze3A_1174, 8 : i32
      %dma_start3A_1176 = arith.constant 448 : i32
      %dma_start3A_1177 = arith.constant 0 : i32
      %dma_start3A_1178 = tpu.memref_slice %arg8[%dma_start3A_1176, %dma_start3A_1177] : memref<512x51xf32, #tpu.memory_space<vmem>> -> memref<8x51xf32, #tpu.memory_space<vmem>>
      %dma_start3A_1179 = arith.constant 0 : i32
      %dma_start3A_1180 = tpu.memref_slice %arg3[%multiple_of3A_1175, %dma_start3A_1179] : memref<1000001x51xf32, #tpu.memory_space<hbm>> -> memref<8x51xf32, #tpu.memory_space<hbm>>
      %dma_start3A_1181 = arith.constant 448 : i32
      %dma_start3A_1182 = arith.constant 0 : i32
      %dma_start3A_1183 = tpu.memref_slice %arg8[%dma_start3A_1181, %dma_start3A_1182] : memref<512x51xf32, #tpu.memory_space<vmem>> -> memref<8x51xf32, #tpu.memory_space<vmem>>
      %dma_start3A_1184 = arith.constant 0 : i32
      %dma_start3A_1185 = tpu.memref_slice %arg3[%multiple_of3A_1175, %dma_start3A_1184] : memref<1000001x51xf32, #tpu.memory_space<hbm>> -> memref<8x51xf32, #tpu.memory_space<hbm>>
      tpu.enqueue_dma source(%dma_start3A_1185 : memref<8x51xf32, #tpu.memory_space<hbm>>) target(%dma_start3A_1183 : memref<8x51xf32, #tpu.memory_space<vmem>>) target_semaphore(%arg10 : memref<!tpu.dma_semaphore, #tpu.memory_space<semaphore_mem>>)
      %slice3A_1186 = vector.extract_strided_slice %convert_element_type3A_928 {offsets = [12], sizes = [1], strides = [1]} : vector<16xi32> to vector<1xi32>
      %squeeze3A_1187 = vector.extract %slice3A_1186[0] : i32 from vector<1xi32>
      %eq3A_1188 = arith.constant 1 : i32
      %eq3A_1189 = arith.cmpi eq, %squeeze3A_1187, %eq3A_1188 : i32
      %convert_element_type3A_1190 = arith.extui %eq3A_1189 : i1 to i32
      %cond3A_1191 = arith.constant 0 : i32
      %cond3A_1192 = arith.cmpi ne, %convert_element_type3A_1190, %cond3A_1191 : i32
      scf.if %cond3A_1192 {
        %slice3A_1332 = vector.extract_strided_slice %get3A_917 {offsets = [12], sizes = [1], strides = [1]} : vector<16xi32> to vector<1xi32>
        %squeeze3A_1333 = vector.extract %slice3A_1332[0] : i32 from vector<1xi32>
        %add3A_1334 = arith.constant 8 : i32
        %add3A_1335 = arith.addi %squeeze3A_1333, %add3A_1334 : i32
        %multiple_of3A_1336 = tpu.assume_multiple %add3A_1335, 8 : i32
        %dma_start3A_1337 = arith.constant 456 : i32
        %dma_start3A_1338 = arith.constant 0 : i32
        %dma_start3A_1339 = tpu.memref_slice %arg8[%dma_start3A_1337, %dma_start3A_1338] : memref<512x51xf32, #tpu.memory_space<vmem>> -> memref<8x51xf32, #tpu.memory_space<vmem>>
        %dma_start3A_1340 = arith.constant 0 : i32
        %dma_start3A_1341 = tpu.memref_slice %arg3[%multiple_of3A_1336, %dma_start3A_1340] : memref<1000001x51xf32, #tpu.memory_space<hbm>> -> memref<8x51xf32, #tpu.memory_space<hbm>>
        %dma_start3A_1342 = arith.constant 456 : i32
        %dma_start3A_1343 = arith.constant 0 : i32
        %dma_start3A_1344 = tpu.memref_slice %arg8[%dma_start3A_1342, %dma_start3A_1343] : memref<512x51xf32, #tpu.memory_space<vmem>> -> memref<8x51xf32, #tpu.memory_space<vmem>>
        %dma_start3A_1345 = arith.constant 0 : i32
        %dma_start3A_1346 = tpu.memref_slice %arg3[%multiple_of3A_1336, %dma_start3A_1345] : memref<1000001x51xf32, #tpu.memory_space<hbm>> -> memref<8x51xf32, #tpu.memory_space<hbm>>
        tpu.enqueue_dma source(%dma_start3A_1346 : memref<8x51xf32, #tpu.memory_space<hbm>>) target(%dma_start3A_1344 : memref<8x51xf32, #tpu.memory_space<vmem>>) target_semaphore(%arg10 : memref<!tpu.dma_semaphore, #tpu.memory_space<semaphore_mem>>)
      } else {
      }
      %slice3A_1193 = vector.extract_strided_slice %get3A_917 {offsets = [13], sizes = [1], strides = [1]} : vector<16xi32> to vector<1xi32>
      %squeeze3A_1194 = vector.extract %slice3A_1193[0] : i32 from vector<1xi32>
      %multiple_of3A_1195 = tpu.assume_multiple %squeeze3A_1194, 8 : i32
      %dma_start3A_1196 = arith.constant 464 : i32
      %dma_start3A_1197 = arith.constant 0 : i32
      %dma_start3A_1198 = tpu.memref_slice %arg8[%dma_start3A_1196, %dma_start3A_1197] : memref<512x51xf32, #tpu.memory_space<vmem>> -> memref<8x51xf32, #tpu.memory_space<vmem>>
      %dma_start3A_1199 = arith.constant 0 : i32
      %dma_start3A_1200 = tpu.memref_slice %arg3[%multiple_of3A_1195, %dma_start3A_1199] : memref<1000001x51xf32, #tpu.memory_space<hbm>> -> memref<8x51xf32, #tpu.memory_space<hbm>>
      %dma_start3A_1201 = arith.constant 464 : i32
      %dma_start3A_1202 = arith.constant 0 : i32
      %dma_start3A_1203 = tpu.memref_slice %arg8[%dma_start3A_1201, %dma_start3A_1202] : memref<512x51xf32, #tpu.memory_space<vmem>> -> memref<8x51xf32, #tpu.memory_space<vmem>>
      %dma_start3A_1204 = arith.constant 0 : i32
      %dma_start3A_1205 = tpu.memref_slice %arg3[%multiple_of3A_1195, %dma_start3A_1204] : memref<1000001x51xf32, #tpu.memory_space<hbm>> -> memref<8x51xf32, #tpu.memory_space<hbm>>
      tpu.enqueue_dma source(%dma_start3A_1205 : memref<8x51xf32, #tpu.memory_space<hbm>>) target(%dma_start3A_1203 : memref<8x51xf32, #tpu.memory_space<vmem>>) target_semaphore(%arg10 : memref<!tpu.dma_semaphore, #tpu.memory_space<semaphore_mem>>)
      %slice3A_1206 = vector.extract_strided_slice %convert_element_type3A_928 {offsets = [13], sizes = [1], strides = [1]} : vector<16xi32> to vector<1xi32>
      %squeeze3A_1207 = vector.extract %slice3A_1206[0] : i32 from vector<1xi32>
      %eq3A_1208 = arith.constant 1 : i32
      %eq3A_1209 = arith.cmpi eq, %squeeze3A_1207, %eq3A_1208 : i32
      %convert_element_type3A_1210 = arith.extui %eq3A_1209 : i1 to i32
      %cond3A_1211 = arith.constant 0 : i32
      %cond3A_1212 = arith.cmpi ne, %convert_element_type3A_1210, %cond3A_1211 : i32
      scf.if %cond3A_1212 {
        %slice3A_1332 = vector.extract_strided_slice %get3A_917 {offsets = [13], sizes = [1], strides = [1]} : vector<16xi32> to vector<1xi32>
        %squeeze3A_1333 = vector.extract %slice3A_1332[0] : i32 from vector<1xi32>
        %add3A_1334 = arith.constant 8 : i32
        %add3A_1335 = arith.addi %squeeze3A_1333, %add3A_1334 : i32
        %multiple_of3A_1336 = tpu.assume_multiple %add3A_1335, 8 : i32
        %dma_start3A_1337 = arith.constant 472 : i32
        %dma_start3A_1338 = arith.constant 0 : i32
        %dma_start3A_1339 = tpu.memref_slice %arg8[%dma_start3A_1337, %dma_start3A_1338] : memref<512x51xf32, #tpu.memory_space<vmem>> -> memref<8x51xf32, #tpu.memory_space<vmem>>
        %dma_start3A_1340 = arith.constant 0 : i32
        %dma_start3A_1341 = tpu.memref_slice %arg3[%multiple_of3A_1336, %dma_start3A_1340] : memref<1000001x51xf32, #tpu.memory_space<hbm>> -> memref<8x51xf32, #tpu.memory_space<hbm>>
        %dma_start3A_1342 = arith.constant 472 : i32
        %dma_start3A_1343 = arith.constant 0 : i32
        %dma_start3A_1344 = tpu.memref_slice %arg8[%dma_start3A_1342, %dma_start3A_1343] : memref<512x51xf32, #tpu.memory_space<vmem>> -> memref<8x51xf32, #tpu.memory_space<vmem>>
        %dma_start3A_1345 = arith.constant 0 : i32
        %dma_start3A_1346 = tpu.memref_slice %arg3[%multiple_of3A_1336, %dma_start3A_1345] : memref<1000001x51xf32, #tpu.memory_space<hbm>> -> memref<8x51xf32, #tpu.memory_space<hbm>>
        tpu.enqueue_dma source(%dma_start3A_1346 : memref<8x51xf32, #tpu.memory_space<hbm>>) target(%dma_start3A_1344 : memref<8x51xf32, #tpu.memory_space<vmem>>) target_semaphore(%arg10 : memref<!tpu.dma_semaphore, #tpu.memory_space<semaphore_mem>>)
      } else {
      }
      %slice3A_1213 = vector.extract_strided_slice %get3A_917 {offsets = [14], sizes = [1], strides = [1]} : vector<16xi32> to vector<1xi32>
      %squeeze3A_1214 = vector.extract %slice3A_1213[0] : i32 from vector<1xi32>
      %multiple_of3A_1215 = tpu.assume_multiple %squeeze3A_1214, 8 : i32
      %dma_start3A_1216 = arith.constant 480 : i32
      %dma_start3A_1217 = arith.constant 0 : i32
      %dma_start3A_1218 = tpu.memref_slice %arg8[%dma_start3A_1216, %dma_start3A_1217] : memref<512x51xf32, #tpu.memory_space<vmem>> -> memref<8x51xf32, #tpu.memory_space<vmem>>
      %dma_start3A_1219 = arith.constant 0 : i32
      %dma_start3A_1220 = tpu.memref_slice %arg3[%multiple_of3A_1215, %dma_start3A_1219] : memref<1000001x51xf32, #tpu.memory_space<hbm>> -> memref<8x51xf32, #tpu.memory_space<hbm>>
      %dma_start3A_1221 = arith.constant 480 : i32
      %dma_start3A_1222 = arith.constant 0 : i32
      %dma_start3A_1223 = tpu.memref_slice %arg8[%dma_start3A_1221, %dma_start3A_1222] : memref<512x51xf32, #tpu.memory_space<vmem>> -> memref<8x51xf32, #tpu.memory_space<vmem>>
      %dma_start3A_1224 = arith.constant 0 : i32
      %dma_start3A_1225 = tpu.memref_slice %arg3[%multiple_of3A_1215, %dma_start3A_1224] : memref<1000001x51xf32, #tpu.memory_space<hbm>> -> memref<8x51xf32, #tpu.memory_space<hbm>>
      tpu.enqueue_dma source(%dma_start3A_1225 : memref<8x51xf32, #tpu.memory_space<hbm>>) target(%dma_start3A_1223 : memref<8x51xf32, #tpu.memory_space<vmem>>) target_semaphore(%arg10 : memref<!tpu.dma_semaphore, #tpu.memory_space<semaphore_mem>>)
      %slice3A_1226 = vector.extract_strided_slice %convert_element_type3A_928 {offsets = [14], sizes = [1], strides = [1]} : vector<16xi32> to vector<1xi32>
      %squeeze3A_1227 = vector.extract %slice3A_1226[0] : i32 from vector<1xi32>
      %eq3A_1228 = arith.constant 1 : i32
      %eq3A_1229 = arith.cmpi eq, %squeeze3A_1227, %eq3A_1228 : i32
      %convert_element_type3A_1230 = arith.extui %eq3A_1229 : i1 to i32
      %cond3A_1231 = arith.constant 0 : i32
      %cond3A_1232 = arith.cmpi ne, %convert_element_type3A_1230, %cond3A_1231 : i32
      scf.if %cond3A_1232 {
        %slice3A_1332 = vector.extract_strided_slice %get3A_917 {offsets = [14], sizes = [1], strides = [1]} : vector<16xi32> to vector<1xi32>
        %squeeze3A_1333 = vector.extract %slice3A_1332[0] : i32 from vector<1xi32>
        %add3A_1334 = arith.constant 8 : i32
        %add3A_1335 = arith.addi %squeeze3A_1333, %add3A_1334 : i32
        %multiple_of3A_1336 = tpu.assume_multiple %add3A_1335, 8 : i32
        %dma_start3A_1337 = arith.constant 488 : i32
        %dma_start3A_1338 = arith.constant 0 : i32
        %dma_start3A_1339 = tpu.memref_slice %arg8[%dma_start3A_1337, %dma_start3A_1338] : memref<512x51xf32, #tpu.memory_space<vmem>> -> memref<8x51xf32, #tpu.memory_space<vmem>>
        %dma_start3A_1340 = arith.constant 0 : i32
        %dma_start3A_1341 = tpu.memref_slice %arg3[%multiple_of3A_1336, %dma_start3A_1340] : memref<1000001x51xf32, #tpu.memory_space<hbm>> -> memref<8x51xf32, #tpu.memory_space<hbm>>
        %dma_start3A_1342 = arith.constant 488 : i32
        %dma_start3A_1343 = arith.constant 0 : i32
        %dma_start3A_1344 = tpu.memref_slice %arg8[%dma_start3A_1342, %dma_start3A_1343] : memref<512x51xf32, #tpu.memory_space<vmem>> -> memref<8x51xf32, #tpu.memory_space<vmem>>
        %dma_start3A_1345 = arith.constant 0 : i32
        %dma_start3A_1346 = tpu.memref_slice %arg3[%multiple_of3A_1336, %dma_start3A_1345] : memref<1000001x51xf32, #tpu.memory_space<hbm>> -> memref<8x51xf32, #tpu.memory_space<hbm>>
        tpu.enqueue_dma source(%dma_start3A_1346 : memref<8x51xf32, #tpu.memory_space<hbm>>) target(%dma_start3A_1344 : memref<8x51xf32, #tpu.memory_space<vmem>>) target_semaphore(%arg10 : memref<!tpu.dma_semaphore, #tpu.memory_space<semaphore_mem>>)
      } else {
      }
      %slice3A_1233 = vector.extract_strided_slice %get3A_917 {offsets = [15], sizes = [1], strides = [1]} : vector<16xi32> to vector<1xi32>
      %squeeze3A_1234 = vector.extract %slice3A_1233[0] : i32 from vector<1xi32>
      %multiple_of3A_1235 = tpu.assume_multiple %squeeze3A_1234, 8 : i32
      %dma_start3A_1236 = arith.constant 496 : i32
      %dma_start3A_1237 = arith.constant 0 : i32
      %dma_start3A_1238 = tpu.memref_slice %arg8[%dma_start3A_1236, %dma_start3A_1237] : memref<512x51xf32, #tpu.memory_space<vmem>> -> memref<8x51xf32, #tpu.memory_space<vmem>>
      %dma_start3A_1239 = arith.constant 0 : i32
      %dma_start3A_1240 = tpu.memref_slice %arg3[%multiple_of3A_1235, %dma_start3A_1239] : memref<1000001x51xf32, #tpu.memory_space<hbm>> -> memref<8x51xf32, #tpu.memory_space<hbm>>
      %dma_start3A_1241 = arith.constant 496 : i32
      %dma_start3A_1242 = arith.constant 0 : i32
      %dma_start3A_1243 = tpu.memref_slice %arg8[%dma_start3A_1241, %dma_start3A_1242] : memref<512x51xf32, #tpu.memory_space<vmem>> -> memref<8x51xf32, #tpu.memory_space<vmem>>
      %dma_start3A_1244 = arith.constant 0 : i32
      %dma_start3A_1245 = tpu.memref_slice %arg3[%multiple_of3A_1235, %dma_start3A_1244] : memref<1000001x51xf32, #tpu.memory_space<hbm>> -> memref<8x51xf32, #tpu.memory_space<hbm>>
      tpu.enqueue_dma source(%dma_start3A_1245 : memref<8x51xf32, #tpu.memory_space<hbm>>) target(%dma_start3A_1243 : memref<8x51xf32, #tpu.memory_space<vmem>>) target_semaphore(%arg10 : memref<!tpu.dma_semaphore, #tpu.memory_space<semaphore_mem>>)
      %slice3A_1246 = vector.extract_strided_slice %convert_element_type3A_928 {offsets = [15], sizes = [1], strides = [1]} : vector<16xi32> to vector<1xi32>
      %squeeze3A_1247 = vector.extract %slice3A_1246[0] : i32 from vector<1xi32>
      %eq3A_1248 = arith.constant 1 : i32
      %eq3A_1249 = arith.cmpi eq, %squeeze3A_1247, %eq3A_1248 : i32
      %convert_element_type3A_1250 = arith.extui %eq3A_1249 : i1 to i32
      %cond3A_1251 = arith.constant 0 : i32
      %cond3A_1252 = arith.cmpi ne, %convert_element_type3A_1250, %cond3A_1251 : i32
      scf.if %cond3A_1252 {
        %slice3A_1332 = vector.extract_strided_slice %get3A_917 {offsets = [15], sizes = [1], strides = [1]} : vector<16xi32> to vector<1xi32>
        %squeeze3A_1333 = vector.extract %slice3A_1332[0] : i32 from vector<1xi32>
        %add3A_1334 = arith.constant 8 : i32
        %add3A_1335 = arith.addi %squeeze3A_1333, %add3A_1334 : i32
        %multiple_of3A_1336 = tpu.assume_multiple %add3A_1335, 8 : i32
        %dma_start3A_1337 = arith.constant 504 : i32
        %dma_start3A_1338 = arith.constant 0 : i32
        %dma_start3A_1339 = tpu.memref_slice %arg8[%dma_start3A_1337, %dma_start3A_1338] : memref<512x51xf32, #tpu.memory_space<vmem>> -> memref<8x51xf32, #tpu.memory_space<vmem>>
        %dma_start3A_1340 = arith.constant 0 : i32
        %dma_start3A_1341 = tpu.memref_slice %arg3[%multiple_of3A_1336, %dma_start3A_1340] : memref<1000001x51xf32, #tpu.memory_space<hbm>> -> memref<8x51xf32, #tpu.memory_space<hbm>>
        %dma_start3A_1342 = arith.constant 504 : i32
        %dma_start3A_1343 = arith.constant 0 : i32
        %dma_start3A_1344 = tpu.memref_slice %arg8[%dma_start3A_1342, %dma_start3A_1343] : memref<512x51xf32, #tpu.memory_space<vmem>> -> memref<8x51xf32, #tpu.memory_space<vmem>>
        %dma_start3A_1345 = arith.constant 0 : i32
        %dma_start3A_1346 = tpu.memref_slice %arg3[%multiple_of3A_1336, %dma_start3A_1345] : memref<1000001x51xf32, #tpu.memory_space<hbm>> -> memref<8x51xf32, #tpu.memory_space<hbm>>
        tpu.enqueue_dma source(%dma_start3A_1346 : memref<8x51xf32, #tpu.memory_space<hbm>>) target(%dma_start3A_1344 : memref<8x51xf32, #tpu.memory_space<vmem>>) target_semaphore(%arg10 : memref<!tpu.dma_semaphore, #tpu.memory_space<semaphore_mem>>)
      } else {
      }
      %dma_wait3A = arith.constant 0 : i32
      %dma_wait3A_1253 = arith.constant 0 : i32
      %dma_wait3A_1254 = tpu.memref_slice %arg8[%dma_wait3A, %dma_wait3A_1253] : memref<512x51xf32, #tpu.memory_space<vmem>> -> memref<256x51xf32, #tpu.memory_space<vmem>>
      %dma_wait3A_1255 = arith.constant 0 : i32
      %dma_wait3A_1256 = arith.constant 0 : i32
      %dma_wait3A_1257 = tpu.memref_slice %arg3[%dma_wait3A_1255, %dma_wait3A_1256] : memref<1000001x51xf32, #tpu.memory_space<hbm>> -> memref<256x51xf32, #tpu.memory_space<hbm>>
      %dma_wait3A_1258 = arith.constant 0 : i32
      %dma_wait3A_1259 = arith.constant 0 : i32
      %dma_wait3A_1260 = tpu.memref_slice %arg8[%dma_wait3A_1258, %dma_wait3A_1259] : memref<512x51xf32, #tpu.memory_space<vmem>> -> memref<256x51xf32, #tpu.memory_space<vmem>>
      %dma_wait3A_1261 = arith.constant 0 : i32
      %dma_wait3A_1262 = arith.constant 0 : i32
      %dma_wait3A_1263 = tpu.memref_slice %arg3[%dma_wait3A_1261, %dma_wait3A_1262] : memref<1000001x51xf32, #tpu.memory_space<hbm>> -> memref<256x51xf32, #tpu.memory_space<hbm>>
      tpu.wait_dma2 semaphore(%arg10 : memref<!tpu.dma_semaphore, #tpu.memory_space<semaphore_mem>>) src(%dma_wait3A_1263 : memref<256x51xf32, #tpu.memory_space<hbm>>) dst(%dma_wait3A_1260 : memref<256x51xf32, #tpu.memory_space<vmem>>)
      %while3A = arith.constant 0 : i32
      %while3A_1264 = arith.constant 0 : i32
      %while3A_1265 = arith.subi %add3A_932, %while3A_1264 : i32
      %while3A_1266 = arith.addi %while3A_1264, %while3A_1265 : i32
      %while3A_1267 = arith.constant 1 : i32
      %while3A_1268 = arith.divsi %while3A_1265, %while3A_1267 : i32
      %while3A_1269 = arith.muli %while3A_1268, %while3A_1267 : i32
      %while3A_1270 = arith.addi %while3A_1264, %while3A_1269 : i32
      %while3A_1271 = arith.constant 1 : i32
      scf.for %while3A_1332 = %while3A_1264 to %while3A_1270 step %while3A_1271  : i32 {
        %dma_wait3A_1333 = arith.constant 0 : i32
        %dma_wait3A_1334 = arith.constant 0 : i32
        %dma_wait3A_1335 = tpu.memref_slice %arg8[%dma_wait3A_1333, %dma_wait3A_1334] : memref<512x51xf32, #tpu.memory_space<vmem>> -> memref<8x51xf32, #tpu.memory_space<vmem>>
        %dma_wait3A_1336 = arith.constant 0 : i32
        %dma_wait3A_1337 = arith.constant 0 : i32
        %dma_wait3A_1338 = tpu.memref_slice %arg3[%dma_wait3A_1336, %dma_wait3A_1337] : memref<1000001x51xf32, #tpu.memory_space<hbm>> -> memref<8x51xf32, #tpu.memory_space<hbm>>
        %dma_wait3A_1339 = arith.constant 0 : i32
        %dma_wait3A_1340 = arith.constant 0 : i32
        %dma_wait3A_1341 = tpu.memref_slice %arg8[%dma_wait3A_1339, %dma_wait3A_1340] : memref<512x51xf32, #tpu.memory_space<vmem>> -> memref<8x51xf32, #tpu.memory_space<vmem>>
        %dma_wait3A_1342 = arith.constant 0 : i32
        %dma_wait3A_1343 = arith.constant 0 : i32
        %dma_wait3A_1344 = tpu.memref_slice %arg3[%dma_wait3A_1342, %dma_wait3A_1343] : memref<1000001x51xf32, #tpu.memory_space<hbm>> -> memref<8x51xf32, #tpu.memory_space<hbm>>
        tpu.wait_dma2 semaphore(%arg10 : memref<!tpu.dma_semaphore, #tpu.memory_space<semaphore_mem>>) src(%dma_wait3A_1344 : memref<8x51xf32, #tpu.memory_space<hbm>>) dst(%dma_wait3A_1341 : memref<8x51xf32, #tpu.memory_space<vmem>>)
      }
      %while3A_1272 = arith.constant 1 : i32
      scf.for %while3A_1332 = %while3A_1270 to %while3A_1266 step %while3A_1272  : i32 {
        %dma_wait3A_1333 = arith.constant 0 : i32
        %dma_wait3A_1334 = arith.constant 0 : i32
        %dma_wait3A_1335 = tpu.memref_slice %arg8[%dma_wait3A_1333, %dma_wait3A_1334] : memref<512x51xf32, #tpu.memory_space<vmem>> -> memref<8x51xf32, #tpu.memory_space<vmem>>
        %dma_wait3A_1336 = arith.constant 0 : i32
        %dma_wait3A_1337 = arith.constant 0 : i32
        %dma_wait3A_1338 = tpu.memref_slice %arg3[%dma_wait3A_1336, %dma_wait3A_1337] : memref<1000001x51xf32, #tpu.memory_space<hbm>> -> memref<8x51xf32, #tpu.memory_space<hbm>>
        %dma_wait3A_1339 = arith.constant 0 : i32
        %dma_wait3A_1340 = arith.constant 0 : i32
        %dma_wait3A_1341 = tpu.memref_slice %arg8[%dma_wait3A_1339, %dma_wait3A_1340] : memref<512x51xf32, #tpu.memory_space<vmem>> -> memref<8x51xf32, #tpu.memory_space<vmem>>
        %dma_wait3A_1342 = arith.constant 0 : i32
        %dma_wait3A_1343 = arith.constant 0 : i32
        %dma_wait3A_1344 = tpu.memref_slice %arg3[%dma_wait3A_1342, %dma_wait3A_1343] : memref<1000001x51xf32, #tpu.memory_space<hbm>> -> memref<8x51xf32, #tpu.memory_space<hbm>>
        tpu.wait_dma2 semaphore(%arg10 : memref<!tpu.dma_semaphore, #tpu.memory_space<semaphore_mem>>) src(%dma_wait3A_1344 : memref<8x51xf32, #tpu.memory_space<hbm>>) dst(%dma_wait3A_1341 : memref<8x51xf32, #tpu.memory_space<vmem>>)
      }
      %mul3A_1273 = arith.constant 32 : i32
      %mul3A_1274 = arith.muli %scan3A_579, %mul3A_1273 : i32
      %add3A_1275 = arith.constant 0 : i32
      %add3A_1276 = arith.addi %mul3A_1274, %add3A_1275 : i32
      %get3A_1277 = arith.index_cast %add3A_1276 : i32 to index
      %get3A_1278 = tpu.vector_load %arg5[%get3A_1277] {strides = array<i32>} : memref<512xf32, #tpu.memory_space<vmem>>, vector<16xf32>,
      %convert_element_type3A_1279 = arith.fptosi %get3A_1278 : vector<16xf32> to vector<16xi32>
      %get3A_1280 = arith.index_cast %add3A_1276 : i32 to index
      %get3A_1281 = tpu.vector_load %arg6[%get3A_1280] {strides = array<i32>} : memref<512xi32, #tpu.memory_space<vmem>>, vector<16xi32>,
      %sub3A_1282 = arith.subi %convert_element_type3A_1279, %get3A_1281 : vector<16xi32>
      %iota3A = tpu.iota {dimensions = array<i32: 0>} : vector<16xi32>
      %add3A_1283 = arith.constant 0 : i32
      %add3A_1284 = vector.broadcast %add3A_1283 : i32 to vector<16xi32>
      %add3A_1285 = arith.addi %add3A_1284, %iota3A : vector<16xi32>
      %mul3A_1286 = arith.constant 16 : i32
      %mul3A_1287 = vector.broadcast %mul3A_1286 : i32 to vector<16xi32>
      %mul3A_1288 = arith.muli %add3A_1285, %mul3A_1287 : vector<16xi32>
      %add3A_1289 = arith.addi %mul3A_1288, %sub3A_1282 : vector<16xi32>
      %get3A_1290 = arith.index_cast %add3A_1276 : i32 to index
      %get3A_1291 = tpu.vector_load %arg7[%get3A_1290] {strides = array<i32>} : memref<512xf32, #tpu.memory_space<vmem>>, vector<16xf32>,
      %add3A_1292 = arith.constant 0 : i32
      %add3A_1293 = arith.addi %mul3A_1274, %add3A_1292 : i32
      %iota3A_1294 = tpu.iota {dimensions = array<i32: 0>} : vector<16xi32>
      %add3A_1295 = vector.broadcast %add3A_1293 : i32 to vector<16xi32>
      %add3A_1296 = arith.addi %add3A_1295, %iota3A_1294 : vector<16xi32>
      %scan3A_1297 = arith.constant 0 : i32
      %scan3A_1298 = arith.constant 0 : i32
      %scan3A_1299 = arith.constant 51 : i32
      %scan3A_1300 = arith.addi %scan3A_1298, %scan3A_1299 : i32
      %scan3A_1301 = arith.constant 1 : i32
      scf.for %scan3A_1332 = %scan3A_1298 to %scan3A_1300 step %scan3A_1301  : i32 {
        %broadcast_in_dim3A = vector.broadcast %scan3A_1332 : i32 to vector<16xi32>
        %gather3A = tpu.vector_load_idx %arg8[%add3A_1289, %broadcast_in_dim3A] : memref<512x51xf32, #tpu.memory_space<vmem>>[vector<16xi32>, vector<16xi32>], vector<16xf32>,
        %add3A_1333 = arith.constant 1 : i32
        %add3A_1334 = vector.broadcast %add3A_1333 : i32 to vector<16xi32>
        %add3A_1335 = arith.addi %add3A_1289, %add3A_1334 : vector<16xi32>
        %gather3A_1336 = tpu.vector_load_idx %arg8[%add3A_1335, %broadcast_in_dim3A] : memref<512x51xf32, #tpu.memory_space<vmem>>[vector<16xi32>, vector<16xi32>], vector<16xf32>,
        %sub3A_1337 = arith.subf %gather3A_1336, %gather3A : vector<16xf32>
        %mul3A_1338 = arith.mulf %get3A_1291, %sub3A_1337 : vector<16xf32>
        %add3A_1339 = arith.addf %gather3A, %mul3A_1338 : vector<16xf32>
        %mul3A_1340 = arith.constant 1.000000e+03 : f32
        %mul3A_1341 = vector.broadcast %mul3A_1340 : f32 to vector<16xf32>
        %mul3A_1342 = arith.mulf %add3A_1339, %mul3A_1341 : vector<16xf32>
        %mul3A_1343 = arith.constant 512 : i32
        %mul3A_1344 = arith.muli %scan3A_1332, %mul3A_1343 : i32
        %add3A_1345 = vector.broadcast %mul3A_1344 : i32 to vector<16xi32>
        %add3A_1346 = arith.addi %add3A_1296, %add3A_1345 : vector<16xi32>
        tpu.vector_store_idx %arg9[%add3A_1346], %mul3A_1342 : memref<26112xf32, #tpu.memory_space<vmem>>[vector<16xi32>], vector<16xf32>,
      }
      %scan3A_1302 = arith.constant 51 : i32
      %add3A_1303 = arith.constant 16 : i32
      %add3A_1304 = arith.addi %mul3A_1274, %add3A_1303 : i32
      %get3A_1305 = arith.index_cast %add3A_1304 : i32 to index
      %get3A_1306 = tpu.vector_load %arg5[%get3A_1305] {strides = array<i32>} : memref<512xf32, #tpu.memory_space<vmem>>, vector<16xf32>,
      %convert_element_type3A_1307 = arith.fptosi %get3A_1306 : vector<16xf32> to vector<16xi32>
      %get3A_1308 = arith.index_cast %add3A_1304 : i32 to index
      %get3A_1309 = tpu.vector_load %arg6[%get3A_1308] {strides = array<i32>} : memref<512xi32, #tpu.memory_space<vmem>>, vector<16xi32>,
      %sub3A_1310 = arith.subi %convert_element_type3A_1307, %get3A_1309 : vector<16xi32>
      %iota3A_1311 = tpu.iota {dimensions = array<i32: 0>} : vector<16xi32>
      %add3A_1312 = arith.constant 16 : i32
      %add3A_1313 = vector.broadcast %add3A_1312 : i32 to vector<16xi32>
      %add3A_1314 = arith.addi %add3A_1313, %iota3A_1311 : vector<16xi32>
      %mul3A_1315 = arith.constant 16 : i32
      %mul3A_1316 = vector.broadcast %mul3A_1315 : i32 to vector<16xi32>
      %mul3A_1317 = arith.muli %add3A_1314, %mul3A_1316 : vector<16xi32>
      %add3A_1318 = arith.addi %mul3A_1317, %sub3A_1310 : vector<16xi32>
      %get3A_1319 = arith.index_cast %add3A_1304 : i32 to index
      %get3A_1320 = tpu.vector_load %arg7[%get3A_1319] {strides = array<i32>} : memref<512xf32, #tpu.memory_space<vmem>>, vector<16xf32>,
      %add3A_1321 = arith.constant 16 : i32
      %add3A_1322 = arith.addi %mul3A_1274, %add3A_1321 : i32
      %iota3A_1323 = tpu.iota {dimensions = array<i32: 0>} : vector<16xi32>
      %add3A_1324 = vector.broadcast %add3A_1322 : i32 to vector<16xi32>
      %add3A_1325 = arith.addi %add3A_1324, %iota3A_1323 : vector<16xi32>
      %scan3A_1326 = arith.constant 0 : i32
      %scan3A_1327 = arith.constant 0 : i32
      %scan3A_1328 = arith.constant 51 : i32
      %scan3A_1329 = arith.addi %scan3A_1327, %scan3A_1328 : i32
      %scan3A_1330 = arith.constant 1 : i32
      scf.for %scan3A_1332 = %scan3A_1327 to %scan3A_1329 step %scan3A_1330  : i32 {
        %broadcast_in_dim3A = vector.broadcast %scan3A_1332 : i32 to vector<16xi32>
        %gather3A = tpu.vector_load_idx %arg8[%add3A_1318, %broadcast_in_dim3A] : memref<512x51xf32, #tpu.memory_space<vmem>>[vector<16xi32>, vector<16xi32>], vector<16xf32>,
        %add3A_1333 = arith.constant 1 : i32
        %add3A_1334 = vector.broadcast %add3A_1333 : i32 to vector<16xi32>
        %add3A_1335 = arith.addi %add3A_1318, %add3A_1334 : vector<16xi32>
        %gather3A_1336 = tpu.vector_load_idx %arg8[%add3A_1335, %broadcast_in_dim3A] : memref<512x51xf32, #tpu.memory_space<vmem>>[vector<16xi32>, vector<16xi32>], vector<16xf32>,
        %sub3A_1337 = arith.subf %gather3A_1336, %gather3A : vector<16xf32>
        %mul3A_1338 = arith.mulf %get3A_1320, %sub3A_1337 : vector<16xf32>
        %add3A_1339 = arith.addf %gather3A, %mul3A_1338 : vector<16xf32>
        %mul3A_1340 = arith.constant 1.000000e+03 : f32
        %mul3A_1341 = vector.broadcast %mul3A_1340 : f32 to vector<16xf32>
        %mul3A_1342 = arith.mulf %add3A_1339, %mul3A_1341 : vector<16xf32>
        %mul3A_1343 = arith.constant 512 : i32
        %mul3A_1344 = arith.muli %scan3A_1332, %mul3A_1343 : i32
        %add3A_1345 = vector.broadcast %mul3A_1344 : i32 to vector<16xi32>
        %add3A_1346 = arith.addi %add3A_1325, %add3A_1345 : vector<16xi32>
        tpu.vector_store_idx %arg9[%add3A_1346], %mul3A_1342 : memref<26112xf32, #tpu.memory_space<vmem>>[vector<16xi32>], vector<16xf32>,
      }
      %scan3A_1331 = arith.constant 51 : i32
    }
    %scan3A_576 = arith.constant 16 : i32
    %mul3A_577 = arith.constant 26112 : i32
    %mul3A_578 = arith.muli %add3A, %mul3A_577 : i32
    "tpu.region"() ({
      %run_scoped3A = tpu.sem_alloc : memref<!tpu.dma_semaphore, #tpu.memory_space<semaphore_mem>>
      %dma_start3A = tpu.memref_slice %arg4[%mul3A_578] : memref<835584xf32, #tpu.memory_space<hbm>> -> memref<26112xf32, #tpu.memory_space<hbm>>
      %dma_start3A_579 = tpu.memref_slice %arg4[%mul3A_578] : memref<835584xf32, #tpu.memory_space<hbm>> -> memref<26112xf32, #tpu.memory_space<hbm>>
      tpu.enqueue_dma source(%arg9 : memref<26112xf32, #tpu.memory_space<vmem>>) target(%dma_start3A_579 : memref<26112xf32, #tpu.memory_space<hbm>>) target_semaphore(%run_scoped3A : memref<!tpu.dma_semaphore, #tpu.memory_space<semaphore_mem>>)
      %dma_wait3A = tpu.memref_slice %arg4[%mul3A_578] : memref<835584xf32, #tpu.memory_space<hbm>> -> memref<26112xf32, #tpu.memory_space<hbm>>
      %dma_wait3A_580 = tpu.memref_slice %arg4[%mul3A_578] : memref<835584xf32, #tpu.memory_space<hbm>> -> memref<26112xf32, #tpu.memory_space<hbm>>
      tpu.wait_dma2 semaphore(%run_scoped3A : memref<!tpu.dma_semaphore, #tpu.memory_space<semaphore_mem>>) src(%arg9 : memref<26112xf32, #tpu.memory_space<vmem>>) dst(%dma_wait3A_580 : memref<26112xf32, #tpu.memory_space<hbm>>)
      tpu.yield
    }) : () -> ()
    return
  }
}

</mosaic_0001>

<sc_bundles>
// kernel: kernel.3.cloned.1.call-start
scs
__scs_entry_jumppad:
0x0: {  	(pc) =	sbr.rel $0x88, $3  }
0x1: {  	(tag) =	ssettag $0x0;
	lr =	simm.s32 $0x1  }
0x2: {  	[smem:$0x3F9F] =	sst lr;
	_ =	strace $0xD0000000  }
0x3: {  	_ = 	snop  }
0x4: {  	_ = 	snop  }
0x5: {  	_ = 	snop  }
0x6: {  	_ = 	snop  }
0x7: {  	_ = 	snop  }
__scs_overlays_trampoline_lowered:
0x8: {  	[smem:$0x3FAE] =	sst s0  }
0x9: {  	[smem:$0x3FAF] =	sst s1  }
0xa: {  	[smem:$0x3FB0] =	sst s2  }
0xb: {  	[smem:$0x3FB1] =	sst s3  }
0xc: {  	[smem:$0x3FB2] =	sst s4  }
0xd: {  	[smem:$0x3FB3] =	sst s5  }
0xe: {  	[smem:$0x3FB4] =	sst s6  }
0xf: {  	[smem:$0x3FB5] =	sst s7  }
0x10: {  	[smem:$0x3FB6] =	sst s8  }
0x11: {  	[smem:$0x3FB7] =	sst s9;
	s0 =	simm.s32 @!p0 $0x0  }
0x12: {  	s1 =	sld [smem:$0x3F9D];
	s0 =	simm.s32 @p0 $0x1  }
0x13: {  	[smem:$0x3FB8] =	sst s0;
	s0 =	simm.s32 @!p1 $0x0  }
0x14: {  	s2 =	sld [smem:$0x3F9C];
	s0 =	simm.s32 @p1 $0x1  }
0x15: {  	[smem:$0x3FB9] =	sst s0;
	s0 =	simm.s32 @!p2 $0x0  }
0x16: {  	s3 =	sld [smem:$0x3FDB];
	s0 =	simm.s32 @p2 $0x1  }
0x17: {  	s4 =	simm.s32 $0x1BF5;
	[smem:$0x3FBB] =	sst s0  }
0x18: {  	s0 =	sld [smem:$0x3F9E];
	_ =	swait.ge [sflag:s4], $0x0  }
0x19: {  	s7 =	sld [smem:$0x3F9F]  }
0x1a: {  	s8 =	sadd.s32 $0xFFFFE003, lr  }
0x1b: {  	s9 =	sadd.s32 $0xFFFFFEF7, lr;
	s5 =	simm.s32 $0xFFFFFFFF;
	p2 =	slt.u32 s8, $0xFFFFF086  }
0x1c: {  	p1 =	slt.u32 s9, $0xF7A;
	s5 =	simm.s32 @!p2 $0x0  }
0x1d: {  	s5 =	simm.s32 @p1 $0x1;
	p0 =	seq.s32 s7, s2  }
0x1e: {  	s7 =	smul.u32 @!p0 $0xF7A, s2;
	p2 =	seq.s32 @!p0 s5, $0x0  }
0x1f: {  	s9 =	smul.u32 $0xF7A, s1;
	s8 =	simm.s32 @!p0 $0x1BF5;
	p2 =	por !p2, p0  }
0x20: {  	[sflag:s8] =	ssyncset.s32 @!p0 $0xFFFFF086;
	s6 =	sadd.s32 @!p0 s3, s7;
	s7 =	simm.s32 @!p0 $0x108  }
0x21: {  	s3 =	sadd.s32 s3, s9;
	s6 =	sadd.s32 @!p0 $0x88, s6;
	s7 =	simm.s32 @p2 $0x1082  }
0x22: {  	[simem:s7], [sflag:s8] =	dma.local @!p0 [hbm:s6], $0xF7A  }
0x23: {  	s9 =	sor.u32 $0xD0000000, s2;
	s6 =	simm.s32 $0x108;
	_ =	swait.ge @!p0 [sflag:s8], $0x0  }
0x24: {  	s3 =	sadd.s32 $0x88, s3;
	s6 =	simm.s32 @!p1 $0x1082;
	[sflag:s4] =	ssyncset.s32 $0xFFFFF086  }
0x25: {  	[simem:s6], [sflag:s4] =	dma.local [hbm:s3], $0xF7A  }
0x26: {  	[smem:$0x3F9F] =	sst s1;
	(tag) =	ssettag s2;
	_ =	strace s9  }
0x27: {  	s1 =	sld [smem:$0x3FAF]  }
0x28: {  	s2 =	sld [smem:$0x3FB0]  }
0x29: {  	s4 =	sld [smem:$0x3FB2]  }
0x2a: {  	p0 =	seq.s32 s5, $0x0;
	s5 =	sld [smem:$0x3FB3]  }
0x2b: {  	s6 =	sld [smem:$0x3FB4]  }
0x2c: {  	s7 =	sld [smem:$0x3FB5]  }
0x2d: {  	s3 =	simm.s32 $0x108;
	s8 =	sld [smem:$0x3FB6]  }
0x2e: {  	s3 =	simm.s32 @!p0 $0x1082;
	s9 =	sld [smem:$0x3FB7]  }
0x2f: {  	lr =	sadd.s32 s0, s3;
	s0 =	sld [smem:$0x3FAE]  }
0x30: {  	s3 =	sld [smem:$0x3FB1]  }
0x31: {  	[smem:$0x3FBA] =	sst s10  }
0x32: {  	s10 =	sld [smem:$0x3FB8];
	_ =	sdelay $0x3  }
0x33: {  	p0 =	seq.s32 s10, $0x1;
	s10 =	sld [smem:$0x3FBA];
	_ =	sdelay $0x3  }
0x34: {  	[smem:$0x3FBA] =	sst s10  }
0x35: {  	s10 =	sld [smem:$0x3FB9];
	_ =	sdelay $0x3  }
0x36: {  	p1 =	seq.s32 s10, $0x1;
	s10 =	sld [smem:$0x3FBA];
	_ =	sdelay $0x3  }
0x37: {  	[smem:$0x3FBA] =	sst s10  }
0x38: {  	s10 =	sld [smem:$0x3FBB]  }
0x39: {  	_ = 	snop;
	(pc) =	sbr.ind lr, $3  }
0x3a: {  	_ = 	snop  }
0x3b: {  	_ = 	snop  }
0x3c: {  	p2 =	seq.s32 s10, $0x1;
	s10 =	sld [smem:$0x3FBA]  }
0x3d: {  	_ =	shalt  }
0x3e: {  	_ =	shalt  }
0x3f: {  	_ =	shalt  }
0x40: {  	_ =	shalt  }
0x41: {  	_ =	shalt  }
0x42: {  	_ =	shalt  }
0x43: {  	_ =	shalt  }
0x44: {  	_ =	shalt  }
0x45: {  	_ =	shalt  }
0x46: {  	_ =	shalt  }
0x47: {  	_ =	shalt  }
0x48: {  	_ =	shalt  }
0x49: {  	_ =	shalt  }
0x4a: {  	_ =	shalt  }
0x4b: {  	_ =	shalt  }
0x4c: {  	_ =	shalt  }
0x4d: {  	_ =	shalt  }
0x4e: {  	_ =	shalt  }
0x4f: {  	_ =	shalt  }
0x50: {  	_ =	shalt  }
0x51: {  	_ =	shalt  }
0x52: {  	_ =	shalt  }
0x53: {  	_ =	shalt  }
0x54: {  	_ =	shalt  }
0x55: {  	_ =	shalt  }
0x56: {  	_ =	shalt  }
0x57: {  	_ =	shalt  }
0x58: {  	_ =	shalt  }
0x59: {  	_ =	shalt  }
0x5a: {  	_ =	shalt  }
0x5b: {  	_ =	shalt  }
0x5c: {  	_ =	shalt  }
0x5d: {  	_ =	shalt  }
0x5e: {  	_ =	shalt  }
0x5f: {  	_ =	shalt  }
0x60: {  	_ =	shalt  }
0x61: {  	_ =	shalt  }
0x62: {  	_ =	shalt  }
0x63: {  	_ =	shalt  }
0x64: {  	_ =	shalt  }
0x65: {  	_ =	shalt  }
0x66: {  	_ =	shalt  }
0x67: {  	_ =	shalt  }
0x68: {  	_ =	shalt  }
0x69: {  	_ =	shalt  }
0x6a: {  	_ =	shalt  }
0x6b: {  	_ =	shalt  }
0x6c: {  	_ =	shalt  }
0x6d: {  	_ =	shalt  }
0x6e: {  	_ =	shalt  }
0x6f: {  	_ =	shalt  }
0x70: {  	_ =	shalt  }
0x71: {  	_ =	shalt  }
0x72: {  	_ =	shalt  }
0x73: {  	_ =	shalt  }
0x74: {  	_ =	shalt  }
0x75: {  	_ =	shalt  }
0x76: {  	_ =	shalt  }
0x77: {  	_ =	shalt  }
0x78: {  	_ =	shalt  }
0x79: {  	_ =	shalt  }
0x7a: {  	_ =	shalt  }
0x7b: {  	_ =	shalt  }
0x7c: {  	_ =	shalt  }
0x7d: {  	_ =	shalt  }
0x7e: {  	_ =	shalt  }
0x7f: {  	_ =	shalt  }
0x80: {  	_ =	shalt  }
0x81: {  	_ =	shalt  }
0x82: {  	_ =	shalt  }
0x83: {  	_ =	shalt  }
0x84: {  	_ =	shalt  }
0x85: {  	_ =	shalt  }
0x86: {  	_ =	shalt  }
0x87: {  	_ =	shalt  }
.Lfunc_end0:
.L_simem_size_0:
called_computation_lowered:
.L_overlay_start_0:
0x88: {  	s2 =	sld [smem:$0x3FD9]  }
0x89: {  	s3 =	sld [smem:$0x3FFE];
	_ =	sdelay $0x1  }
0x8a: {  	s1 =	srdreg.scid  }
0x8b: {  	s0 =	sand.u32 $0x1, s1  }
0x8c: {  	s17 =	sshll.u32 s0, $0xA;
	s2 =	sadd.s32 s3, s2  }
0x8d: {  	s2 =	sadd.s32 s2, s17  }
0x8e: {  	[smem:$0x3FC6] =	sst s2  }
0x8f: {  	_ = 	snop  }
0x90: {  	s2 =	sld [smem:$0x3FC9]  }
0x91: {  	s18 =	sld [smem:$0x3FD0];
	(tm) =	ssettm $0x1  }
0x92: {  	s4 =	sld [smem:$0x3FFB];
	_ =	sdelay $0x3  }
0x93: {  	_ =	strace s4  }
0x94: {  	s4 =	sld [smem:$0x3FFC];
	_ =	sdelay $0x3  }
0x95: {  	_ =	strace s4  }
0x96: {  	s4 =	sld [smem:$0x3FFD];
	_ =	sdelay $0x3  }
0x97: {  	_ =	strace s4  }
0x98: {  	_ =	strace $0x8FFFFFFF  }
0x99: {  	s19 =	sld [smem:$0x3FDB];
	_ =	sdelay $0x1  }
0x9a: {  	s5 =	simm.s32 $_scs_section_size  }
0x9b: {  	s6 =	simm.s32 $_size__tile_overlayer_lowered;
	s7 =	simm.s32 $_tile_overlayer_lowered  }
0x9c: {  	s22 =	simm.s32 $0x1BFF;
	s21 =	sshll.u32 s7, $0x1;
	s4 =	sadd.s32 s5, s19  }
0x9d: {  	s8 =	simm.s32 $0x0;
	s20 =	sshll.u32 s6, $0x1;
	s6 =	sadd.s32 s21, s4  }
0x9e: {  	[timem:s8], [sflag:s22] =	dma.local [hbm:s6], s20  }
0x9f: {  	_ =	swait.ge [sflag:s22], s20  }
0xa0: {  	s5 =	ssub.s32 $0x0, s20;
	[sflag:s22] =	ssyncset.done $0x0  }
0xa1: {  	[sflag:s22] =	ssyncadd.s32 s5;
	_ =	sdelay $0x1  }
0xa2: {  	s23 =	simm.s32 $0x1B8B  }
0xa3: {  	_ =	swait.ge [sflag:s23], $0x1  }
0xa4: {  	[sflag:s23] =	ssyncset.done $0x0  }
0xa5: {  	s25 =	simm.s32 $0x1B8E;
	s24 =	sld [smem:$0x3FFE];
	[sflag:s23] =	ssyncadd.s32 $0xFFFFFFFF  }
0xa6: {  	s26 =	simm.s32 $execute0_lowered;
	[smem:$0x3FD2] =	sst s25  }
0xa7: {  	s6 =	sshll.u32 s26, $0x1;
	_ =	strace $0x80000046;
	[dreg:$0x1] =	wrdreg $0xFFFFFFFF  }
0xa8: {  	s28 =	simm.s32 $_size_execute0_lowered;
	s4 =	sadd.s32 s4, s6;
	[dreg:$0x0] =	wrdreg $0x0  }
0xa9: {  	s6 =	sshll.u32 s28, $0x1;
	[dreg:$0x2] =	wrdreg s4  }
0xaa: {  	[dreg:$0x3] =	wrdreg s6  }
0xab: {  	[dreg:$0x4] =	wrdreg $0xC0  }
0xac: {  	_ =	task [dreg:s8], $0x5FFFF  }
0xad: {  	[dreg:$0x1] =	wrdreg $0xFFFFFFFF  }
0xae: {  	[dreg:$0x0] =	wrdreg $0x60  }
0xaf: {  	[dreg:$0x2] =	wrdreg s2  }
0xb0: {  	[dreg:$0x3] =	wrdreg s24  }
0xb1: {  	[dreg:$0x4] =	wrdreg s18  }
0xb2: {  	[dreg:$0x5] =	wrdreg $0x9  }
0xb3: {  	_ =	task.clear_ibuf [dreg:s8], $0x6FFFF;
	_ =	strace $0x90000046  }
0xb4: {  	s29 =	simm.s32 $0x9;
	_ =	strace $0x80000048  }
0xb5: {  	_ =	swait.ge [sflag:s29], $0x1  }
0xb6: {  	[sflag:s29] =	ssyncadd.s32 $0xFFFFFFFF  }
0xb7: {  	_ =	strace $0x90000048  }
0xb8: {  	_ =	sfence  }
0xb9: {  	s30 =	sld [smem:$0x0];
	_ =	sdelay $0x2  }
0xba: {  	s31 =	sshll.u32 s1, $0xD;
	s1 =	sshrl.u32 s1, $0x2  }
0xbb: {  	s3 =	sand.u32 $0x4000, s31;
	s1 =	sadd.s32 s1, s30  }
0xbc: {  	s0 =	sor.u32 s3, s0;
	s1 =	sshll.u32 s1, $0x11  }
0xbd: {  	s0 =	sor.u32 s1, s0  }
0xbe: {  	s0 =	sadd.s32 $0x8F2B, s0  }
0xbf: {  	[sflag:s0] =	ssyncadd.remote.s32 $0x1  }
0xc0: {  	_ =	sfence.sel $0xFFFF  }
0xc1: {  	[dreg:$0x0] =	wrdreg $0xFFFFFFFF;
	(pc) =	sbr.abs _section_cstart, $3  }
0xc2: {  	[dreg:$0x1] =	wrdreg $0xFFFFFFFF  }
0xc3: {  	_ =	task.clear_ibuf [dreg:s8], $0x2FFFF;
	_ =	strace $0x9FFFFFFF  }
0xc4: {  	(tm) =	ssettm $0x7FFFFFFF  }
0xc5: {  	_ =	shalt  }
tec
execute0_lowered:
.L_overlay_start_1:
0x0: {  	(tag) =	ssettag $0x1  }
0x1: {  	s0 =	rddreg [dreg:$0x0]  }
0x2: {  	s1 =	rddreg [dreg:$0x1]  }
0x3: {  	s4 =	rddreg [dreg:$0x2];
	s3 =	srdreg.scid  }
0x4: {  	s5 =	stileid.u32;
	s2 =	simm.s32 $0x0;
	s15 =	simm.s32 $0x2  }
0x5: {  	s22 =	simm.s32 $0x7600;
	s23 =	simm.s32 $0x7E00;
	s28 =	simm.s32 $0x9E00  }
0x6: {  	s29 =	simm.s32 $0xA600;
	s30 =	simm.s32 $0xAE00;
	s31 =	simm.s32 $0xB600  }
0x7: {  	s9 =	simm.s32 $0xEE00;
	s10 =	simm.s32 $0xF600;
	s11 =	simm.s32 $0xFE00  }
0x8: {  	s12 =	simm.s32 $0x1;
	s13 =	simm.s32 $0x10600;
	s16 =	simm.s32 $0x0  }
0x9: {  	s3 =	sand.u32 $0x1, s3;
	s5 =	sshll.u32 s5, $0x1;
	[smem:$0x7FF] =	sst s2  }
0xa: {  	s6 =	ssub.s32 $0x2, s3;
	s5 =	sor.u32 s3, s5;
	_ =	strace $0x80000047  }
0xb: {  	s3 =	sadd.s32 $0x400, s1;
	s1 =	simm.s32 $0xC600;
	s7 =	sshrl.u32 s6, $0x1  }
0xc: {  	s8 =	smul.u32 $0xCC0, s5;
	s5 =	sshll.u32 s5, $0x6;
	s24 =	ssub.s32 s6, s7  }
0xd: {  	s0 =	sadd.s32 s0, s5;
	s5 =	simm.s32 $0xD600;
	s6 =	simm.s32 $0xDE00  }
0xe: {  	s7 =	simm.s32 $0xE600;
	[dreg:$0x4] =	wrdreg s0;
	s25 =	sadd.s32 s4, s8  }
0xf: {  	s26 =	smax.u32 s24, $0x1;
	s8 =	simm.s32 $0x600;
	s24 =	simm.s32 $0x8600  }
0x10: {  	s0 =	simm.s32 $0xBE00;
	s4 =	simm.s32 $0xCE00;
	[dreg:$0x5] =	wrdreg s25  }
0x11: {  	v0 =	vimm.s32 $0x0;
	v1 =	vlaneseq.u32;
	[dreg:$0x6] =	wrdreg s26;
	s25 =	simm.s32 $0x8E00;
	s26 =	simm.s32 $0x9600  }
.LBB2_1:
0x12: {  	[dreg:$0x7] =	wrdreg s16  }
0x13: {  	s14 =	rddreg [dreg:$0x4]  }
0x14: {  	[tilespmem:s2], [sflag:$0x2] =	stream.linear.gather [hbm4b:s14+s2], $0x200, $0x38;
	[tilespmem:$0x16C00] =	vst v63  }
0x15: {  	_ =	swait.ge [sflag:s15], $0x200  }
0x16: {  	[sflag:s15] =	ssyncset.done $0x0  }
0x17: {  	[sflag:s15] =	ssyncadd.s32 $0xFFFFFE00  }
0x18: {  	v2 =	vld [tilespmem:$0x0]  }
0x19: {  	v3 =	vld [tilespmem:$0x10]  }
0x1a: {  	v5 =	vld [tilespmem:$0x20]  }
0x1b: {  	v6 =	vld [tilespmem:$0x30]  }
0x1c: {  	v9 =	vld [tilespmem:$0x40]  }
0x1d: {  	v27 =	vld [tilespmem:$0x50]  }
0x1e: {  	v15 =	vld [tilespmem:$0x60]  }
0x1f: {  	v30 =	vld [tilespmem:$0x70]  }
0x20: {  	v18 =	vld [tilespmem:$0x80]  }
0x21: {  	v19 =	vld [tilespmem:$0x90]  }
0x22: {  	v37 =	vld [tilespmem:$0xA0]  }
0x23: {  	v44 =	vld [tilespmem:$0xB0];
	v4 =	vtrunc.f32 v2  }
0x24: {  	v50 =	vld [tilespmem:$0xC0];
	v7 =	vtrunc.f32 v3;
	v11 =	vtrunc.f32 v5  }
0x25: {  	v54 =	vld [tilespmem:$0xD0];
	v12 =	vtrunc.f32 v6;
	v14 =	vtrunc.f32 v9  }
0x26: {  	v17 =	vtrunc.f32 v27;
	v32 =	vtrunc.f32 v15  }
0x27: {  	v20 =	vtrunc.f32 v30;
	v40 =	vtrunc.f32 v18  }
0x28: {  	v41 =	vtrunc.f32 v19;
	v49 =	vtrunc.f32 v37  }
0x29: {  	v57 =	vtrunc.f32 v44;
	v60 =	vtrunc.f32 v50  }
0x2a: {  	v21 =	vtrunc.f32 v54;
	v4 =	vcvt.f32.s32 v4  }
0x2b: {  	v7 =	vcvt.f32.s32 v7;
	v11 =	vcvt.f32.s32 v11  }
0x2c: {  	v26 =	vcvt.f32.s32 v12;
	v14 =	vcvt.f32.s32 v14  }
0x2d: {  	v17 =	vcvt.f32.s32 v17;
	v20 =	vcvt.f32.s32 v20  }
0x2e: {  	v43 =	vcvt.f32.s32 v41;
	v51 =	vcvt.f32.s32 v49  }
0x2f: {  	v58 =	vcvt.f32.s32 v57;
	v12 =	vcvt.f32.s32 v60  }
0x30: {  	v8 =	vand.u32 $0xFFFFFFF8, v4;
	v4 =	vcvt.s32.f32 v4;
	v10 =	vcvt.s32.f32 v7  }
0x31: {  	v7 =	vand.u32 $0xFFFFFFF8, v7;
	v28 =	vand.u32 $0xFFFFFFF8, v11;
	v11 =	vcvt.s32.f32 v11  }
0x32: {  	v13 =	vand.u32 $0xFFFFFFF8, v26;
	v16 =	vand.u32 $0xFFFFFFF8, v14;
	v14 =	vcvt.s32.f32 v14  }
0x33: {  	v33 =	vand.u32 $0xFFFFFFF8, v17;
	v17 =	vcvt.s32.f32 v17;
	v39 =	vcvt.s32.f32 v20  }
0x34: {  	v48 =	vand.u32 $0xFFFFFFF8, v43;
	v55 =	vcvt.s32.f32 v43;
	vm0 =	vlt.s32 v8, $0xF4230  }
0x35: {  	v56 =	vand.u32 $0xFFFFFFF8, v51;
	vm10 =	vlt.s32 v7, $0xF4230;
	v8 =	vnsel vm0, $0xF4230, v8  }
0x36: {  	v62 =	vand.u32 $0xFFFFFFF8, v58;
	vm11 =	vlt.s32 v28, $0xF4230;
	v7 =	vnsel vm10, $0xF4230, v7;
	[tilespmem:$0x200] =	vst v8  }
0x37: {  	vm1 =	vlt.s32 v13, $0xF4230;
	v3 =	vsub.f32 v3, v10;
	v10 =	vnsel vm11, $0xF4230, v28;
	[tilespmem:$0x210] =	vst v7  }
0x38: {  	v61 =	vld [tilespmem:$0xE0];
	v22 =	vand.u32 $0xFFFFFFF8, v12;
	vm12 =	vlt.s32 v16, $0xF4230;
	v29 =	vnsel vm1, $0xF4230, v13;
	[tilespmem:$0x220] =	vst v10  }
0x39: {  	v63 =	vld [tilespmem:$0xF0];
	v24 =	vcvt.s32.f32 v12;
	vm13 =	vlt.s32 v33, $0xF4230;
	v31 =	vnsel vm12, $0xF4230, v16;
	[tilespmem:$0x230] =	vst v29  }
0x3a: {  	vm5 =	vlt.s32 v48, $0xF4230;
	vm6 =	vlt.s32 v56, $0xF4230;
	v34 =	vnsel vm13, $0xF4230, v33;
	[tilespmem:$0x240] =	vst v31  }
0x3b: {  	vm7 =	vlt.s32 v62, $0xF4230;
	vm8 =	vlt.s32 v22, $0xF4230;
	v53 =	vnsel vm5, $0xF4230, v48;
	[tilespmem:$0x250] =	vst v34  }
0x3c: {  	v2 =	vsub.f32 v2, v4;
	v5 =	vsub.f32 v5, v11;
	v59 =	vnsel vm6, $0xF4230, v56;
	[tilespmem:$0x290] =	vst v53  }
0x3d: {  	v4 =	vcvt.s32.f32 v26;
	v16 =	vcvt.f32.s32 v32;
	v26 =	vnsel vm8, $0xF4230, v22;
	[tilespmem:$0x2A0] =	vst v59  }
0x3e: {  	v45 =	vsub.f32 v30, v39;
	v28 =	vtrunc.f32 v61;
	v30 =	vtrunc.f32 v63;
	[tilespmem:$0x2C0] =	vst v26  }
0x3f: {  	v9 =	vsub.f32 v9, v14;
	v8 =	vcvt.s32.f32 v58;
	v10 =	vcvt.f32.s32 v21;
	[tilespmem:$0x400] =	vst v2  }
0x40: {  	v29 =	vcvt.f32.s32 v28;
	v31 =	vcvt.f32.s32 v30;
	v4 =	vsub.f32 v6, v4;
	[tilespmem:$0x410] =	vst v3  }
0x41: {  	v35 =	vand.u32 $0xFFFFFFF8, v16;
	v2 =	vsub.f32 v27, v17;
	v36 =	vcvt.s32.f32 v16;
	[tilespmem:$0x420] =	vst v5  }
0x42: {  	v3 =	vand.u32 $0xFFFFFFF8, v20;
	v17 =	vcvt.f32.s32 v40;
	[tilespmem:$0x440] =	vst v9;
	vm14 =	vlt.s32 v35, $0xF4230  }
0x43: {  	v25 =	vld [tilespmem:$0x100];
	[tilespmem:$0x470] =	vst v45;
	vm15 =	vlt.s32 v3, $0xF4230;
	v23 =	vsub.f32 v44, v8;
	v27 =	vcvt.s32.f32 v10  }
0x44: {  	v10 =	vand.u32 $0xFFFFFFF8, v10;
	v8 =	vsub.f32 v50, v24;
	v33 =	vand.u32 $0xFFFFFFF8, v29;
	[tilespmem:$0x430] =	vst v4  }
0x45: {  	v34 =	vcvt.s32.f32 v29;
	v41 =	vcvt.s32.f32 v31;
	v38 =	vnsel vm14, $0xF4230, v35;
	[tilespmem:$0x450] =	vst v2  }
0x46: {  	v32 =	vld [tilespmem:$0x110];
	v42 =	vsub.f32 v15, v36;
	v3 =	vnsel vm15, $0xF4230, v3;
	v46 =	vand.u32 $0xFFFFFFF8, v17;
	[tilespmem:$0x260] =	vst v38  }
0x47: {  	v47 =	vcvt.s32.f32 v17;
	v4 =	vcvt.s32.f32 v51;
	v2 =	vsub.f32 v19, v55;
	[tilespmem:$0x270] =	vst v3  }
0x48: {  	v26 =	vld [tilespmem:$0x190];
	vm9 =	vlt.s32 v10, $0xF4230;
	v35 =	vand.u32 $0xFFFFFFF8, v31;
	v36 =	vtrunc.f32 v25;
	[tilespmem:$0x4B0] =	vst v23  }
0x49: {  	v40 =	vld [tilespmem:$0x130];
	vm10 =	vlt.s32 v33, $0xF4230;
	vm4 =	vlt.s32 v46, $0xF4230;
	v3 =	vnsel vm7, $0xF4230, v62;
	[tilespmem:$0x4C0] =	vst v8  }
0x4a: {  	v50 =	vld [tilespmem:$0x150];
	v7 =	vsub.f32 v54, v27;
	vm11 =	vlt.s32 v35, $0xF4230;
	v38 =	vcvt.f32.s32 v36;
	[tilespmem:$0x460] =	vst v42  }
0x4b: {  	v9 =	vsub.f32 v61, v34;
	v43 =	vtrunc.f32 v32;
	v5 =	vsub.f32 v63, v41;
	v54 =	vld [tilespmem:$0x160];
	[tilespmem:$0x490] =	vst v2  }
0x4c: {  	v62 =	vld [tilespmem:$0x170];
	v52 =	vnsel vm4, $0xF4230, v46;
	v11 =	vsub.f32 v18, v47;
	v4 =	vsub.f32 v37, v4;
	[tilespmem:$0x2B0] =	vst v3  }
0x4d: {  	v23 =	vld [tilespmem:$0x180];
	v2 =	vnsel vm9, $0xF4230, v10;
	v3 =	vnsel vm10, $0xF4230, v33;
	v39 =	vnsel vm11, $0xF4230, v35;
	[tilespmem:$0x280] =	vst v52  }
0x4e: {  	v34 =	vld [tilespmem:$0x1A0];
	v44 =	vcvt.f32.s32 v43;
	v36 =	vtrunc.f32 v26;
	v42 =	vand.u32 $0xFFFFFFF8, v38;
	[tilespmem:$0x2D0] =	vst v2  }
0x4f: {  	v37 =	vld [tilespmem:$0x120];
	v51 =	vtrunc.f32 v40;
	[tilespmem:$0x4A0] =	vst v4;
	vm12 =	vlt.s32 v42, $0xF4230;
	v4 =	vcvt.s32.f32 v38  }
0x50: {  	v47 =	vld [tilespmem:$0x140];
	[tilespmem:$0x4D0] =	vst v7;
	v48 =	vand.u32 $0xFFFFFFF8, v44;
	v7 =	vcvt.f32.s32 v51;
	v59 =	vtrunc.f32 v50  }
0x51: {  	[tilespmem:$0x2E0] =	vst v3;
	v6 =	vcvt.s32.f32 v44;
	v45 =	vnsel vm12, $0xF4230, v42;
	v61 =	vcvt.f32.s32 v59  }
0x52: {  	[tilespmem:$0x4E0] =	vst v9;
	vm13 =	vlt.s32 v48, $0xF4230;
	v55 =	vcvt.s32.f32 v7;
	v22 =	vtrunc.f32 v54  }
0x53: {  	[tilespmem:$0x2F0] =	vst v39;
	v2 =	vsub.f32 v25, v4;
	v29 =	vtrunc.f32 v62;
	v33 =	vtrunc.f32 v23  }
0x54: {  	[tilespmem:$0x4F0] =	vst v5;
	v3 =	vnsel vm13, $0xF4230, v48;
	v42 =	vtrunc.f32 v34;
	v46 =	vtrunc.f32 v37  }
0x55: {  	[tilespmem:$0x480] =	vst v11;
	v6 =	vsub.f32 v32, v6;
	v56 =	vtrunc.f32 v47;
	v24 =	vcvt.f32.s32 v22  }
0x56: {  	v57 =	vand.u32 $0xFFFFFFF8, v7;
	[tilespmem:$0x300] =	vst v45;
	v27 =	vcvt.s32.f32 v61;
	v30 =	vcvt.f32.s32 v29  }
0x57: {  	vm15 =	vlt.s32 v57, $0xF4230;
	[tilespmem:$0x310] =	vst v3;
	v9 =	vcvt.f32.s32 v33;
	v43 =	vcvt.f32.s32 v42  }
0x58: {  	v21 =	vand.u32 $0xFFFFFFF8, v61;
	v49 =	vcvt.f32.s32 v46;
	v58 =	vcvt.f32.s32 v56;
	[tilespmem:$0x500] =	vst v2  }
0x59: {  	v2 =	vnsel vm15, $0xF4230, v57;
	v63 =	vsub.f32 v40, v55;
	[tilespmem:$0x510] =	vst v6;
	vm5 =	vlt.s32 v21, $0xF4230  }
0x5a: {  	v6 =	vcvt.f32.s32 v36;
	v7 =	vnsel vm5, $0xF4230, v21;
	v28 =	vand.u32 $0xFFFFFFF8, v24;
	[tilespmem:$0x330] =	vst v2  }
0x5b: {  	v2 =	vcvt.s32.f32 v24;
	v31 =	vsub.f32 v50, v27;
	v35 =	vand.u32 $0xFFFFFFF8, v30;
	[tilespmem:$0x530] =	vst v63  }
0x5c: {  	v39 =	vcvt.s32.f32 v9;
	v52 =	vand.u32 $0xFFFFFFF8, v49;
	vm6 =	vlt.s32 v28, $0xF4230;
	[tilespmem:$0x350] =	vst v7  }
0x5d: {  	v20 =	vand.u32 $0xFFFFFFF8, v58;
	vm14 =	vlt.s32 v52, $0xF4230;
	v32 =	vnsel vm6, $0xF4230, v28;
	[tilespmem:$0x550] =	vst v31  }
0x5e: {  	v38 =	vld [tilespmem:$0x1B0];
	v53 =	vcvt.s32.f32 v49;
	vm4 =	vlt.s32 v20, $0xF4230;
	v4 =	vnsel vm14, $0xF4230, v52;
	[tilespmem:$0x360] =	vst v32  }
0x5f: {  	v44 =	vld [tilespmem:$0x1D0];
	v3 =	vcvt.s32.f32 v58;
	v2 =	vsub.f32 v54, v2;
	v25 =	vnsel vm4, $0xF4230, v20;
	[tilespmem:$0x320] =	vst v4  }
0x60: {  	vm7 =	vlt.s32 v35, $0xF4230;
	v41 =	vand.u32 $0xFFFFFFF8, v6;
	v45 =	vsub.f32 v23, v39;
	[tilespmem:$0x340] =	vst v25  }
0x61: {  	v40 =	vld [tilespmem:$0x1C0];
	v6 =	vcvt.s32.f32 v6;
	v7 =	vcvt.s32.f32 v43;
	vm9 =	vlt.s32 v41, $0xF4230;
	[tilespmem:$0x560] =	vst v2  }
0x62: {  	v60 =	vsub.f32 v37, v53;
	v3 =	vsub.f32 v47, v3;
	v46 =	vnsel vm9, $0xF4230, v41;
	[tilespmem:$0x580] =	vst v45  }
0x63: {  	v37 =	vand.u32 $0xFFFFFFF8, v9;
	v6 =	vsub.f32 v26, v6;
	v47 =	vtrunc.f32 v38;
	[tilespmem:$0x390] =	vst v46  }
0x64: {  	v49 =	vld [tilespmem:$0x1E0];
	v53 =	vtrunc.f32 v44;
	vm8 =	vlt.s32 v37, $0xF4230;
	[tilespmem:$0x540] =	vst v3;
	v3 =	vcvt.s32.f32 v30  }
0x65: {  	v4 =	vnsel vm7, $0xF4230, v35;
	v8 =	vcvt.f32.s32 v53;
	[tilespmem:$0x520] =	vst v60;
	v2 =	vnsel vm8, $0xF4230, v37  }
0x66: {  	v48 =	vtrunc.f32 v40;
	[tilespmem:$0x380] =	vst v2;
	v2 =	vcvt.f32.s32 v47;
	v3 =	vsub.f32 v62, v3  }
0x67: {  	v50 =	vsub.f32 v34, v7;
	[tilespmem:$0x370] =	vst v4;
	v51 =	vcvt.f32.s32 v48;
	v57 =	vand.u32 $0xFFFFFFF8, v8  }
0x68: {  	v52 =	vand.u32 $0xFFFFFFF8, v2;
	v2 =	vcvt.s32.f32 v2;
	[tilespmem:$0x570] =	vst v3;
	v3 =	vand.u32 $0xFFFFFFF8, v43  }
0x69: {  	v55 =	vld [tilespmem:$0x1F0];
	[tilespmem:$0x590] =	vst v6;
	v58 =	vtrunc.f32 v49;
	v54 =	vand.u32 $0xFFFFFFF8, v51;
	vm10 =	vlt.s32 v3, $0xF4230  }
0x6a: {  	[tilespmem:$0x5A0] =	vst v50;
	v56 =	vcvt.s32.f32 v51;
	v2 =	vsub.f32 v38, v2;
	v3 =	vnsel vm10, $0xF4230, v3  }
0x6b: {  	v7 =	vcvt.f32.s32 v58;
	vm12 =	vlt.s32 v54, $0xF4230;
	vm11 =	vlt.s32 v52, $0xF4230;
	[tilespmem:$0x3A0] =	vst v3  }
0x6c: {  	vm13 =	vlt.s32 v57, $0xF4230;
	v6 =	vnsel vm12, $0xF4230, v54;
	v3 =	vnsel vm11, $0xF4230, v52;
	[tilespmem:$0x5B0] =	vst v2  }
0x6d: {  	v60 =	vand.u32 $0xFFFFFFF8, v7;
	v2 =	vsub.f32 v40, v56;
	[tilespmem:$0x3B0] =	vst v3;
	v3 =	vcvt.s32.f32 v8  }
0x6e: {  	v61 =	vtrunc.f32 v55;
	v59 =	vnsel vm13, $0xF4230, v57;
	[tilespmem:$0x3C0] =	vst v6;
	vm14 =	vlt.s32 v60, $0xF4230  }
0x6f: {  	v6 =	vcvt.f32.s32 v61;
	[tilespmem:$0x5C0] =	vst v2;
	v2 =	vcvt.s32.f32 v7;
	v3 =	vsub.f32 v44, v3  }
0x70: {  	[tilespmem:$0x3D0] =	vst v59;
	v62 =	vnsel vm14, $0xF4230, v60  }
0x71: {  	v63 =	vcvt.s32.f32 v6;
	v2 =	vsub.f32 v49, v2;
	[tilespmem:$0x5D0] =	vst v3;
	v3 =	vand.u32 $0xFFFFFFF8, v6  }
0x72: {  	[tilespmem:$0x3E0] =	vst v62;
	vm15 =	vlt.s32 v3, $0xF4230  }
0x73: {  	[tilespmem:$0x5E0] =	vst v2;
	v2 =	vnsel vm15, $0xF4230, v3;
	v3 =	vsub.f32 v55, v63  }
0x74: {  	[tilespmem:$0x3F0] =	vst v2  }
0x75: {  	s14 =	simm.s32 $0x0;
	[tilespmem:$0x5F0] =	vst v3  }
.LBB2_2:
0x76: {  	s15 =	sshll.u32 s14, $0x5  }
0x77: {  	v3 =	vld [tilespmem:s15+$0x0];
	_ =	sdelay $0x2  }
0x78: {  	v2 =	vld [tilespmem:s15+$0x200];
	_ =	sdelay $0x1  }
0x79: {  	v3 =	vtrunc.f32 v3  }
0x7a: {  	v3 =	vcvt.f32.s32 v3;
	_ =	sdelay $0x1  }
0x7b: {  	v3 =	vsub.s32 v3, v2  }
0x7c: {  	v3 =	vadd.s32 $0x1, v3  }
0x7d: {  	vm0 =	vgt.s32 v3, $0x7  }
0x7e: {  	v3 =	vmpcnt.ones.xlane vm0;
	_ =	sdelay $0x1  }
0x7f: {  	(v2sf) =	vpush v3, $0x0  }
0x80: {  	v3 =	vsel vm0, $0x1, v0;
	(v2sf) =	vpush v2, $0x0  }
0x81: {  	(v2sf) =	vpush v3, $0x0;
	_ =	sdelay $0x8  }
0x82: {  	(v2sf) =	vpush v2, $0x1;
	_ =	sdelay $0x3  }
0x83: {  	s16 =	spop (v2sf)  }
0x84: {  	(v2sf) =	vpush v3, $0x1;
	s17 =	spop (v2sf)  }
0x85: {  	s18 =	sshll.u32 s17, $0x4;
	s19 =	spop (v2sf)  }
0x86: {  	s18 =	sand.u32 $0xFFFFF80, s18;
	p0 =	seq.s32 s19, $0x0  }
0x87: {  	s18 =	sadd.s32 s3, s18;
	s17 =	sshll.u32 @!p0 s17, $0x7  }
0x88: {  	[tilespmem:s8], [sflag:$0x1] =	stream.linear.gather [hbm4b:s18+s2], $0x400, $0x38;
	[tilespmem:$0x16C00] =	vst v63  }
0x89: {  	s17 =	sand.u32 @!p0 $0xFFFFFC00, s17  }
0x8a: {  	s17 =	sadd.s32 @!p0 $0x400, s17  }
0x8b: {  	s17 =	sshrl.u32 @!p0 s17, $0x3  }
0x8c: {  	(v2sf) =	vpush v2, $0x2;
	s19 =	simm.s32 @!p0 $0xA00;
	s18 =	simm.s32 @!p0 $0x0;
	s17 =	sadd.s32 @!p0 s3, s17  }
0x8d: {  	(v2sf) =	vpush v3, $0x2;
	[tilespmem:s19], [sflag:$0x1] =	stream.linear.gather @!p0 [hbm4b:s17+s18], $0x400, $0x38;
	[tilespmem:$0x16C00] =	vst v63  }
0x8e: {  	s17 =	spop (v2sf)  }
0x8f: {  	s20 =	sshll.u32 s17, $0x4  }
0x90: {  	s18 =	sand.u32 $0xFFFFF80, s20  }
0x91: {  	s21 =	simm.s32 $0xE00;
	s18 =	sadd.s32 s3, s18  }
0x92: {  	[tilespmem:s21], [sflag:$0x1] =	stream.linear.gather [hbm4b:s18+s2], $0x400, $0x38;
	[tilespmem:$0x16C00] =	vst v63  }
0x93: {  	s19 =	spop (v2sf)  }
0x94: {  	p0 =	seq.s32 s19, $0x0  }
0x95: {  	s17 =	sshll.u32 @!p0 s17, $0x7  }
0x96: {  	(v2sf) =	vpush v2, $0x3;
	s17 =	sand.u32 @!p0 $0xFFFFFC00, s17  }
0x97: {  	(v2sf) =	vpush v3, $0x3;
	s17 =	sadd.s32 @!p0 $0x400, s17  }
0x98: {  	s17 =	sshrl.u32 @!p0 s17, $0x3  }
0x99: {  	s18 =	simm.s32 @!p0 $0x0;
	s19 =	simm.s32 @!p0 $0x1200;
	s17 =	sadd.s32 @!p0 s3, s17  }
0x9a: {  	[tilespmem:s19], [sflag:$0x1] =	stream.linear.gather @!p0 [hbm4b:s17+s18], $0x400, $0x38;
	[tilespmem:$0x16C00] =	vst v63  }
0x9b: {  	s17 =	spop (v2sf)  }
0x9c: {  	s20 =	sshll.u32 s17, $0x4;
	s19 =	spop (v2sf)  }
0x9d: {  	s18 =	sand.u32 $0xFFFFF80, s20;
	p0 =	seq.s32 s19, $0x0  }
0x9e: {  	s21 =	simm.s32 $0x1600;
	s18 =	sadd.s32 s3, s18;
	s17 =	sshll.u32 @!p0 s17, $0x7  }
0x9f: {  	[tilespmem:s21], [sflag:$0x1] =	stream.linear.gather [hbm4b:s18+s2], $0x400, $0x38;
	[tilespmem:$0x16C00] =	vst v63  }
0xa0: {  	(v2sf) =	vpush v2, $0x4;
	s17 =	sand.u32 @!p0 $0xFFFFFC00, s17  }
0xa1: {  	s17 =	sadd.s32 @!p0 $0x400, s17  }
0xa2: {  	s17 =	sshrl.u32 @!p0 s17, $0x3  }
0xa3: {  	s19 =	simm.s32 @!p0 $0x1A00;
	s18 =	simm.s32 @!p0 $0x0;
	s17 =	sadd.s32 @!p0 s3, s17  }
0xa4: {  	[tilespmem:s19], [sflag:$0x1] =	stream.linear.gather @!p0 [hbm4b:s17+s18], $0x400, $0x38;
	[tilespmem:$0x16C00] =	vst v63  }
0xa5: {  	s17 =	spop (v2sf)  }
0xa6: {  	(v2sf) =	vpush v3, $0x4;
	s20 =	sshll.u32 s17, $0x4;
	s19 =	spop (v2sf)  }
0xa7: {  	s18 =	sand.u32 $0xFFFFF80, s20;
	p0 =	seq.s32 s19, $0x0  }
0xa8: {  	s21 =	simm.s32 $0x1E00;
	s18 =	sadd.s32 s3, s18;
	s17 =	sshll.u32 @!p0 s17, $0x7  }
0xa9: {  	[tilespmem:s21], [sflag:$0x1] =	stream.linear.gather [hbm4b:s18+s2], $0x400, $0x38;
	[tilespmem:$0x16C00] =	vst v63  }
0xaa: {  	s17 =	sand.u32 @!p0 $0xFFFFFC00, s17  }
0xab: {  	s17 =	sadd.s32 @!p0 $0x400, s17  }
0xac: {  	s17 =	sshrl.u32 @!p0 s17, $0x3  }
0xad: {  	s19 =	simm.s32 @!p0 $0x2200;
	s18 =	simm.s32 @!p0 $0x0;
	s17 =	sadd.s32 @!p0 s3, s17  }
0xae: {  	(v2sf) =	vpush v2, $0x5;
	[tilespmem:s19], [sflag:$0x1] =	stream.linear.gather @!p0 [hbm4b:s17+s18], $0x400, $0x38;
	[tilespmem:$0x16C00] =	vst v63  }
0xaf: {  	s17 =	spop (v2sf);
	(v2sf) =	vpush v3, $0x5;
	_ =	sdelay $0x1  }
0xb0: {  	s20 =	sshll.u32 s17, $0x4  }
0xb1: {  	s18 =	sand.u32 $0xFFFFF80, s20  }
0xb2: {  	s21 =	simm.s32 $0x2600;
	s18 =	sadd.s32 s3, s18  }
0xb3: {  	[tilespmem:s21], [sflag:$0x1] =	stream.linear.gather [hbm4b:s18+s2], $0x400, $0x38;
	[tilespmem:$0x16C00] =	vst v63  }
0xb4: {  	s19 =	spop (v2sf)  }
0xb5: {  	p0 =	seq.s32 s19, $0x0  }
0xb6: {  	s17 =	sshll.u32 @!p0 s17, $0x7  }
0xb7: {  	(v2sf) =	vpush v2, $0x6;
	s17 =	sand.u32 @!p0 $0xFFFFFC00, s17  }
0xb8: {  	s17 =	sadd.s32 @!p0 $0x400, s17  }
0xb9: {  	s17 =	sshrl.u32 @!p0 s17, $0x3  }
0xba: {  	s18 =	simm.s32 @!p0 $0x0;
	s19 =	simm.s32 @!p0 $0x2A00;
	s17 =	sadd.s32 @!p0 s3, s17  }
0xbb: {  	[tilespmem:s19], [sflag:$0x1] =	stream.linear.gather @!p0 [hbm4b:s17+s18], $0x400, $0x38;
	[tilespmem:$0x16C00] =	vst v63  }
0xbc: {  	s17 =	spop (v2sf)  }
0xbd: {  	(v2sf) =	vpush v3, $0x6;
	s20 =	sshll.u32 s17, $0x4;
	s19 =	spop (v2sf)  }
0xbe: {  	s18 =	sand.u32 $0xFFFFF80, s20;
	p0 =	seq.s32 s19, $0x0  }
0xbf: {  	s21 =	simm.s32 $0x2E00;
	s18 =	sadd.s32 s3, s18;
	s17 =	sshll.u32 @!p0 s17, $0x7  }
0xc0: {  	[tilespmem:s21], [sflag:$0x1] =	stream.linear.gather [hbm4b:s18+s2], $0x400, $0x38;
	[tilespmem:$0x16C00] =	vst v63  }
0xc1: {  	s17 =	sand.u32 @!p0 $0xFFFFFC00, s17  }
0xc2: {  	s17 =	sadd.s32 @!p0 $0x400, s17  }
0xc3: {  	s17 =	sshrl.u32 @!p0 s17, $0x3  }
0xc4: {  	s19 =	simm.s32 @!p0 $0x3200;
	s18 =	simm.s32 @!p0 $0x0;
	s17 =	sadd.s32 @!p0 s3, s17  }
0xc5: {  	(v2sf) =	vpush v2, $0x7;
	[tilespmem:s19], [sflag:$0x1] =	stream.linear.gather @!p0 [hbm4b:s17+s18], $0x400, $0x38;
	[tilespmem:$0x16C00] =	vst v63  }
0xc6: {  	s17 =	spop (v2sf);
	(v2sf) =	vpush v3, $0x7;
	_ =	sdelay $0x1  }
0xc7: {  	s20 =	sshll.u32 s17, $0x4  }
0xc8: {  	s18 =	sand.u32 $0xFFFFF80, s20  }
0xc9: {  	s21 =	simm.s32 $0x3600;
	s18 =	sadd.s32 s3, s18  }
0xca: {  	[tilespmem:s21], [sflag:$0x1] =	stream.linear.gather [hbm4b:s18+s2], $0x400, $0x38;
	[tilespmem:$0x16C00] =	vst v63  }
0xcb: {  	s19 =	spop (v2sf)  }
0xcc: {  	p0 =	seq.s32 s19, $0x0  }
0xcd: {  	s17 =	sshll.u32 @!p0 s17, $0x7  }
0xce: {  	(v2sf) =	vpush v2, $0x8;
	s17 =	sand.u32 @!p0 $0xFFFFFC00, s17  }
0xcf: {  	s17 =	sadd.s32 @!p0 $0x400, s17  }
0xd0: {  	s17 =	sshrl.u32 @!p0 s17, $0x3  }
0xd1: {  	s18 =	simm.s32 @!p0 $0x0;
	s19 =	simm.s32 @!p0 $0x3A00;
	s17 =	sadd.s32 @!p0 s3, s17  }
0xd2: {  	[tilespmem:s19], [sflag:$0x1] =	stream.linear.gather @!p0 [hbm4b:s17+s18], $0x400, $0x38;
	[tilespmem:$0x16C00] =	vst v63  }
0xd3: {  	s17 =	spop (v2sf)  }
0xd4: {  	(v2sf) =	vpush v3, $0x8;
	s20 =	sshll.u32 s17, $0x4;
	s19 =	spop (v2sf)  }
0xd5: {  	s18 =	sand.u32 $0xFFFFF80, s20;
	p0 =	seq.s32 s19, $0x0  }
0xd6: {  	s21 =	simm.s32 $0x3E00;
	s18 =	sadd.s32 s3, s18;
	s17 =	sshll.u32 @!p0 s17, $0x7  }
0xd7: {  	[tilespmem:s21], [sflag:$0x1] =	stream.linear.gather [hbm4b:s18+s2], $0x400, $0x38;
	[tilespmem:$0x16C00] =	vst v63  }
0xd8: {  	s17 =	sand.u32 @!p0 $0xFFFFFC00, s17  }
0xd9: {  	s17 =	sadd.s32 @!p0 $0x400, s17  }
0xda: {  	s17 =	sshrl.u32 @!p0 s17, $0x3  }
0xdb: {  	s19 =	simm.s32 @!p0 $0x4200;
	s18 =	simm.s32 @!p0 $0x0;
	s17 =	sadd.s32 @!p0 s3, s17  }
0xdc: {  	(v2sf) =	vpush v2, $0x9;
	[tilespmem:s19], [sflag:$0x1] =	stream.linear.gather @!p0 [hbm4b:s17+s18], $0x400, $0x38;
	[tilespmem:$0x16C00] =	vst v63  }
0xdd: {  	s17 =	spop (v2sf);
	(v2sf) =	vpush v3, $0x9;
	_ =	sdelay $0x1  }
0xde: {  	s20 =	sshll.u32 s17, $0x4  }
0xdf: {  	s18 =	sand.u32 $0xFFFFF80, s20  }
0xe0: {  	s21 =	simm.s32 $0x4600;
	s18 =	sadd.s32 s3, s18  }
0xe1: {  	[tilespmem:s21], [sflag:$0x1] =	stream.linear.gather [hbm4b:s18+s2], $0x400, $0x38;
	[tilespmem:$0x16C00] =	vst v63  }
0xe2: {  	s19 =	spop (v2sf)  }
0xe3: {  	p0 =	seq.s32 s19, $0x0  }
0xe4: {  	s17 =	sshll.u32 @!p0 s17, $0x7  }
0xe5: {  	(v2sf) =	vpush v2, $0xA;
	s17 =	sand.u32 @!p0 $0xFFFFFC00, s17  }
0xe6: {  	s17 =	sadd.s32 @!p0 $0x400, s17  }
0xe7: {  	s17 =	sshrl.u32 @!p0 s17, $0x3  }
0xe8: {  	s18 =	simm.s32 @!p0 $0x0;
	s19 =	simm.s32 @!p0 $0x4A00;
	s17 =	sadd.s32 @!p0 s3, s17  }
0xe9: {  	[tilespmem:s19], [sflag:$0x1] =	stream.linear.gather @!p0 [hbm4b:s17+s18], $0x400, $0x38;
	[tilespmem:$0x16C00] =	vst v63  }
0xea: {  	s17 =	spop (v2sf)  }
0xeb: {  	(v2sf) =	vpush v3, $0xA;
	s20 =	sshll.u32 s17, $0x4;
	s19 =	spop (v2sf)  }
0xec: {  	s18 =	sand.u32 $0xFFFFF80, s20;
	p0 =	seq.s32 s19, $0x0  }
0xed: {  	s21 =	simm.s32 $0x4E00;
	s18 =	sadd.s32 s3, s18;
	s17 =	sshll.u32 @!p0 s17, $0x7  }
0xee: {  	[tilespmem:s21], [sflag:$0x1] =	stream.linear.gather [hbm4b:s18+s2], $0x400, $0x38;
	[tilespmem:$0x16C00] =	vst v63  }
0xef: {  	s17 =	sand.u32 @!p0 $0xFFFFFC00, s17  }
0xf0: {  	s17 =	sadd.s32 @!p0 $0x400, s17  }
0xf1: {  	s17 =	sshrl.u32 @!p0 s17, $0x3  }
0xf2: {  	s19 =	simm.s32 @!p0 $0x5200;
	s18 =	simm.s32 @!p0 $0x0;
	s17 =	sadd.s32 @!p0 s3, s17  }
0xf3: {  	(v2sf) =	vpush v2, $0xB;
	[tilespmem:s19], [sflag:$0x1] =	stream.linear.gather @!p0 [hbm4b:s17+s18], $0x400, $0x38;
	[tilespmem:$0x16C00] =	vst v63  }
0xf4: {  	s17 =	spop (v2sf);
	(v2sf) =	vpush v3, $0xB;
	_ =	sdelay $0x1  }
0xf5: {  	s20 =	sshll.u32 s17, $0x4  }
0xf6: {  	s18 =	sand.u32 $0xFFFFF80, s20  }
0xf7: {  	s21 =	simm.s32 $0x5600;
	s18 =	sadd.s32 s3, s18  }
0xf8: {  	[tilespmem:s21], [sflag:$0x1] =	stream.linear.gather [hbm4b:s18+s2], $0x400, $0x38;
	[tilespmem:$0x16C00] =	vst v63  }
0xf9: {  	s19 =	spop (v2sf)  }
0xfa: {  	p0 =	seq.s32 s19, $0x0  }
0xfb: {  	s17 =	sshll.u32 @!p0 s17, $0x7  }
0xfc: {  	(v2sf) =	vpush v2, $0xC;
	s17 =	sand.u32 @!p0 $0xFFFFFC00, s17  }
0xfd: {  	s17 =	sadd.s32 @!p0 $0x400, s17  }
0xfe: {  	s17 =	sshrl.u32 @!p0 s17, $0x3  }
0xff: {  	s18 =	simm.s32 @!p0 $0x0;
	s19 =	simm.s32 @!p0 $0x5A00;
	s17 =	sadd.s32 @!p0 s3, s17  }
0x100: {  	[tilespmem:s19], [sflag:$0x1] =	stream.linear.gather @!p0 [hbm4b:s17+s18], $0x400, $0x38;
	[tilespmem:$0x16C00] =	vst v63  }
0x101: {  	s17 =	spop (v2sf)  }
0x102: {  	(v2sf) =	vpush v3, $0xC;
	s20 =	sshll.u32 s17, $0x4;
	s19 =	spop (v2sf)  }
0x103: {  	s18 =	sand.u32 $0xFFFFF80, s20;
	p0 =	seq.s32 s19, $0x0  }
0x104: {  	s21 =	simm.s32 $0x5E00;
	s18 =	sadd.s32 s3, s18;
	s17 =	sshll.u32 @!p0 s17, $0x7  }
0x105: {  	[tilespmem:s21], [sflag:$0x1] =	stream.linear.gather [hbm4b:s18+s2], $0x400, $0x38;
	[tilespmem:$0x16C00] =	vst v63  }
0x106: {  	s17 =	sand.u32 @!p0 $0xFFFFFC00, s17  }
0x107: {  	s17 =	sadd.s32 @!p0 $0x400, s17  }
0x108: {  	s17 =	sshrl.u32 @!p0 s17, $0x3  }
0x109: {  	s19 =	simm.s32 @!p0 $0x6200;
	s18 =	simm.s32 @!p0 $0x0;
	s17 =	sadd.s32 @!p0 s3, s17  }
0x10a: {  	(v2sf) =	vpush v2, $0xD;
	[tilespmem:s19], [sflag:$0x1] =	stream.linear.gather @!p0 [hbm4b:s17+s18], $0x400, $0x38;
	[tilespmem:$0x16C00] =	vst v63  }
0x10b: {  	s17 =	spop (v2sf);
	(v2sf) =	vpush v3, $0xD;
	_ =	sdelay $0x1  }
0x10c: {  	s20 =	sshll.u32 s17, $0x4  }
0x10d: {  	s18 =	sand.u32 $0xFFFFF80, s20  }
0x10e: {  	s21 =	simm.s32 $0x6600;
	s18 =	sadd.s32 s3, s18  }
0x10f: {  	[tilespmem:s21], [sflag:$0x1] =	stream.linear.gather [hbm4b:s18+s2], $0x400, $0x38;
	[tilespmem:$0x16C00] =	vst v63  }
0x110: {  	s19 =	spop (v2sf)  }
0x111: {  	p0 =	seq.s32 s19, $0x0  }
0x112: {  	s17 =	sshll.u32 @!p0 s17, $0x7  }
0x113: {  	(v2sf) =	vpush v2, $0xE;
	s17 =	sand.u32 @!p0 $0xFFFFFC00, s17  }
0x114: {  	s17 =	sadd.s32 @!p0 $0x400, s17  }
0x115: {  	s17 =	sshrl.u32 @!p0 s17, $0x3  }
0x116: {  	s18 =	simm.s32 @!p0 $0x0;
	s19 =	simm.s32 @!p0 $0x6A00;
	s17 =	sadd.s32 @!p0 s3, s17  }
0x117: {  	[tilespmem:s19], [sflag:$0x1] =	stream.linear.gather @!p0 [hbm4b:s17+s18], $0x400, $0x38;
	[tilespmem:$0x16C00] =	vst v63  }
0x118: {  	s17 =	spop (v2sf)  }
0x119: {  	(v2sf) =	vpush v3, $0xE;
	s20 =	sshll.u32 s17, $0x4;
	s19 =	spop (v2sf)  }
0x11a: {  	s18 =	sand.u32 $0xFFFFF80, s20;
	p0 =	seq.s32 s19, $0x0  }
0x11b: {  	s21 =	simm.s32 $0x6E00;
	s18 =	sadd.s32 s3, s18;
	s17 =	sshll.u32 @!p0 s17, $0x7  }
0x11c: {  	[tilespmem:s21], [sflag:$0x1] =	stream.linear.gather [hbm4b:s18+s2], $0x400, $0x38;
	[tilespmem:$0x16C00] =	vst v63  }
0x11d: {  	s17 =	sand.u32 @!p0 $0xFFFFFC00, s17  }
0x11e: {  	s17 =	sadd.s32 @!p0 $0x400, s17  }
0x11f: {  	s17 =	sshrl.u32 @!p0 s17, $0x3  }
0x120: {  	s19 =	simm.s32 @!p0 $0x7200;
	s18 =	simm.s32 @!p0 $0x0;
	s17 =	sadd.s32 @!p0 s3, s17  }
0x121: {  	(v2sf) =	vpush v2, $0xF;
	[tilespmem:s19], [sflag:$0x1] =	stream.linear.gather @!p0 [hbm4b:s17+s18], $0x400, $0x38;
	[tilespmem:$0x16C00] =	vst v63  }
0x122: {  	s17 =	spop (v2sf);
	(v2sf) =	vpush v3, $0xF;
	_ =	sdelay $0x1  }
0x123: {  	s20 =	sshll.u32 s17, $0x4  }
0x124: {  	s18 =	sand.u32 $0xFFFFF80, s20  }
0x125: {  	s18 =	sadd.s32 s3, s18  }
0x126: {  	[tilespmem:s22], [sflag:$0x1] =	stream.linear.gather [hbm4b:s18+s2], $0x400, $0x38;
	[tilespmem:$0x16C00] =	vst v63  }
0x127: {  	s21 =	spop (v2sf)  }
0x128: {  	p0 =	seq.s32 s21, $0x0  }
0x129: {  	s17 =	sshll.u32 @!p0 s17, $0x7  }
0x12a: {  	s17 =	sand.u32 @!p0 $0xFFFFFC00, s17  }
0x12b: {  	s17 =	sadd.s32 @!p0 $0x400, s17  }
0x12c: {  	s17 =	sshrl.u32 @!p0 s17, $0x3  }
0x12d: {  	s18 =	simm.s32 @!p0 $0x0;
	s19 =	simm.s32 @!p0 $0x7A00;
	s17 =	sadd.s32 @!p0 s3, s17  }
0x12e: {  	[tilespmem:s19], [sflag:$0x1] =	stream.linear.gather @!p0 [hbm4b:s17+s18], $0x400, $0x38;
	[tilespmem:$0x16C00] =	vst v63  }
0x12f: {  	s17 =	spop (v2sf)  }
0x130: {  	s19 =	sshll.u32 s17, $0x4;
	s20 =	spop (v2sf)  }
0x131: {  	s18 =	sand.u32 $0xFFFFF80, s19;
	p0 =	seq.s32 s20, $0x0  }
0x132: {  	s18 =	sadd.s32 s3, s18;
	s17 =	sshll.u32 @!p0 s17, $0x7  }
0x133: {  	[tilespmem:s23], [sflag:$0x1] =	stream.linear.gather [hbm4b:s18+s2], $0x400, $0x38;
	[tilespmem:$0x16C00] =	vst v63  }
0x134: {  	s17 =	sand.u32 @!p0 $0xFFFFFC00, s17  }
0x135: {  	s17 =	sadd.s32 @!p0 $0x400, s17  }
0x136: {  	s17 =	sshrl.u32 @!p0 s17, $0x3  }
0x137: {  	s19 =	simm.s32 @!p0 $0x8200;
	s18 =	simm.s32 @!p0 $0x0;
	s17 =	sadd.s32 @!p0 s3, s17  }
0x138: {  	[tilespmem:s19], [sflag:$0x1] =	stream.linear.gather @!p0 [hbm4b:s17+s18], $0x400, $0x38;
	[tilespmem:$0x16C00] =	vst v63  }
0x139: {  	s17 =	sor.u32 $0x10, s15  }
0x13a: {  	v3 =	vld [tilespmem:s17+$0x0];
	_ =	sdelay $0x2  }
0x13b: {  	v2 =	vld [tilespmem:s15+$0x210];
	_ =	sdelay $0x1  }
0x13c: {  	v3 =	vtrunc.f32 v3  }
0x13d: {  	v3 =	vcvt.f32.s32 v3;
	_ =	sdelay $0x1  }
0x13e: {  	v3 =	vsub.s32 v3, v2  }
0x13f: {  	v3 =	vadd.s32 $0x1, v3  }
0x140: {  	vm15 =	vgt.s32 v3, $0x7  }
0x141: {  	v3 =	vmpcnt.ones.xlane vm15;
	_ =	sdelay $0x1  }
0x142: {  	(v2sf) =	vpush v3, $0x0  }
0x143: {  	v3 =	vsel vm15, $0x1, v0;
	(v2sf) =	vpush v2, $0x0  }
0x144: {  	(v2sf) =	vpush v3, $0x0;
	_ =	sdelay $0x8  }
0x145: {  	(v2sf) =	vpush v2, $0x1;
	_ =	sdelay $0x3  }
0x146: {  	s18 =	spop (v2sf)  }
0x147: {  	(v2sf) =	vpush v3, $0x1;
	s19 =	spop (v2sf)  }
0x148: {  	s20 =	sshll.u32 s19, $0x4;
	s21 =	spop (v2sf)  }
0x149: {  	s20 =	sand.u32 $0xFFFFF80, s20;
	p0 =	seq.s32 s21, $0x0  }
0x14a: {  	s20 =	sadd.s32 s3, s20;
	s19 =	sshll.u32 @!p0 s19, $0x7  }
0x14b: {  	[tilespmem:s24], [sflag:$0x1] =	stream.linear.gather [hbm4b:s20+s2], $0x400, $0x38;
	[tilespmem:$0x16C00] =	vst v63  }
0x14c: {  	s19 =	sand.u32 @!p0 $0xFFFFFC00, s19  }
0x14d: {  	s19 =	sadd.s32 @!p0 $0x400, s19  }
0x14e: {  	s19 =	sshrl.u32 @!p0 s19, $0x3  }
0x14f: {  	(v2sf) =	vpush v2, $0x2;
	s21 =	simm.s32 @!p0 $0x8A00;
	s20 =	simm.s32 @!p0 $0x0;
	s19 =	sadd.s32 @!p0 s3, s19  }
0x150: {  	[tilespmem:s21], [sflag:$0x1] =	stream.linear.gather @!p0 [hbm4b:s19+s20], $0x400, $0x38;
	[tilespmem:$0x16C00] =	vst v63  }
0x151: {  	(v2sf) =	vpush v3, $0x2;
	s19 =	spop (v2sf)  }
0x152: {  	s21 =	sshll.u32 s19, $0x4  }
0x153: {  	s20 =	sand.u32 $0xFFFFF80, s21  }
0x154: {  	s20 =	sadd.s32 s3, s20  }
0x155: {  	[tilespmem:s25], [sflag:$0x1] =	stream.linear.gather [hbm4b:s20+s2], $0x400, $0x38;
	[tilespmem:$0x16C00] =	vst v63  }
0x156: {  	s21 =	spop (v2sf)  }
0x157: {  	p0 =	seq.s32 s21, $0x0  }
0x158: {  	s19 =	sshll.u32 @!p0 s19, $0x7  }
0x159: {  	s19 =	sand.u32 @!p0 $0xFFFFFC00, s19  }
0x15a: {  	(v2sf) =	vpush v2, $0x3;
	s19 =	sadd.s32 @!p0 $0x400, s19  }
0x15b: {  	s19 =	sshrl.u32 @!p0 s19, $0x3  }
0x15c: {  	s20 =	simm.s32 @!p0 $0x0;
	s21 =	simm.s32 @!p0 $0x9200;
	s19 =	sadd.s32 @!p0 s3, s19  }
0x15d: {  	[tilespmem:s21], [sflag:$0x1] =	stream.linear.gather @!p0 [hbm4b:s19+s20], $0x400, $0x38;
	[tilespmem:$0x16C00] =	vst v63  }
0x15e: {  	s19 =	spop (v2sf)  }
0x15f: {  	(v2sf) =	vpush v3, $0x3;
	s21 =	sshll.u32 s19, $0x4  }
0x160: {  	s20 =	sand.u32 $0xFFFFF80, s21;
	s21 =	spop (v2sf)  }
0x161: {  	s20 =	sadd.s32 s3, s20;
	p0 =	seq.s32 s21, $0x0  }
0x162: {  	[tilespmem:s26], [sflag:$0x1] =	stream.linear.gather [hbm4b:s20+s2], $0x400, $0x38;
	[tilespmem:$0x16C00] =	vst v63  }
0x163: {  	s19 =	sshll.u32 @!p0 s19, $0x7  }
0x164: {  	s19 =	sand.u32 @!p0 $0xFFFFFC00, s19  }
0x165: {  	s19 =	sadd.s32 @!p0 $0x400, s19  }
0x166: {  	s19 =	sshrl.u32 @!p0 s19, $0x3  }
0x167: {  	(v2sf) =	vpush v2, $0x4;
	s20 =	simm.s32 @!p0 $0x0;
	s21 =	simm.s32 @!p0 $0x9A00;
	s19 =	sadd.s32 @!p0 s3, s19  }
0x168: {  	[tilespmem:s21], [sflag:$0x1] =	stream.linear.gather @!p0 [hbm4b:s19+s20], $0x400, $0x38;
	[tilespmem:$0x16C00] =	vst v63  }
0x169: {  	s19 =	spop (v2sf);
	(v2sf) =	vpush v3, $0x4  }
0x16a: {  	s21 =	sshll.u32 s19, $0x4  }
0x16b: {  	s20 =	sand.u32 $0xFFFFF80, s21  }
0x16c: {  	s20 =	sadd.s32 s3, s20  }
0x16d: {  	[tilespmem:s28], [sflag:$0x1] =	stream.linear.gather [hbm4b:s20+s2], $0x400, $0x38;
	[tilespmem:$0x16C00] =	vst v63  }
0x16e: {  	s21 =	spop (v2sf)  }
0x16f: {  	p0 =	seq.s32 s21, $0x0  }
0x170: {  	s19 =	sshll.u32 @!p0 s19, $0x7  }
0x171: {  	s19 =	sand.u32 @!p0 $0xFFFFFC00, s19  }
0x172: {  	(v2sf) =	vpush v2, $0x5;
	s19 =	sadd.s32 @!p0 $0x400, s19  }
0x173: {  	s19 =	sshrl.u32 @!p0 s19, $0x3  }
0x174: {  	s20 =	simm.s32 @!p0 $0x0;
	s21 =	simm.s32 @!p0 $0xA200;
	s19 =	sadd.s32 @!p0 s3, s19  }
0x175: {  	[tilespmem:s21], [sflag:$0x1] =	stream.linear.gather @!p0 [hbm4b:s19+s20], $0x400, $0x38;
	[tilespmem:$0x16C00] =	vst v63  }
0x176: {  	s19 =	spop (v2sf)  }
0x177: {  	(v2sf) =	vpush v3, $0x5;
	s21 =	sshll.u32 s19, $0x4  }
0x178: {  	s20 =	sand.u32 $0xFFFFF80, s21;
	s21 =	spop (v2sf)  }
0x179: {  	s20 =	sadd.s32 s3, s20;
	p0 =	seq.s32 s21, $0x0  }
0x17a: {  	[tilespmem:s29], [sflag:$0x1] =	stream.linear.gather [hbm4b:s20+s2], $0x400, $0x38;
	[tilespmem:$0x16C00] =	vst v63  }
0x17b: {  	s19 =	sshll.u32 @!p0 s19, $0x7  }
0x17c: {  	s19 =	sand.u32 @!p0 $0xFFFFFC00, s19  }
0x17d: {  	s19 =	sadd.s32 @!p0 $0x400, s19  }
0x17e: {  	s19 =	sshrl.u32 @!p0 s19, $0x3  }
0x17f: {  	(v2sf) =	vpush v2, $0x6;
	s20 =	simm.s32 @!p0 $0x0;
	s21 =	simm.s32 @!p0 $0xAA00;
	s19 =	sadd.s32 @!p0 s3, s19  }
0x180: {  	[tilespmem:s21], [sflag:$0x1] =	stream.linear.gather @!p0 [hbm4b:s19+s20], $0x400, $0x38;
	[tilespmem:$0x16C00] =	vst v63  }
0x181: {  	s19 =	spop (v2sf);
	(v2sf) =	vpush v3, $0x6  }
0x182: {  	s21 =	sshll.u32 s19, $0x4  }
0x183: {  	s20 =	sand.u32 $0xFFFFF80, s21  }
0x184: {  	s20 =	sadd.s32 s3, s20  }
0x185: {  	[tilespmem:s30], [sflag:$0x1] =	stream.linear.gather [hbm4b:s20+s2], $0x400, $0x38;
	[tilespmem:$0x16C00] =	vst v63  }
0x186: {  	s21 =	spop (v2sf)  }
0x187: {  	p0 =	seq.s32 s21, $0x0  }
0x188: {  	s19 =	sshll.u32 @!p0 s19, $0x7  }
0x189: {  	s19 =	sand.u32 @!p0 $0xFFFFFC00, s19  }
0x18a: {  	(v2sf) =	vpush v2, $0x7;
	s19 =	sadd.s32 @!p0 $0x400, s19  }
0x18b: {  	s19 =	sshrl.u32 @!p0 s19, $0x3  }
0x18c: {  	s20 =	simm.s32 @!p0 $0x0;
	s21 =	simm.s32 @!p0 $0xB200;
	s19 =	sadd.s32 @!p0 s3, s19  }
0x18d: {  	[tilespmem:s21], [sflag:$0x1] =	stream.linear.gather @!p0 [hbm4b:s19+s20], $0x400, $0x38;
	[tilespmem:$0x16C00] =	vst v63  }
0x18e: {  	s19 =	spop (v2sf)  }
0x18f: {  	(v2sf) =	vpush v3, $0x7;
	s21 =	sshll.u32 s19, $0x4  }
0x190: {  	s20 =	sand.u32 $0xFFFFF80, s21;
	s21 =	spop (v2sf)  }
0x191: {  	s20 =	sadd.s32 s3, s20;
	p0 =	seq.s32 s21, $0x0  }
0x192: {  	[tilespmem:s31], [sflag:$0x1] =	stream.linear.gather [hbm4b:s20+s2], $0x400, $0x38;
	[tilespmem:$0x16C00] =	vst v63  }
0x193: {  	s19 =	sshll.u32 @!p0 s19, $0x7  }
0x194: {  	s19 =	sand.u32 @!p0 $0xFFFFFC00, s19  }
0x195: {  	s19 =	sadd.s32 @!p0 $0x400, s19  }
0x196: {  	s19 =	sshrl.u32 @!p0 s19, $0x3  }
0x197: {  	(v2sf) =	vpush v2, $0x8;
	s20 =	simm.s32 @!p0 $0x0;
	s21 =	simm.s32 @!p0 $0xBA00;
	s19 =	sadd.s32 @!p0 s3, s19  }
0x198: {  	[tilespmem:s21], [sflag:$0x1] =	stream.linear.gather @!p0 [hbm4b:s19+s20], $0x400, $0x38;
	[tilespmem:$0x16C00] =	vst v63  }
0x199: {  	s19 =	spop (v2sf);
	(v2sf) =	vpush v3, $0x8  }
0x19a: {  	s21 =	sshll.u32 s19, $0x4  }
0x19b: {  	s20 =	sand.u32 $0xFFFFF80, s21  }
0x19c: {  	s20 =	sadd.s32 s3, s20  }
0x19d: {  	[tilespmem:s0], [sflag:$0x1] =	stream.linear.gather [hbm4b:s20+s2], $0x400, $0x38;
	[tilespmem:$0x16C00] =	vst v63  }
0x19e: {  	s21 =	spop (v2sf)  }
0x19f: {  	p0 =	seq.s32 s21, $0x0  }
0x1a0: {  	s19 =	sshll.u32 @!p0 s19, $0x7  }
0x1a1: {  	s19 =	sand.u32 @!p0 $0xFFFFFC00, s19  }
0x1a2: {  	(v2sf) =	vpush v2, $0x9;
	s19 =	sadd.s32 @!p0 $0x400, s19  }
0x1a3: {  	s19 =	sshrl.u32 @!p0 s19, $0x3  }
0x1a4: {  	s20 =	simm.s32 @!p0 $0x0;
	s21 =	simm.s32 @!p0 $0xC200;
	s19 =	sadd.s32 @!p0 s3, s19  }
0x1a5: {  	[tilespmem:s21], [sflag:$0x1] =	stream.linear.gather @!p0 [hbm4b:s19+s20], $0x400, $0x38;
	[tilespmem:$0x16C00] =	vst v63  }
0x1a6: {  	s19 =	spop (v2sf)  }
0x1a7: {  	(v2sf) =	vpush v3, $0x9;
	s21 =	sshll.u32 s19, $0x4  }
0x1a8: {  	s20 =	sand.u32 $0xFFFFF80, s21;
	s21 =	spop (v2sf)  }
0x1a9: {  	s20 =	sadd.s32 s3, s20;
	p0 =	seq.s32 s21, $0x0  }
0x1aa: {  	[tilespmem:s1], [sflag:$0x1] =	stream.linear.gather [hbm4b:s20+s2], $0x400, $0x38;
	[tilespmem:$0x16C00] =	vst v63  }
0x1ab: {  	s19 =	sshll.u32 @!p0 s19, $0x7  }
0x1ac: {  	s19 =	sand.u32 @!p0 $0xFFFFFC00, s19  }
0x1ad: {  	s19 =	sadd.s32 @!p0 $0x400, s19  }
0x1ae: {  	s19 =	sshrl.u32 @!p0 s19, $0x3  }
0x1af: {  	(v2sf) =	vpush v2, $0xA;
	s20 =	simm.s32 @!p0 $0x0;
	s21 =	simm.s32 @!p0 $0xCA00;
	s19 =	sadd.s32 @!p0 s3, s19  }
0x1b0: {  	[tilespmem:s21], [sflag:$0x1] =	stream.linear.gather @!p0 [hbm4b:s19+s20], $0x400, $0x38;
	[tilespmem:$0x16C00] =	vst v63  }
0x1b1: {  	s19 =	spop (v2sf);
	(v2sf) =	vpush v3, $0xA  }
0x1b2: {  	s21 =	sshll.u32 s19, $0x4  }
0x1b3: {  	s20 =	sand.u32 $0xFFFFF80, s21  }
0x1b4: {  	s20 =	sadd.s32 s3, s20  }
0x1b5: {  	[tilespmem:s4], [sflag:$0x1] =	stream.linear.gather [hbm4b:s20+s2], $0x400, $0x38;
	[tilespmem:$0x16C00] =	vst v63  }
0x1b6: {  	s21 =	spop (v2sf)  }
0x1b7: {  	p0 =	seq.s32 s21, $0x0  }
0x1b8: {  	s19 =	sshll.u32 @!p0 s19, $0x7  }
0x1b9: {  	s19 =	sand.u32 @!p0 $0xFFFFFC00, s19  }
0x1ba: {  	(v2sf) =	vpush v2, $0xB;
	s19 =	sadd.s32 @!p0 $0x400, s19  }
0x1bb: {  	s19 =	sshrl.u32 @!p0 s19, $0x3  }
0x1bc: {  	s20 =	simm.s32 @!p0 $0x0;
	s21 =	simm.s32 @!p0 $0xD200;
	s19 =	sadd.s32 @!p0 s3, s19  }
0x1bd: {  	[tilespmem:s21], [sflag:$0x1] =	stream.linear.gather @!p0 [hbm4b:s19+s20], $0x400, $0x38;
	[tilespmem:$0x16C00] =	vst v63  }
0x1be: {  	s19 =	spop (v2sf)  }
0x1bf: {  	(v2sf) =	vpush v3, $0xB;
	s21 =	sshll.u32 s19, $0x4  }
0x1c0: {  	s20 =	sand.u32 $0xFFFFF80, s21;
	s21 =	spop (v2sf)  }
0x1c1: {  	s20 =	sadd.s32 s3, s20;
	p0 =	seq.s32 s21, $0x0  }
0x1c2: {  	[tilespmem:s5], [sflag:$0x1] =	stream.linear.gather [hbm4b:s20+s2], $0x400, $0x38;
	[tilespmem:$0x16C00] =	vst v63  }
0x1c3: {  	s19 =	sshll.u32 @!p0 s19, $0x7  }
0x1c4: {  	s19 =	sand.u32 @!p0 $0xFFFFFC00, s19  }
0x1c5: {  	s19 =	sadd.s32 @!p0 $0x400, s19  }
0x1c6: {  	s19 =	sshrl.u32 @!p0 s19, $0x3  }
0x1c7: {  	(v2sf) =	vpush v2, $0xC;
	s20 =	simm.s32 @!p0 $0x0;
	s21 =	simm.s32 @!p0 $0xDA00;
	s19 =	sadd.s32 @!p0 s3, s19  }
0x1c8: {  	[tilespmem:s21], [sflag:$0x1] =	stream.linear.gather @!p0 [hbm4b:s19+s20], $0x400, $0x38;
	[tilespmem:$0x16C00] =	vst v63  }
0x1c9: {  	s19 =	spop (v2sf);
	(v2sf) =	vpush v3, $0xC  }
0x1ca: {  	s21 =	sshll.u32 s19, $0x4  }
0x1cb: {  	s20 =	sand.u32 $0xFFFFF80, s21  }
0x1cc: {  	s20 =	sadd.s32 s3, s20  }
0x1cd: {  	[tilespmem:s6], [sflag:$0x1] =	stream.linear.gather [hbm4b:s20+s2], $0x400, $0x38;
	[tilespmem:$0x16C00] =	vst v63  }
0x1ce: {  	s21 =	spop (v2sf)  }
0x1cf: {  	p0 =	seq.s32 s21, $0x0  }
0x1d0: {  	s19 =	sshll.u32 @!p0 s19, $0x7  }
0x1d1: {  	s19 =	sand.u32 @!p0 $0xFFFFFC00, s19  }
0x1d2: {  	(v2sf) =	vpush v2, $0xD;
	s19 =	sadd.s32 @!p0 $0x400, s19  }
0x1d3: {  	s19 =	sshrl.u32 @!p0 s19, $0x3  }
0x1d4: {  	s20 =	simm.s32 @!p0 $0x0;
	s21 =	simm.s32 @!p0 $0xE200;
	s19 =	sadd.s32 @!p0 s3, s19  }
0x1d5: {  	[tilespmem:s21], [sflag:$0x1] =	stream.linear.gather @!p0 [hbm4b:s19+s20], $0x400, $0x38;
	[tilespmem:$0x16C00] =	vst v63  }
0x1d6: {  	s19 =	spop (v2sf)  }
0x1d7: {  	(v2sf) =	vpush v3, $0xD;
	s21 =	sshll.u32 s19, $0x4  }
0x1d8: {  	s20 =	sand.u32 $0xFFFFF80, s21;
	s21 =	spop (v2sf)  }
0x1d9: {  	s20 =	sadd.s32 s3, s20;
	p0 =	seq.s32 s21, $0x0  }
0x1da: {  	[tilespmem:s7], [sflag:$0x1] =	stream.linear.gather [hbm4b:s20+s2], $0x400, $0x38;
	[tilespmem:$0x16C00] =	vst v63  }
0x1db: {  	s19 =	sshll.u32 @!p0 s19, $0x7  }
0x1dc: {  	s19 =	sand.u32 @!p0 $0xFFFFFC00, s19  }
0x1dd: {  	s19 =	sadd.s32 @!p0 $0x400, s19  }
0x1de: {  	s19 =	sshrl.u32 @!p0 s19, $0x3  }
0x1df: {  	(v2sf) =	vpush v2, $0xE;
	s20 =	simm.s32 @!p0 $0x0;
	s21 =	simm.s32 @!p0 $0xEA00;
	s19 =	sadd.s32 @!p0 s3, s19  }
0x1e0: {  	[tilespmem:s21], [sflag:$0x1] =	stream.linear.gather @!p0 [hbm4b:s19+s20], $0x400, $0x38;
	[tilespmem:$0x16C00] =	vst v63  }
0x1e1: {  	s19 =	spop (v2sf);
	(v2sf) =	vpush v3, $0xE  }
0x1e2: {  	s21 =	sshll.u32 s19, $0x4  }
0x1e3: {  	s20 =	sand.u32 $0xFFFFF80, s21  }
0x1e4: {  	s20 =	sadd.s32 s3, s20  }
0x1e5: {  	[tilespmem:s9], [sflag:$0x1] =	stream.linear.gather [hbm4b:s20+s2], $0x400, $0x38;
	[tilespmem:$0x16C00] =	vst v63  }
0x1e6: {  	s21 =	spop (v2sf)  }
0x1e7: {  	p0 =	seq.s32 s21, $0x0  }
0x1e8: {  	s19 =	sshll.u32 @!p0 s19, $0x7  }
0x1e9: {  	s19 =	sand.u32 @!p0 $0xFFFFFC00, s19  }
0x1ea: {  	(v2sf) =	vpush v2, $0xF;
	s19 =	sadd.s32 @!p0 $0x400, s19  }
0x1eb: {  	s19 =	sshrl.u32 @!p0 s19, $0x3  }
0x1ec: {  	s20 =	simm.s32 @!p0 $0x0;
	s21 =	simm.s32 @!p0 $0xF200;
	s19 =	sadd.s32 @!p0 s3, s19  }
0x1ed: {  	[tilespmem:s21], [sflag:$0x1] =	stream.linear.gather @!p0 [hbm4b:s19+s20], $0x400, $0x38;
	[tilespmem:$0x16C00] =	vst v63  }
0x1ee: {  	s19 =	spop (v2sf)  }
0x1ef: {  	(v2sf) =	vpush v3, $0xF;
	s21 =	sshll.u32 s19, $0x4  }
0x1f0: {  	s20 =	sand.u32 $0xFFFFF80, s21;
	s21 =	spop (v2sf)  }
0x1f1: {  	s20 =	sadd.s32 s3, s20;
	p0 =	seq.s32 s21, $0x0  }
0x1f2: {  	[tilespmem:s10], [sflag:$0x1] =	stream.linear.gather [hbm4b:s20+s2], $0x400, $0x38;
	[tilespmem:$0x16C00] =	vst v63  }
0x1f3: {  	s19 =	sshll.u32 @!p0 s19, $0x7  }
0x1f4: {  	s19 =	sand.u32 @!p0 $0xFFFFFC00, s19  }
0x1f5: {  	s19 =	sadd.s32 @!p0 $0x400, s19  }
0x1f6: {  	s19 =	sshrl.u32 @!p0 s19, $0x3  }
0x1f7: {  	s20 =	simm.s32 @!p0 $0x0;
	s21 =	simm.s32 @!p0 $0xFA00;
	s19 =	sadd.s32 @!p0 s3, s19  }
0x1f8: {  	[tilespmem:s21], [sflag:$0x1] =	stream.linear.gather @!p0 [hbm4b:s19+s20], $0x400, $0x38;
	[tilespmem:$0x16C00] =	vst v63  }
0x1f9: {  	s19 =	spop (v2sf)  }
0x1fa: {  	s21 =	sshll.u32 s19, $0x4  }
0x1fb: {  	s20 =	sand.u32 $0xFFFFF80, s21  }
0x1fc: {  	s20 =	sadd.s32 s3, s20  }
0x1fd: {  	[tilespmem:s11], [sflag:$0x1] =	stream.linear.gather [hbm4b:s20+s2], $0x400, $0x38;
	[tilespmem:$0x16C00] =	vst v63  }
0x1fe: {  	s21 =	spop (v2sf)  }
0x1ff: {  	p0 =	seq.s32 s21, $0x0  }
0x200: {  	s19 =	sshll.u32 @!p0 s19, $0x7  }
0x201: {  	s19 =	sand.u32 @!p0 $0xFFFFFC00, s19  }
0x202: {  	s19 =	sadd.s32 @!p0 $0x400, s19  }
0x203: {  	s16 =	sadd.s32 s16, s18;
	s19 =	sshrl.u32 @!p0 s19, $0x3  }
0x204: {  	s20 =	simm.s32 @!p0 $0x0;
	s21 =	simm.s32 @!p0 $0x10200;
	s19 =	sadd.s32 @!p0 s3, s19  }
0x205: {  	[tilespmem:s21], [sflag:$0x1] =	stream.linear.gather @!p0 [hbm4b:s19+s20], $0x400, $0x38;
	[tilespmem:$0x16C00] =	vst v63  }
0x206: {  	p0 =	slt.s32 s16, $0x1  }
.Ltmp0:
0x207: {  	_ = 	snop;
	(pc) =	sbr.rel @p0 .LBB2_6-.Ltmp0, $4  }
0x208: {  	_ = 	snop  }
0x209: {  	_ =	swait.ge [sflag:s12], $0x8000  }
0x20a: {  	[sflag:s12] =	ssyncset.done $0x0  }
0x20b: {  	[sflag:s12] =	ssyncadd.s32 $0xFFFF8000  }
0x20c: {  	p0 =	sne.s32 s16, $0x1  }
.Ltmp1:
0x20d: {  	_ = 	snop;
	(pc) =	sbr.rel @!p0 .LBB2_5-.Ltmp1, $3  }
0x20e: {  	_ =	sdelay $0x1  }
0x20f: {  	_ =	swait.ge [sflag:s12], $0x400  }
0x210: {  	s16 =	sadd.s32 $0xFFFFFFFF, s16;
	[sflag:s12] =	ssyncset.done $0x0  }
.LBB2_4:
0x211: {  	p0 =	sne.s32 s16, $0x1;
	s16 =	sadd.s32 $0xFFFFFFFF, s16;
	[sflag:s12] =	ssyncadd.s32 $0xFFFFFC00  }
.Ltmp2:
0x212: {  	(pc) =	sbr.rel @p0 .LBB2_4-.Ltmp2, $3  }
0x213: {  	_ =	sdelay $0x1  }
0x214: {  	_ =	swait.ge [sflag:s12], $0x400  }
0x215: {  	[sflag:s12] =	ssyncset.done $0x0  }
.LBB2_5:
0x216: {  	[sflag:s12] =	ssyncadd.s32 $0xFFFFFC00  }
.LBB2_6:
0x217: {  	v2 =	vld [tilespmem:s15+$0x0];
	_ =	sdelay $0x2  }
0x218: {  	v3 =	vld [tilespmem:s15+$0x200];
	_ =	sdelay $0x1  }
0x219: {  	v2 =	vtrunc.f32 v2  }
0x21a: {  	s16 =	simm.s32 $0x0;
	v4 =	vcvt.f32.s32 v2  }
0x21b: {  	v5 =	vmov s16;
	v2 =	vmul.u32 $0x800, v1  }
0x21c: {  	v3 =	vsub.s32 v4, v3;
	v4 =	vand.u32 $0x7F, v5  }
0x21d: {  	v5 =	vor.u32 $0x80, v2;
	v3 =	vshll.u32 v3, $0x7;
	v7 =	vbroadcast v4, $0x0  }
0x21e: {  	v6 =	vadd.s32 v5, v3  }
0x21f: {  	v4 =	vadd.s32 v2, v3;
	v3 =	vor.u32 v6, v7  }
0x220: {  	v5 =	vor.u32 v4, v7;
	_ =	sdelay $0x3  }
0x221: {  	v8 =	vld.idx.msk [tilespmem:v3+s8+$0x0], $0xffff  }
0x222: {  	s18 =	sadd.s32 $0x0, s15;
	v7 =	vld.idx.msk [tilespmem:v5+s8+$0x0], $0xffff  }
0x223: {  	v3 =	vmov s18;
	v5 =	vor.u32 s15, v1  }
0x224: {  	v9 =	vshrl.u32 v3, $0x7;
	v3 =	vand.u32 $0x6F, v5;
	v5 =	vld [tilespmem:s15+$0x400];
	_ =	sdelay $0x1  }
0x225: {  	s21 =	simm.s32 $0x1  }
0x226: {  	v10 =	vmov s21;
	v9 =	vshll.u32 v9, $0x7;
	v8 =	vsub.f32 v8, v7  }
0x227: {  	v10 =	vand.u32 $0x7F, v10;
	s18 =	simm.s32 $0x2;
	v9 =	vbroadcast v9, $0x0  }
.LBB2_7:
0x228: {  	p0 =	sne.s32 s18, $0x32;
	v10 =	vbroadcast v10, $0x0;
	v8 =	vmul.f32 v8, v5  }
0x229: {  	v9 =	vor.u32 v3, v9  }
0x22a: {  	v11 =	vor.u32 v6, v10;
	v7 =	vadd.f32 v8, v7  }
0x22b: {  	v8 =	vor.u32 v4, v10  }
0x22c: {  	v7 =	vmul.f32 $1.000000000e+03, v7;
	_ =	sdelay $0x1  }
0x22d: {  	[tilespmem:v9+s13+$0x0] =	vst.idx.msk $0xffff, v7  }
0x22e: {  	v9 =	vld.idx.msk [tilespmem:v11+s8+$0x0], $0xffff  }
0x22f: {  	v7 =	vld.idx.msk [tilespmem:v8+s8+$0x0], $0xffff;
	_ =	sdelay $0x1  }
0x230: {  	s16 =	sadd.s32 $0x200, s16  }
.Ltmp3:
0x231: {  	s19 =	sadd.s32 s15, s16;
	(pc) =	sbr.rel @p0 .LBB2_7-.Ltmp3, $4  }
0x232: {  	v8 =	vmov s19  }
0x233: {  	v10 =	vshrl.u32 v8, $0x7  }
0x234: {  	v11 =	vmov s18;
	v8 =	vsub.f32 v9, v7;
	v9 =	vshll.u32 v10, $0x7  }
0x235: {  	s18 =	sadd.s32 $0x1, s18;
	v10 =	vand.u32 $0x7F, v11;
	v9 =	vbroadcast v9, $0x0  }
0x236: {  	v10 =	vbroadcast v10, $0x0;
	v8 =	vmul.f32 v8, v5  }
0x237: {  	v9 =	vor.u32 v3, v9  }
0x238: {  	v6 =	vor.u32 v6, v10;
	v7 =	vadd.f32 v8, v7  }
0x239: {  	v4 =	vor.u32 v4, v10  }
0x23a: {  	v7 =	vmul.f32 $1.000000000e+03, v7;
	_ =	sdelay $0x1  }
0x23b: {  	[tilespmem:v9+s13+$0x0] =	vst.idx.msk $0xffff, v7  }
0x23c: {  	v6 =	vld.idx.msk [tilespmem:v6+s8+$0x0], $0xffff  }
0x23d: {  	v4 =	vld.idx.msk [tilespmem:v4+s8+$0x0], $0xffff  }
0x23e: {  	s16 =	sadd.s32 $0x200, s16  }
0x23f: {  	s15 =	sadd.s32 s15, s16  }
0x240: {  	v7 =	vmov s15  }
0x241: {  	v7 =	vshrl.u32 v7, $0x7  }
0x242: {  	v7 =	vshll.u32 v7, $0x7;
	v6 =	vsub.f32 v6, v4  }
0x243: {  	v7 =	vbroadcast v7, $0x0  }
0x244: {  	v5 =	vmul.f32 v6, v5  }
0x245: {  	v3 =	vor.u32 v3, v7  }
0x246: {  	v4 =	vadd.f32 v5, v4;
	_ =	sdelay $0x1  }
0x247: {  	v4 =	vmul.f32 $1.000000000e+03, v4;
	_ =	sdelay $0x1  }
0x248: {  	[tilespmem:v3+s13+$0x0] =	vst.idx.msk $0xffff, v4  }
0x249: {  	v3 =	vld [tilespmem:s17+$0x0];
	_ =	sdelay $0x2  }
0x24a: {  	v4 =	vld [tilespmem:s17+$0x200];
	_ =	sdelay $0x1  }
0x24b: {  	v3 =	vtrunc.f32 v3  }
0x24c: {  	s15 =	simm.s32 $0x0;
	v3 =	vcvt.f32.s32 v3  }
0x24d: {  	v5 =	vmov s15  }
0x24e: {  	v3 =	vsub.s32 v3, v4;
	v4 =	vand.u32 $0x7F, v5  }
0x24f: {  	v5 =	vor.u32 $0x8080, v2;
	v3 =	vshll.u32 v3, $0x7;
	v4 =	vbroadcast v4, $0x0  }
0x250: {  	v2 =	vor.u32 $0x8000, v2;
	v5 =	vadd.s32 v5, v3  }
0x251: {  	v3 =	vadd.s32 v2, v3;
	v2 =	vor.u32 v5, v4  }
0x252: {  	v4 =	vor.u32 v3, v4;
	_ =	sdelay $0x3  }
0x253: {  	v7 =	vld.idx.msk [tilespmem:v2+s8+$0x0], $0xffff  }
0x254: {  	s20 =	sadd.s32 $0x0, s17;
	v6 =	vld.idx.msk [tilespmem:v4+s8+$0x0], $0xffff  }
0x255: {  	v2 =	vmov s20;
	v4 =	vor.u32 s17, v1  }
0x256: {  	v8 =	vshrl.u32 v2, $0x7;
	v2 =	vand.u32 $0x7F, v4;
	v4 =	vld [tilespmem:s17+$0x400];
	_ =	sdelay $0x1  }
0x257: {  	s21 =	simm.s32 $0x1  }
0x258: {  	v9 =	vmov s21;
	v8 =	vshll.u32 v8, $0x7;
	v7 =	vsub.f32 v7, v6  }
0x259: {  	s16 =	simm.s32 $0x2;
	v9 =	vand.u32 $0x7F, v9;
	v8 =	vbroadcast v8, $0x0  }
.LBB2_9:
0x25a: {  	p0 =	sne.s32 s16, $0x32;
	v9 =	vbroadcast v9, $0x0;
	v7 =	vmul.f32 v7, v4  }
0x25b: {  	v8 =	vor.u32 v2, v8  }
0x25c: {  	v10 =	vor.u32 v5, v9;
	v6 =	vadd.f32 v7, v6  }
0x25d: {  	v7 =	vor.u32 v3, v9  }
0x25e: {  	v6 =	vmul.f32 $1.000000000e+03, v6;
	_ =	sdelay $0x1  }
0x25f: {  	[tilespmem:v8+s13+$0x0] =	vst.idx.msk $0xffff, v6  }
0x260: {  	v8 =	vld.idx.msk [tilespmem:v10+s8+$0x0], $0xffff  }
0x261: {  	v6 =	vld.idx.msk [tilespmem:v7+s8+$0x0], $0xffff;
	_ =	sdelay $0x1  }
0x262: {  	s15 =	sadd.s32 $0x200, s15  }
.Ltmp4:
0x263: {  	s18 =	sadd.s32 s17, s15;
	(pc) =	sbr.rel @p0 .LBB2_9-.Ltmp4, $4  }
0x264: {  	v7 =	vmov s18  }
0x265: {  	v9 =	vshrl.u32 v7, $0x7  }
0x266: {  	v10 =	vmov s16;
	v7 =	vsub.f32 v8, v6;
	v8 =	vshll.u32 v9, $0x7  }
0x267: {  	s16 =	sadd.s32 $0x1, s16;
	v9 =	vand.u32 $0x7F, v10;
	v8 =	vbroadcast v8, $0x0  }
0x268: {  	v9 =	vbroadcast v9, $0x0;
	v7 =	vmul.f32 v7, v4  }
0x269: {  	v8 =	vor.u32 v2, v8  }
0x26a: {  	v5 =	vor.u32 v5, v9;
	v6 =	vadd.f32 v7, v6  }
0x26b: {  	v3 =	vor.u32 v3, v9  }
0x26c: {  	v6 =	vmul.f32 $1.000000000e+03, v6;
	_ =	sdelay $0x1  }
0x26d: {  	[tilespmem:v8+s13+$0x0] =	vst.idx.msk $0xffff, v6  }
0x26e: {  	v5 =	vld.idx.msk [tilespmem:v5+s8+$0x0], $0xffff  }
0x26f: {  	v3 =	vld.idx.msk [tilespmem:v3+s8+$0x0], $0xffff  }
0x270: {  	s15 =	sadd.s32 $0x200, s15  }
0x271: {  	s15 =	sadd.s32 s17, s15  }
0x272: {  	v62 =	vmov s15  }
0x273: {  	v6 =	vshrl.u32 v62, $0x7  }
0x274: {  	v6 =	vshll.u32 v6, $0x7;
	v5 =	vsub.f32 v5, v3  }
0x275: {  	v6 =	vbroadcast v6, $0x0  }
0x276: {  	s14 =	sadd.s32 $0x1, s14;
	v63 =	vmul.f32 v5, v4  }
0x277: {  	p0 =	sne.s32 s14, $0x10;
	v2 =	vor.u32 v2, v6  }
.Ltmp5:
0x278: {  	v3 =	vadd.f32 v63, v3;
	(pc) =	sbr.rel @p0 .LBB2_2-.Ltmp5, $3  }
0x279: {  	_ = 	snop  }
0x27a: {  	v3 =	vmul.f32 $1.000000000e+03, v3;
	_ =	sdelay $0x1  }
0x27b: {  	[tilespmem:v2+s13+$0x0] =	vst.idx.msk $0xffff, v3  }
0x27c: {  	s14 =	rddreg [dreg:$0x5];
	s15 =	simm.s32 $0x2  }
0x27d: {  	[hbm4b:s14+s2] =	stream.linear.scatter [tilespmem:s13], [sflag:$0x2], $0x6600, $0x38;
	[tilespmem:$0x16C00] =	vst v63  }
0x27e: {  	_ =	swait.ge [sflag:s15], $0x6600  }
0x27f: {  	s16 =	rddreg [dreg:$0x7]  }
0x280: {  	s21 =	rddreg [dreg:$0x6];
	s16 =	sadd.s32 $0x1, s16  }
0x281: {  	p0 =	sne.s32 s16, s21  }
.Ltmp6:
0x282: {  	_ = 	snop;
	(pc) =	sbr.rel @p0 .LBB2_1-.Ltmp6, $3  }
0x283: {  	_ =	sdelay $0x1  }
0x284: {  	[sflag:s15] =	ssyncset.done $0x0  }
0x285: {  	[sflag:s15] =	ssyncadd.s32 $0xFFFF9A00  }
0x286: {  	_ =	sfence.sel $0x180000  }
0x287: {  	[bflag:$0x0] =	sbarrier.arrive $0xFFFF  }
0x288: {  	_ =	strace $0x90000047  }
0x289: {  	s0 =	stileid.u32;
	[bflag:$0x2] =	sbarrier.arrive $0xFFFF  }
0x28a: {  	p0 =	sne.s32 s0, $0x0;
	s0 =	rddreg [dreg:$0x3]  }
0x28b: {  	s0 =	sadd.s32 @!p0 $0x100000, s0  }
0x28c: {  	[sflag:s0] =	ssyncadd.tile.s32 @!p0 $0x1;
	_ =	shalt  }
.Lfunc_end2:
_tile_overlayer_lowered:
.L_overlay_start_2:
0x28d: {  	(tag) =	ssettag $0x2  }
0x28e: {  	s0 =	rddreg [dreg:$0x0];
	s2 =	stileid.u32  }
0x28f: {  	s1 =	rddreg [dreg:$0x1];
	p0 =	sne.s32 s2, $0x0  }
0x290: {  	s3 =	rddreg [dreg:$0x2];
	[bflag:$0x3] =	sbarrier.arrive $0xFFFF;
	s2 =	simm.s32 @!p0 $0x1C02  }
0x291: {  	[timem:s3], [sflag:s2] =	dma.local @!p0 [hbm:s0], s1  }
0x292: {  	s0 =	simm.s32 @!p0 $0x2  }
0x293: {  	_ =	swait.ge @!p0 [sflag:s0], s1  }
0x294: {  	s1 =	ssub.s32 @!p0 $0x0, s1;
	[sflag:s0] =	ssyncset.done @!p0 $0x0  }
0x295: {  	[sflag:s0] =	ssyncadd.s32 @!p0 s1  }
0x296: {  	[bflag:$0x3] =	sbarrier.arrive $0xFFFF  }
0x297: {  	_ =	shalt  }

</sc_bundles>
